<compile_context>
chip_gen: v7x
topology: tpu7x:2x2x1
jax: 0.10.2.dev20260603
libtpu: 0.0.44.dev20260713+nightly
codegen_flags: <defaults>
</compile_context>

<pallas_src>
import functools

import jax
import jax.numpy as jnp
from jax import lax
from jax.experimental import pallas as pl
from jax.experimental.pallas import tpu as pltpu
from jax.experimental.pallas import tpu_sc as plsc

_N = 10000
_E = 320000
_D = 128
_NTILES = 32
_SCBLK = 128
_EPT = (2560, 2560, 5120, 5120)
_NBLK = tuple(e // _SCBLK for e in _EPT)
_RELBASE = (0, 81920, 163840, 327680)
_NP = 10112
_RPT = _NP // 16
_TRASH = _N
_T = 1000


def _sc_agg(x, srcs, dsts, zeros):
    mesh = plsc.VectorSubcoreMesh(core_axis_name="c", subcore_axis_name="s")

    @functools.partial(
        pl.kernel,
        out_type=jax.ShapeDtypeStruct((8 * _NP, _D), jnp.float32),
        mesh=mesh,
        scratch_types=[
            pltpu.VMEM_SHARED((_NP, _D), jnp.float32),
            pltpu.VMEM((_SCBLK,), jnp.int32),
            pltpu.VMEM((_SCBLK,), jnp.int32),
            pltpu.VMEM((_SCBLK,), jnp.int32),
            pltpu.VMEM((_SCBLK,), jnp.int32),
            pltpu.VMEM((_SCBLK, _D), jnp.float32),
            pltpu.VMEM((_SCBLK, _D), jnp.float32),
            pltpu.SemaphoreType.DMA,
            pltpu.SemaphoreType.DMA,
            pltpu.SemaphoreType.DMA,
            pltpu.SemaphoreType.DMA,
        ],
    )
    def k(x_hbm, srcs_hbm, dsts_hbm, zeros_hbm, out_hbm,
          acc, isA, isB, idA, idB, rowsA, rowsB,
          semIA, semIB, semGA, semGB):
        cid = lax.axis_index("c")
        sid = lax.axis_index("s")
        wid = cid * 16 + sid
        rowoff = sid * _RPT

        def blkoff(ebase, j):
            return pl.multiple_of(ebase + j * _SCBLK, _SCBLK)

        for r in range(4):
            nblk = _NBLK[r]
            nh = nblk // 2
            ebase = _RELBASE[r] + wid * _EPT[r]
            pltpu.sync_copy(zeros_hbm, acc.at[pl.ds(rowoff, _RPT)])
            plsc.subcore_barrier()

            pltpu.sync_copy(srcs_hbm.at[pl.ds(blkoff(ebase, 0), _SCBLK)], isA)
            pltpu.sync_copy(dsts_hbm.at[pl.ds(blkoff(ebase, 0), _SCBLK)], idA)
            pltpu.async_copy(x_hbm.at[isA], rowsA, semGA)
            pltpu.async_copy(srcs_hbm.at[pl.ds(blkoff(ebase, 1), _SCBLK)],
                             isB, semIB)
            pltpu.async_copy(dsts_hbm.at[pl.ds(blkoff(ebase, 1), _SCBLK)],
                             idB, semIB)

            def body(kk, _, ebase=ebase, nh=nh):
                j = kk * 2
                pltpu.make_async_copy(
                    srcs_hbm.at[pl.ds(blkoff(ebase, j + 1), _SCBLK)],
                    isB, semIB).wait()
                pltpu.make_async_copy(
                    dsts_hbm.at[pl.ds(blkoff(ebase, j + 1), _SCBLK)],
                    idB, semIB).wait()
                pltpu.async_copy(x_hbm.at[isB], rowsB, semGB)
                pltpu.make_async_copy(x_hbm.at[isA], rowsA, semGA).wait()
                pltpu.sync_copy(rowsA, acc.at[idA], add=True)

                @pl.when(kk + 1 < nh)
                def _():
                    pltpu.async_copy(
                        srcs_hbm.at[pl.ds(blkoff(ebase, j + 2), _SCBLK)],
                        isA, semIA)
                    pltpu.async_copy(
                        dsts_hbm.at[pl.ds(blkoff(ebase, j + 2), _SCBLK)],
                        idA, semIA)

                pltpu.make_async_copy(x_hbm.at[isB], rowsB, semGB).wait()
                pltpu.sync_copy(rowsB, acc.at[idB], add=True)

                @pl.when(kk + 1 < nh)
                def _():
                    pltpu.make_async_copy(
                        srcs_hbm.at[pl.ds(blkoff(ebase, j + 2), _SCBLK)],
                        isA, semIA).wait()
                    pltpu.make_async_copy(
                        dsts_hbm.at[pl.ds(blkoff(ebase, j + 2), _SCBLK)],
                        idA, semIA).wait()
                    pltpu.async_copy(x_hbm.at[isA], rowsA, semGA)
                    pltpu.async_copy(
                        srcs_hbm.at[pl.ds(blkoff(ebase, j + 3), _SCBLK)],
                        isB, semIB)
                    pltpu.async_copy(
                        dsts_hbm.at[pl.ds(blkoff(ebase, j + 3), _SCBLK)],
                        idB, semIB)

                return 0

            lax.fori_loop(0, nh, body, 0)
            plsc.subcore_barrier()
            outrow = cid * (4 * _NP) + r * _NP + rowoff
            pltpu.sync_copy(acc.at[pl.ds(rowoff, _RPT)],
                            out_hbm.at[pl.ds(outrow, _RPT)])

    return k(x, srcs, dsts, zeros)


def _tc_body(x_ref, p_ref, cd_ref, W1_ref, W2_ref, b_ref, Wo_ref, ob_ref,
             o_ref):
    cd = cd_ref[...]
    m = [cd == d for d in range(3)]

    def expand(h):
        return jnp.concatenate(
            [jnp.where(m[0], h, 0.0),
             jnp.where(m[1], h, 0.0),
             jnp.where(m[2], h, 0.0)], axis=1)

    def bsel(row0):
        return (jnp.where(m[0], b_ref[row0], 0.0)
                + jnp.where(m[1], b_ref[row0 + 1], 0.0)
                + jnp.where(m[2], b_ref[row0 + 2], 0.0))

    x_t = x_ref[...]
    outs = []
    for r in range(4):
        h = x_t + p_ref[0, r] + p_ref[1, r]
        h1 = jnp.maximum(
            jnp.dot(expand(h), W1_ref[r], preferred_element_type=jnp.float32)
            + bsel(6 * r), 0.0)
        h2 = jnp.maximum(
            jnp.dot(expand(h1), W2_ref[r], preferred_element_type=jnp.float32)
            + bsel(6 * r + 3), 0.0)
        outs.append(h2)
    comb = jnp.concatenate(outs, axis=1)
    e3 = expand(comb)
    oB = (jnp.where(m[0], ob_ref[0], 0.0)
          + jnp.where(m[1], ob_ref[1], 0.0)
          + jnp.where(m[2], ob_ref[2], 0.0))
    o_ref[...] = jnp.maximum(
        jnp.dot(e3, Wo_ref[...], preferred_element_type=jnp.float32) + oB, 0.0)


def _tc_mlp(x, parts, cdcol, W1all, W2all, ball, Wo, ob):
    return pl.pallas_call(
        _tc_body,
        grid=(_N // _T,),
        in_specs=[
            pl.BlockSpec((_T, _D), lambda i: (i, 0)),
            pl.BlockSpec((2, 4, _T, _D), lambda i: (0, 0, i, 0)),
            pl.BlockSpec((_T, 1), lambda i: (i, 0)),
            pl.BlockSpec((4, 3 * _D, _D), lambda i: (0, 0, 0)),
            pl.BlockSpec((4, 3 * _D, _D), lambda i: (0, 0, 0)),
            pl.BlockSpec((24, _D), lambda i: (0, 0)),
            pl.BlockSpec((12 * _D, _D), lambda i: (0, 0)),
            pl.BlockSpec((8, _D), lambda i: (0, 0)),
        ],
        out_specs=pl.BlockSpec((_T, _D), lambda i: (i, 0)),
        out_shape=jax.ShapeDtypeStruct((_N, _D), jnp.float32),
    )(x, parts, cdcol, W1all, W2all, ball, Wo, ob)


def _edge_lists(edge_index, upper_ind, lower_ind):
    src, dst = edge_index[0], edge_index[1]
    s_b, d_b = src[0::4], dst[0::4]
    s_u, d_u = src[1::4], dst[1::4]
    s_l, d_l = src[2::4], dst[2::4]
    s_r, d_r = src[3::4], dst[3::4]
    z2 = jnp.zeros((1920,), jnp.int32)
    z4 = jnp.zeros((3840,), jnp.int32)
    t2 = jnp.full((1920,), _TRASH, jnp.int32)
    t4 = jnp.full((3840,), _TRASH, jnp.int32)
    srcs = jnp.concatenate(
        [s_b, z2, s_r, z2, s_u, upper_ind, z4, s_l, lower_ind, z4])
    dsts = jnp.concatenate(
        [d_b, t2, d_r, t2, d_u, d_u, t4, d_l, d_l, t4])
    return srcs, dsts


def kernel(x, edge_index, edge_type, upper_ind, lower_ind, cell_dimension,
           bnd_W1, bnd_b1, bnd_W2, bnd_b2,
           rw_W1, rw_b1, rw_W2, rw_b2,
           up_W1, up_b1, up_W2, up_b2,
           lo_W1, lo_b1, lo_W2, lo_b2,
           out_W, out_b):
    del edge_type
    srcs, dsts = _edge_lists(edge_index, upper_ind, lower_ind)
    zeros = jnp.zeros((_RPT, _D), jnp.float32)

    parts = _sc_agg(x, srcs, dsts, zeros).reshape(2, 4, _NP, _D)

    W1all = jnp.stack([w.reshape(3 * _D, _D)
                       for w in (bnd_W1, rw_W1, up_W1, lo_W1)])
    W2all = jnp.stack([w.reshape(3 * _D, _D)
                       for w in (bnd_W2, rw_W2, up_W2, lo_W2)])
    ball = jnp.concatenate([jnp.concatenate([b1, b2])
                            for (b1, b2) in ((bnd_b1, bnd_b2), (rw_b1, rw_b2),
                                             (up_b1, up_b2), (lo_b1, lo_b2))])
    Wo = out_W.reshape(12 * _D, _D)
    ob = jnp.pad(out_b, ((0, 5), (0, 0)))
    cdcol = cell_dimension.reshape(_N, 1)
    return _tc_mlp(x, parts, cdcol, W1all, W2all, ball, Wo, ob)

# --- scband reference (transcript-rebuilt; emitter-appended) ---
"""Pipeline reference for scband-cinpp-conv-2688649527600 (READ-ONLY COPY).

The authoritative reference and input builder live on the scoring server;
editing this copy changes nothing except your own understanding.
"""

import jax, jax.numpy as jnp
import numpy as np

N = 10000
E = 320000
D = 128
H = 128
O = 128
NDIM = 3
EPS = 0.0
BOUNDARY, UPPER, LOWER, REWIRE = 0, 1, 2, 3


def _mlp(x, W1, b1, W2, b2):
    h = jax.nn.relu(x @ W1 + b1)
    return jax.nn.relu(h @ W2 + b2)


def _multidim_mlp(x, cd, W1, b1, W2, b2):
    out = jnp.zeros((x.shape[0], W2.shape[-1]), dtype=x.dtype)
    for d in range(NDIM):
        y = _mlp(x, W1[d], b1[d], W2[d], b2[d])
        out = out + jnp.where((cd == d)[:, None], y, 0.0)
    return out


def _multidim_linear(x, cd, W, b):
    out = jnp.zeros((x.shape[0], W.shape[-1]), dtype=x.dtype)
    for d in range(NDIM):
        y = x @ W[d] + b[d]
        out = out + jnp.where((cd == d)[:, None], y, 0.0)
    return out


def _gin(x, ei, mask, eps):
    src, dst = ei[0], ei[1]
    contrib = jnp.where(mask[:, None], x[src], 0.0)
    agg = jnp.zeros_like(x).at[dst].add(contrib)
    return (1.0 + eps) * x + agg


def _updown(x, ei, mask, shared, eps):
    src, dst = ei[0], ei[1]
    pos = jnp.clip(jnp.cumsum(mask) - 1, 0, shared.shape[0] - 1)
    msg = x[src] + x[shared[pos]]
    contrib = jnp.where(mask[:, None], msg, 0.0)
    agg = jnp.zeros_like(x).at[dst].add(contrib)
    return (1.0 + eps) * x + agg


def setup_inputs(seed: int = 0) -> dict:
    key = jax.random.key(seed)
    ks = jax.random.split(key, 32)
    x = jax.random.normal(ks[0], (N, D), dtype=jnp.float32)
    edge_index = jax.random.randint(ks[1], (2, E), 0, N, dtype=jnp.int32)
    edge_type = (jnp.arange(E, dtype=jnp.int32) % 4)
    upper_ind = jax.random.randint(ks[2], (E // 4,), 0, N, dtype=jnp.int32)
    lower_ind = jax.random.randint(ks[3], (E // 4,), 0, N, dtype=jnp.int32)
    cell_dimension = jax.random.randint(ks[4], (N,), 0, NDIM, dtype=jnp.int32)
    s1 = 1.0 / np.sqrt(D)
    s2 = 1.0 / np.sqrt(H)
    s3 = 1.0 / np.sqrt(4 * H)
    inp = dict(x=x, edge_index=edge_index, edge_type=edge_type,
               upper_ind=upper_ind, lower_ind=lower_ind, cell_dimension=cell_dimension)
    i = 5
    for nm in ["bnd", "rw", "up", "lo"]:
        inp[nm + "_W1"] = jax.random.normal(ks[i], (NDIM, D, H), dtype=jnp.float32) * s1; i += 1
        inp[nm + "_b1"] = jnp.zeros((NDIM, H), dtype=jnp.float32)
        inp[nm + "_W2"] = jax.random.normal(ks[i], (NDIM, H, H), dtype=jnp.float32) * s2; i += 1
        inp[nm + "_b2"] = jnp.zeros((NDIM, H), dtype=jnp.float32)
    inp["out_W"] = jax.random.normal(ks[i], (NDIM, 4 * H, O), dtype=jnp.float32) * s3
    inp["out_b"] = jnp.zeros((NDIM, O), dtype=jnp.float32)
    return inp


def reference(x, edge_index, edge_type, upper_ind, lower_ind, cell_dimension,
              bnd_W1, bnd_b1, bnd_W2, bnd_b2,
              rw_W1, rw_b1, rw_W2, rw_b2,
              up_W1, up_b1, up_W2, up_b2,
              lo_W1, lo_b1, lo_W2, lo_b2,
              out_W, out_b):
    cd = cell_dimension
    be_mask = edge_type == BOUNDARY
    boundary = _multidim_mlp(_gin(x, edge_index, be_mask, EPS), cd, bnd_W1, bnd_b1, bnd_W2, bnd_b2)
    rwe_mask = edge_type == REWIRE
    rewire = _multidim_mlp(_gin(x, edge_index, rwe_mask, EPS), cd, rw_W1, rw_b1, rw_W2, rw_b2)
    ue_mask = edge_type == UPPER
    upper = _multidim_mlp(_updown(x, edge_index, ue_mask, upper_ind, EPS), cd, up_W1, up_b1, up_W2, up_b2)
    le_mask = edge_type == LOWER
    lower = _multidim_mlp(_updown(x, edge_index, le_mask, lower_ind, EPS), cd, lo_W1, lo_b1, lo_W2, lo_b2)
    comb = jnp.concatenate([boundary, rewire, upper, lower], axis=-1)
    out = _multidim_linear(comb, cd, out_W, out_b)
    return jax.nn.relu(out)

if __name__ == "__main__":
    import jax
    _d = setup_inputs()
    print(jax.jit(kernel)(*tuple(_d.values())))

</pallas_src>

<mosaic_0001>
#map = affine_map<(d0, d1) -> (0, 0)>
#map1 = affine_map<(d0, d1) -> (0)>
module attributes {stable_mosaic.version = 14 : i64} {
  func.func @k(%arg0: i32, %arg1: i32, %arg2: memref<10000x128xf32, #tpu.memory_space<hbm>>, %arg3: memref<491520xi32, #tpu.memory_space<hbm>>, %arg4: memref<491520xi32, #tpu.memory_space<hbm>>, %arg5: memref<632x128xf32, #tpu.memory_space<hbm>>, %arg6: memref<80896x128xf32, #tpu.memory_space<hbm>>, %arg7: memref<10112x128xf32, #tpu.memory_space<vmem_shared>>, %arg8: memref<128xi32, #tpu.memory_space<vmem>>, %arg9: memref<128xi32, #tpu.memory_space<vmem>>, %arg10: memref<128xi32, #tpu.memory_space<vmem>>, %arg11: memref<128xi32, #tpu.memory_space<vmem>>, %arg12: memref<128x128xf32, #tpu.memory_space<vmem>>, %arg13: memref<128x128xf32, #tpu.memory_space<vmem>>, %arg14: memref<!tpu.dma_semaphore, #tpu.memory_space<semaphore_mem>>, %arg15: memref<!tpu.dma_semaphore, #tpu.memory_space<semaphore_mem>>, %arg16: memref<!tpu.dma_semaphore, #tpu.memory_space<semaphore_mem>>, %arg17: memref<!tpu.dma_semaphore, #tpu.memory_space<semaphore_mem>>) attributes {dimension_semantics = [#tpu.dimension_semantics<core_parallel>, #tpu.dimension_semantics<subcore_parallel>], iteration_bounds = array<i64: 2, 16>, scalar_prefetch = 0 : i64, scratch_operands = 11 : i64, tpu.core_type = #tpu.core_type<sc_vector_subcore>, window_params = [{transform_indices = #map}, {transform_indices = #map1}, {transform_indices = #map1}, {transform_indices = #map}, {transform_indices = #map}]} {
    %mul3A = arith.constant 16 : i32
    %mul3A_0 = arith.muli %arg0, %mul3A : i32
    %add3A = arith.addi %mul3A_0, %arg1 : i32
    %mul3A_1 = arith.constant 632 : i32
    %mul3A_2 = arith.muli %arg1, %mul3A_1 : i32
    %mul3A_3 = arith.constant 2560 : i32
    %mul3A_4 = arith.muli %add3A, %mul3A_3 : i32
    %add3A_5 = arith.constant 0 : i32
    %add3A_6 = arith.addi %add3A_5, %mul3A_4 : i32
    "tpu.region"() ({
      %run_scoped3A = tpu.sem_alloc : memref<!tpu.dma_semaphore, #tpu.memory_space<semaphore_mem>>
      %dma_start3A_147 = arith.constant 0 : i32
      %dma_start3A_148 = tpu.memref_slice %arg7[%mul3A_2, %dma_start3A_147] : memref<10112x128xf32, #tpu.memory_space<vmem_shared>> -> memref<632x128xf32, #tpu.memory_space<vmem_shared>>
      tpu.enqueue_dma source(%arg5 : memref<632x128xf32, #tpu.memory_space<hbm>>) target(%dma_start3A_148 : memref<632x128xf32, #tpu.memory_space<vmem_shared>>) target_semaphore(%run_scoped3A : memref<!tpu.dma_semaphore, #tpu.memory_space<semaphore_mem>>)
      %dma_wait3A = arith.constant 0 : i32
      %dma_wait3A_149 = tpu.memref_slice %arg7[%mul3A_2, %dma_wait3A] : memref<10112x128xf32, #tpu.memory_space<vmem_shared>> -> memref<632x128xf32, #tpu.memory_space<vmem_shared>>
      tpu.wait_dma2 semaphore(%run_scoped3A : memref<!tpu.dma_semaphore, #tpu.memory_space<semaphore_mem>>) src(%arg5 : memref<632x128xf32, #tpu.memory_space<hbm>>) dst(%dma_wait3A_149 : memref<632x128xf32, #tpu.memory_space<vmem_shared>>)
      tpu.yield
    }) : () -> ()
    %barrier3A = arith.constant 0 : index
    tpu.barrier barrier_id(%barrier3A)
    %add3A_7 = arith.constant 0 : i32
    %add3A_8 = arith.addi %add3A_6, %add3A_7 : i32
    %multiple_of3A = tpu.assume_multiple %add3A_8, 128 : i32
    "tpu.region"() ({
      %run_scoped3A = tpu.sem_alloc : memref<!tpu.dma_semaphore, #tpu.memory_space<semaphore_mem>>
      %dma_start3A_147 = tpu.memref_slice %arg3[%multiple_of3A] : memref<491520xi32, #tpu.memory_space<hbm>> -> memref<128xi32, #tpu.memory_space<hbm>>
      %dma_start3A_148 = tpu.memref_slice %arg3[%multiple_of3A] : memref<491520xi32, #tpu.memory_space<hbm>> -> memref<128xi32, #tpu.memory_space<hbm>>
      tpu.enqueue_dma source(%dma_start3A_148 : memref<128xi32, #tpu.memory_space<hbm>>) target(%arg8 : memref<128xi32, #tpu.memory_space<vmem>>) target_semaphore(%run_scoped3A : memref<!tpu.dma_semaphore, #tpu.memory_space<semaphore_mem>>)
      %dma_wait3A = tpu.memref_slice %arg3[%multiple_of3A] : memref<491520xi32, #tpu.memory_space<hbm>> -> memref<128xi32, #tpu.memory_space<hbm>>
      %dma_wait3A_149 = tpu.memref_slice %arg3[%multiple_of3A] : memref<491520xi32, #tpu.memory_space<hbm>> -> memref<128xi32, #tpu.memory_space<hbm>>
      tpu.wait_dma2 semaphore(%run_scoped3A : memref<!tpu.dma_semaphore, #tpu.memory_space<semaphore_mem>>) src(%dma_wait3A_149 : memref<128xi32, #tpu.memory_space<hbm>>) dst(%arg8 : memref<128xi32, #tpu.memory_space<vmem>>)
      tpu.yield
    }) : () -> ()
    %add3A_9 = arith.constant 0 : i32
    %add3A_10 = arith.addi %add3A_6, %add3A_9 : i32
    %multiple_of3A_11 = tpu.assume_multiple %add3A_10, 128 : i32
    "tpu.region"() ({
      %run_scoped3A = tpu.sem_alloc : memref<!tpu.dma_semaphore, #tpu.memory_space<semaphore_mem>>
      %dma_start3A_147 = tpu.memref_slice %arg4[%multiple_of3A_11] : memref<491520xi32, #tpu.memory_space<hbm>> -> memref<128xi32, #tpu.memory_space<hbm>>
      %dma_start3A_148 = tpu.memref_slice %arg4[%multiple_of3A_11] : memref<491520xi32, #tpu.memory_space<hbm>> -> memref<128xi32, #tpu.memory_space<hbm>>
      tpu.enqueue_dma source(%dma_start3A_148 : memref<128xi32, #tpu.memory_space<hbm>>) target(%arg10 : memref<128xi32, #tpu.memory_space<vmem>>) target_semaphore(%run_scoped3A : memref<!tpu.dma_semaphore, #tpu.memory_space<semaphore_mem>>)
      %dma_wait3A = tpu.memref_slice %arg4[%multiple_of3A_11] : memref<491520xi32, #tpu.memory_space<hbm>> -> memref<128xi32, #tpu.memory_space<hbm>>
      %dma_wait3A_149 = tpu.memref_slice %arg4[%multiple_of3A_11] : memref<491520xi32, #tpu.memory_space<hbm>> -> memref<128xi32, #tpu.memory_space<hbm>>
      tpu.wait_dma2 semaphore(%run_scoped3A : memref<!tpu.dma_semaphore, #tpu.memory_space<semaphore_mem>>) src(%dma_wait3A_149 : memref<128xi32, #tpu.memory_space<hbm>>) dst(%arg10 : memref<128xi32, #tpu.memory_space<vmem>>)
      tpu.yield
    }) : () -> ()
    %dma_start3A = arith.constant 0 : i32
    %dma_start3A_12 = arith.constant 0 : i32
    %dma_start3A_13 = tpu.memref_slice %arg2[%dma_start3A, %dma_start3A_12] : memref<10000x128xf32, #tpu.memory_space<hbm>> -> memref<10000x128xf32, #tpu.memory_space<hbm>>
    tpu.enqueue_indirect_dma source(%dma_start3A_13 : memref<10000x128xf32, #tpu.memory_space<hbm>>) target(%arg12 : memref<128x128xf32, #tpu.memory_space<vmem>>) offsets(%arg8 : memref<128xi32, #tpu.memory_space<vmem>>) semaphore(%arg16 : memref<!tpu.dma_semaphore, #tpu.memory_space<semaphore_mem>>)
    %add3A_14 = arith.constant 128 : i32
    %add3A_15 = arith.addi %add3A_6, %add3A_14 : i32
    %multiple_of3A_16 = tpu.assume_multiple %add3A_15, 128 : i32
    %dma_start3A_17 = tpu.memref_slice %arg3[%multiple_of3A_16] : memref<491520xi32, #tpu.memory_space<hbm>> -> memref<128xi32, #tpu.memory_space<hbm>>
    %dma_start3A_18 = tpu.memref_slice %arg3[%multiple_of3A_16] : memref<491520xi32, #tpu.memory_space<hbm>> -> memref<128xi32, #tpu.memory_space<hbm>>
    tpu.enqueue_dma source(%dma_start3A_18 : memref<128xi32, #tpu.memory_space<hbm>>) target(%arg9 : memref<128xi32, #tpu.memory_space<vmem>>) target_semaphore(%arg15 : memref<!tpu.dma_semaphore, #tpu.memory_space<semaphore_mem>>)
    %add3A_19 = arith.constant 128 : i32
    %add3A_20 = arith.addi %add3A_6, %add3A_19 : i32
    %multiple_of3A_21 = tpu.assume_multiple %add3A_20, 128 : i32
    %dma_start3A_22 = tpu.memref_slice %arg4[%multiple_of3A_21] : memref<491520xi32, #tpu.memory_space<hbm>> -> memref<128xi32, #tpu.memory_space<hbm>>
    %dma_start3A_23 = tpu.memref_slice %arg4[%multiple_of3A_21] : memref<491520xi32, #tpu.memory_space<hbm>> -> memref<128xi32, #tpu.memory_space<hbm>>
    tpu.enqueue_dma source(%dma_start3A_23 : memref<128xi32, #tpu.memory_space<hbm>>) target(%arg11 : memref<128xi32, #tpu.memory_space<vmem>>) target_semaphore(%arg15 : memref<!tpu.dma_semaphore, #tpu.memory_space<semaphore_mem>>)
    %scan3A = arith.constant 0 : i32
    %scan3A_24 = arith.constant 0 : i32
    %scan3A_25 = arith.constant 10 : i32
    %scan3A_26 = arith.addi %scan3A_24, %scan3A_25 : i32
    %scan3A_27 = arith.constant 1 : i32
    %scan3A_28 = scf.for %scan3A_147 = %scan3A_24 to %scan3A_26 step %scan3A_27 iter_args(%scan3A_148 = %scan3A) -> (i32)  : i32 {
      %mul3A_149 = arith.constant 2 : i32
      %mul3A_150 = arith.muli %scan3A_147, %mul3A_149 : i32
      %add3A_151 = arith.constant 1 : i32
      %add3A_152 = arith.addi %mul3A_150, %add3A_151 : i32
      %mul3A_153 = arith.constant 128 : i32
      %mul3A_154 = arith.muli %add3A_152, %mul3A_153 : i32
      %add3A_155 = arith.addi %add3A_6, %mul3A_154 : i32
      %multiple_of3A_156 = tpu.assume_multiple %add3A_155, 128 : i32
      %dma_wait3A = tpu.memref_slice %arg3[%multiple_of3A_156] : memref<491520xi32, #tpu.memory_space<hbm>> -> memref<128xi32, #tpu.memory_space<hbm>>
      %dma_wait3A_157 = tpu.memref_slice %arg3[%multiple_of3A_156] : memref<491520xi32, #tpu.memory_space<hbm>> -> memref<128xi32, #tpu.memory_space<hbm>>
      tpu.wait_dma2 semaphore(%arg15 : memref<!tpu.dma_semaphore, #tpu.memory_space<semaphore_mem>>) src(%dma_wait3A_157 : memref<128xi32, #tpu.memory_space<hbm>>) dst(%arg9 : memref<128xi32, #tpu.memory_space<vmem>>)
      %add3A_158 = arith.constant 1 : i32
      %add3A_159 = arith.addi %mul3A_150, %add3A_158 : i32
      %mul3A_160 = arith.constant 128 : i32
      %mul3A_161 = arith.muli %add3A_159, %mul3A_160 : i32
      %add3A_162 = arith.addi %add3A_6, %mul3A_161 : i32
      %multiple_of3A_163 = tpu.assume_multiple %add3A_162, 128 : i32
      %dma_wait3A_164 = tpu.memref_slice %arg4[%multiple_of3A_163] : memref<491520xi32, #tpu.memory_space<hbm>> -> memref<128xi32, #tpu.memory_space<hbm>>
      %dma_wait3A_165 = tpu.memref_slice %arg4[%multiple_of3A_163] : memref<491520xi32, #tpu.memory_space<hbm>> -> memref<128xi32, #tpu.memory_space<hbm>>
      tpu.wait_dma2 semaphore(%arg15 : memref<!tpu.dma_semaphore, #tpu.memory_space<semaphore_mem>>) src(%dma_wait3A_165 : memref<128xi32, #tpu.memory_space<hbm>>) dst(%arg11 : memref<128xi32, #tpu.memory_space<vmem>>)
      %dma_start3A_166 = arith.constant 0 : i32
      %dma_start3A_167 = arith.constant 0 : i32
      %dma_start3A_168 = tpu.memref_slice %arg2[%dma_start3A_166, %dma_start3A_167] : memref<10000x128xf32, #tpu.memory_space<hbm>> -> memref<10000x128xf32, #tpu.memory_space<hbm>>
      tpu.enqueue_indirect_dma source(%dma_start3A_168 : memref<10000x128xf32, #tpu.memory_space<hbm>>) target(%arg13 : memref<128x128xf32, #tpu.memory_space<vmem>>) offsets(%arg9 : memref<128xi32, #tpu.memory_space<vmem>>) semaphore(%arg17 : memref<!tpu.dma_semaphore, #tpu.memory_space<semaphore_mem>>)
      %dma_wait3A_169 = arith.constant 0 : i32
      %dma_wait3A_170 = arith.constant 0 : i32
      %dma_wait3A_171 = tpu.memref_slice %arg2[%dma_wait3A_169, %dma_wait3A_170] : memref<10000x128xf32, #tpu.memory_space<hbm>> -> memref<10000x128xf32, #tpu.memory_space<hbm>>
      tpu.wait_indirect_dma semaphore(%arg16 : memref<!tpu.dma_semaphore, #tpu.memory_space<semaphore_mem>>) src(%dma_wait3A_171 : memref<10000x128xf32, #tpu.memory_space<hbm>>) dst(%arg12 : memref<128x128xf32, #tpu.memory_space<vmem>>)
      "tpu.region"() ({
        %run_scoped3A = tpu.sem_alloc : memref<!tpu.dma_semaphore, #tpu.memory_space<semaphore_mem>>
        %dma_start3A_187 = arith.constant 0 : i32
        %dma_start3A_188 = arith.constant 0 : i32
        %dma_start3A_189 = tpu.memref_slice %arg7[%dma_start3A_187, %dma_start3A_188] : memref<10112x128xf32, #tpu.memory_space<vmem_shared>> -> memref<10112x128xf32, #tpu.memory_space<vmem_shared>>
        tpu.enqueue_indirect_dma source(%arg12 : memref<128x128xf32, #tpu.memory_space<vmem>>) target(%dma_start3A_189 : memref<10112x128xf32, #tpu.memory_space<vmem_shared>>) offsets(%arg10 : memref<128xi32, #tpu.memory_space<vmem>>) semaphore(%run_scoped3A : memref<!tpu.dma_semaphore, #tpu.memory_space<semaphore_mem>>) {add = true}
        %dma_wait3A_190 = arith.constant 0 : i32
        %dma_wait3A_191 = arith.constant 0 : i32
        %dma_wait3A_192 = tpu.memref_slice %arg7[%dma_wait3A_190, %dma_wait3A_191] : memref<10112x128xf32, #tpu.memory_space<vmem_shared>> -> memref<10112x128xf32, #tpu.memory_space<vmem_shared>>
        tpu.wait_indirect_dma semaphore(%run_scoped3A : memref<!tpu.dma_semaphore, #tpu.memory_space<semaphore_mem>>) src(%arg12 : memref<128x128xf32, #tpu.memory_space<vmem>>) dst(%dma_wait3A_192 : memref<10112x128xf32, #tpu.memory_space<vmem_shared>>)
        tpu.yield
      }) : () -> ()
      %add3A_172 = arith.constant 1 : i32
      %add3A_173 = arith.addi %scan3A_147, %add3A_172 : i32
      %lt3A = arith.constant 10 : i32
      %lt3A_174 = arith.cmpi slt, %add3A_173, %lt3A : i32
      %convert_element_type3A = arith.extui %lt3A_174 : i1 to i32
      %cond3A = arith.constant 0 : i32
      %cond3A_175 = arith.cmpi ne, %convert_element_type3A, %cond3A : i32
      scf.if %cond3A_175 {
        %add3A_187 = arith.constant 2 : i32
        %add3A_188 = arith.addi %mul3A_150, %add3A_187 : i32
        %mul3A_189 = arith.constant 128 : i32
        %mul3A_190 = arith.muli %add3A_188, %mul3A_189 : i32
        %add3A_191 = arith.addi %add3A_6, %mul3A_190 : i32
        %multiple_of3A_192 = tpu.assume_multiple %add3A_191, 128 : i32
        %dma_start3A_193 = tpu.memref_slice %arg3[%multiple_of3A_192] : memref<491520xi32, #tpu.memory_space<hbm>> -> memref<128xi32, #tpu.memory_space<hbm>>
        %dma_start3A_194 = tpu.memref_slice %arg3[%multiple_of3A_192] : memref<491520xi32, #tpu.memory_space<hbm>> -> memref<128xi32, #tpu.memory_space<hbm>>
        tpu.enqueue_dma source(%dma_start3A_194 : memref<128xi32, #tpu.memory_space<hbm>>) target(%arg8 : memref<128xi32, #tpu.memory_space<vmem>>) target_semaphore(%arg14 : memref<!tpu.dma_semaphore, #tpu.memory_space<semaphore_mem>>)
        %add3A_195 = arith.constant 2 : i32
        %add3A_196 = arith.addi %mul3A_150, %add3A_195 : i32
        %mul3A_197 = arith.constant 128 : i32
        %mul3A_198 = arith.muli %add3A_196, %mul3A_197 : i32
        %add3A_199 = arith.addi %add3A_6, %mul3A_198 : i32
        %multiple_of3A_200 = tpu.assume_multiple %add3A_199, 128 : i32
        %dma_start3A_201 = tpu.memref_slice %arg4[%multiple_of3A_200] : memref<491520xi32, #tpu.memory_space<hbm>> -> memref<128xi32, #tpu.memory_space<hbm>>
        %dma_start3A_202 = tpu.memref_slice %arg4[%multiple_of3A_200] : memref<491520xi32, #tpu.memory_space<hbm>> -> memref<128xi32, #tpu.memory_space<hbm>>
        tpu.enqueue_dma source(%dma_start3A_202 : memref<128xi32, #tpu.memory_space<hbm>>) target(%arg10 : memref<128xi32, #tpu.memory_space<vmem>>) target_semaphore(%arg14 : memref<!tpu.dma_semaphore, #tpu.memory_space<semaphore_mem>>)
      } else {
      }
      %dma_wait3A_176 = arith.constant 0 : i32
      %dma_wait3A_177 = arith.constant 0 : i32
      %dma_wait3A_178 = tpu.memref_slice %arg2[%dma_wait3A_176, %dma_wait3A_177] : memref<10000x128xf32, #tpu.memory_space<hbm>> -> memref<10000x128xf32, #tpu.memory_space<hbm>>
      tpu.wait_indirect_dma semaphore(%arg17 : memref<!tpu.dma_semaphore, #tpu.memory_space<semaphore_mem>>) src(%dma_wait3A_178 : memref<10000x128xf32, #tpu.memory_space<hbm>>) dst(%arg13 : memref<128x128xf32, #tpu.memory_space<vmem>>)
      "tpu.region"() ({
        %run_scoped3A = tpu.sem_alloc : memref<!tpu.dma_semaphore, #tpu.memory_space<semaphore_mem>>
        %dma_start3A_187 = arith.constant 0 : i32
        %dma_start3A_188 = arith.constant 0 : i32
        %dma_start3A_189 = tpu.memref_slice %arg7[%dma_start3A_187, %dma_start3A_188] : memref<10112x128xf32, #tpu.memory_space<vmem_shared>> -> memref<10112x128xf32, #tpu.memory_space<vmem_shared>>
        tpu.enqueue_indirect_dma source(%arg13 : memref<128x128xf32, #tpu.memory_space<vmem>>) target(%dma_start3A_189 : memref<10112x128xf32, #tpu.memory_space<vmem_shared>>) offsets(%arg11 : memref<128xi32, #tpu.memory_space<vmem>>) semaphore(%run_scoped3A : memref<!tpu.dma_semaphore, #tpu.memory_space<semaphore_mem>>) {add = true}
        %dma_wait3A_190 = arith.constant 0 : i32
        %dma_wait3A_191 = arith.constant 0 : i32
        %dma_wait3A_192 = tpu.memref_slice %arg7[%dma_wait3A_190, %dma_wait3A_191] : memref<10112x128xf32, #tpu.memory_space<vmem_shared>> -> memref<10112x128xf32, #tpu.memory_space<vmem_shared>>
        tpu.wait_indirect_dma semaphore(%run_scoped3A : memref<!tpu.dma_semaphore, #tpu.memory_space<semaphore_mem>>) src(%arg13 : memref<128x128xf32, #tpu.memory_space<vmem>>) dst(%dma_wait3A_192 : memref<10112x128xf32, #tpu.memory_space<vmem_shared>>)
        tpu.yield
      }) : () -> ()
      %add3A_179 = arith.constant 1 : i32
      %add3A_180 = arith.addi %scan3A_147, %add3A_179 : i32
      %lt3A_181 = arith.constant 10 : i32
      %lt3A_182 = arith.cmpi slt, %add3A_180, %lt3A_181 : i32
      %convert_element_type3A_183 = arith.extui %lt3A_182 : i1 to i32
      %cond3A_184 = arith.constant 0 : i32
      %cond3A_185 = arith.cmpi ne, %convert_element_type3A_183, %cond3A_184 : i32
      scf.if %cond3A_185 {
        %add3A_187 = arith.constant 2 : i32
        %add3A_188 = arith.addi %mul3A_150, %add3A_187 : i32
        %mul3A_189 = arith.constant 128 : i32
        %mul3A_190 = arith.muli %add3A_188, %mul3A_189 : i32
        %add3A_191 = arith.addi %add3A_6, %mul3A_190 : i32
        %multiple_of3A_192 = tpu.assume_multiple %add3A_191, 128 : i32
        %dma_wait3A_193 = tpu.memref_slice %arg3[%multiple_of3A_192] : memref<491520xi32, #tpu.memory_space<hbm>> -> memref<128xi32, #tpu.memory_space<hbm>>
        %dma_wait3A_194 = tpu.memref_slice %arg3[%multiple_of3A_192] : memref<491520xi32, #tpu.memory_space<hbm>> -> memref<128xi32, #tpu.memory_space<hbm>>
        tpu.wait_dma2 semaphore(%arg14 : memref<!tpu.dma_semaphore, #tpu.memory_space<semaphore_mem>>) src(%dma_wait3A_194 : memref<128xi32, #tpu.memory_space<hbm>>) dst(%arg8 : memref<128xi32, #tpu.memory_space<vmem>>)
        %add3A_195 = arith.constant 2 : i32
        %add3A_196 = arith.addi %mul3A_150, %add3A_195 : i32
        %mul3A_197 = arith.constant 128 : i32
        %mul3A_198 = arith.muli %add3A_196, %mul3A_197 : i32
        %add3A_199 = arith.addi %add3A_6, %mul3A_198 : i32
        %multiple_of3A_200 = tpu.assume_multiple %add3A_199, 128 : i32
        %dma_wait3A_201 = tpu.memref_slice %arg4[%multiple_of3A_200] : memref<491520xi32, #tpu.memory_space<hbm>> -> memref<128xi32, #tpu.memory_space<hbm>>
        %dma_wait3A_202 = tpu.memref_slice %arg4[%multiple_of3A_200] : memref<491520xi32, #tpu.memory_space<hbm>> -> memref<128xi32, #tpu.memory_space<hbm>>
        tpu.wait_dma2 semaphore(%arg14 : memref<!tpu.dma_semaphore, #tpu.memory_space<semaphore_mem>>) src(%dma_wait3A_202 : memref<128xi32, #tpu.memory_space<hbm>>) dst(%arg10 : memref<128xi32, #tpu.memory_space<vmem>>)
        %dma_start3A_203 = arith.constant 0 : i32
        %dma_start3A_204 = arith.constant 0 : i32
        %dma_start3A_205 = tpu.memref_slice %arg2[%dma_start3A_203, %dma_start3A_204] : memref<10000x128xf32, #tpu.memory_space<hbm>> -> memref<10000x128xf32, #tpu.memory_space<hbm>>
        tpu.enqueue_indirect_dma source(%dma_start3A_205 : memref<10000x128xf32, #tpu.memory_space<hbm>>) target(%arg12 : memref<128x128xf32, #tpu.memory_space<vmem>>) offsets(%arg8 : memref<128xi32, #tpu.memory_space<vmem>>) semaphore(%arg16 : memref<!tpu.dma_semaphore, #tpu.memory_space<semaphore_mem>>)
        %add3A_206 = arith.constant 3 : i32
        %add3A_207 = arith.addi %mul3A_150, %add3A_206 : i32
        %mul3A_208 = arith.constant 128 : i32
        %mul3A_209 = arith.muli %add3A_207, %mul3A_208 : i32
        %add3A_210 = arith.addi %add3A_6, %mul3A_209 : i32
        %multiple_of3A_211 = tpu.assume_multiple %add3A_210, 128 : i32
        %dma_start3A_212 = tpu.memref_slice %arg3[%multiple_of3A_211] : memref<491520xi32, #tpu.memory_space<hbm>> -> memref<128xi32, #tpu.memory_space<hbm>>
        %dma_start3A_213 = tpu.memref_slice %arg3[%multiple_of3A_211] : memref<491520xi32, #tpu.memory_space<hbm>> -> memref<128xi32, #tpu.memory_space<hbm>>
        tpu.enqueue_dma source(%dma_start3A_213 : memref<128xi32, #tpu.memory_space<hbm>>) target(%arg9 : memref<128xi32, #tpu.memory_space<vmem>>) target_semaphore(%arg15 : memref<!tpu.dma_semaphore, #tpu.memory_space<semaphore_mem>>)
        %add3A_214 = arith.constant 3 : i32
        %add3A_215 = arith.addi %mul3A_150, %add3A_214 : i32
        %mul3A_216 = arith.constant 128 : i32
        %mul3A_217 = arith.muli %add3A_215, %mul3A_216 : i32
        %add3A_218 = arith.addi %add3A_6, %mul3A_217 : i32
        %multiple_of3A_219 = tpu.assume_multiple %add3A_218, 128 : i32
        %dma_start3A_220 = tpu.memref_slice %arg4[%multiple_of3A_219] : memref<491520xi32, #tpu.memory_space<hbm>> -> memref<128xi32, #tpu.memory_space<hbm>>
        %dma_start3A_221 = tpu.memref_slice %arg4[%multiple_of3A_219] : memref<491520xi32, #tpu.memory_space<hbm>> -> memref<128xi32, #tpu.memory_space<hbm>>
        tpu.enqueue_dma source(%dma_start3A_221 : memref<128xi32, #tpu.memory_space<hbm>>) target(%arg11 : memref<128xi32, #tpu.memory_space<vmem>>) target_semaphore(%arg15 : memref<!tpu.dma_semaphore, #tpu.memory_space<semaphore_mem>>)
      } else {
      }
      %scan3A_186 = arith.constant 0 : i32
      scf.yield %scan3A_186 : i32
    }
    %scan3A_29 = arith.constant 10 : i32
    %barrier3A_30 = arith.constant 0 : index
    tpu.barrier barrier_id(%barrier3A_30)
    %mul3A_31 = arith.constant 40448 : i32
    %mul3A_32 = arith.muli %arg0, %mul3A_31 : i32
    %add3A_33 = arith.constant 0 : i32
    %add3A_34 = arith.addi %mul3A_32, %add3A_33 : i32
    %add3A_35 = arith.addi %add3A_34, %mul3A_2 : i32
    "tpu.region"() ({
      %run_scoped3A = tpu.sem_alloc : memref<!tpu.dma_semaphore, #tpu.memory_space<semaphore_mem>>
      %dma_start3A_147 = arith.constant 0 : i32
      %dma_start3A_148 = tpu.memref_slice %arg6[%add3A_35, %dma_start3A_147] : memref<80896x128xf32, #tpu.memory_space<hbm>> -> memref<632x128xf32, #tpu.memory_space<hbm>>
      %dma_start3A_149 = arith.constant 0 : i32
      %dma_start3A_150 = tpu.memref_slice %arg7[%mul3A_2, %dma_start3A_149] : memref<10112x128xf32, #tpu.memory_space<vmem_shared>> -> memref<632x128xf32, #tpu.memory_space<vmem_shared>>
      tpu.enqueue_dma source(%dma_start3A_150 : memref<632x128xf32, #tpu.memory_space<vmem_shared>>) target(%dma_start3A_148 : memref<632x128xf32, #tpu.memory_space<hbm>>) target_semaphore(%run_scoped3A : memref<!tpu.dma_semaphore, #tpu.memory_space<semaphore_mem>>)
      %dma_wait3A = arith.constant 0 : i32
      %dma_wait3A_151 = tpu.memref_slice %arg6[%add3A_35, %dma_wait3A] : memref<80896x128xf32, #tpu.memory_space<hbm>> -> memref<632x128xf32, #tpu.memory_space<hbm>>
      %dma_wait3A_152 = arith.constant 0 : i32
      %dma_wait3A_153 = tpu.memref_slice %arg7[%mul3A_2, %dma_wait3A_152] : memref<10112x128xf32, #tpu.memory_space<vmem_shared>> -> memref<632x128xf32, #tpu.memory_space<vmem_shared>>
      tpu.wait_dma2 semaphore(%run_scoped3A : memref<!tpu.dma_semaphore, #tpu.memory_space<semaphore_mem>>) src(%dma_wait3A_153 : memref<632x128xf32, #tpu.memory_space<vmem_shared>>) dst(%dma_wait3A_151 : memref<632x128xf32, #tpu.memory_space<hbm>>)
      tpu.yield
    }) : () -> ()
    %mul3A_36 = arith.constant 2560 : i32
    %mul3A_37 = arith.muli %add3A, %mul3A_36 : i32
    %add3A_38 = arith.constant 81920 : i32
    %add3A_39 = arith.addi %add3A_38, %mul3A_37 : i32
    "tpu.region"() ({
      %run_scoped3A = tpu.sem_alloc : memref<!tpu.dma_semaphore, #tpu.memory_space<semaphore_mem>>
      %dma_start3A_147 = arith.constant 0 : i32
      %dma_start3A_148 = tpu.memref_slice %arg7[%mul3A_2, %dma_start3A_147] : memref<10112x128xf32, #tpu.memory_space<vmem_shared>> -> memref<632x128xf32, #tpu.memory_space<vmem_shared>>
      tpu.enqueue_dma source(%arg5 : memref<632x128xf32, #tpu.memory_space<hbm>>) target(%dma_start3A_148 : memref<632x128xf32, #tpu.memory_space<vmem_shared>>) target_semaphore(%run_scoped3A : memref<!tpu.dma_semaphore, #tpu.memory_space<semaphore_mem>>)
      %dma_wait3A = arith.constant 0 : i32
      %dma_wait3A_149 = tpu.memref_slice %arg7[%mul3A_2, %dma_wait3A] : memref<10112x128xf32, #tpu.memory_space<vmem_shared>> -> memref<632x128xf32, #tpu.memory_space<vmem_shared>>
      tpu.wait_dma2 semaphore(%run_scoped3A : memref<!tpu.dma_semaphore, #tpu.memory_space<semaphore_mem>>) src(%arg5 : memref<632x128xf32, #tpu.memory_space<hbm>>) dst(%dma_wait3A_149 : memref<632x128xf32, #tpu.memory_space<vmem_shared>>)
      tpu.yield
    }) : () -> ()
    %barrier3A_40 = arith.constant 0 : index
    tpu.barrier barrier_id(%barrier3A_40)
    %add3A_41 = arith.constant 0 : i32
    %add3A_42 = arith.addi %add3A_39, %add3A_41 : i32
    %multiple_of3A_43 = tpu.assume_multiple %add3A_42, 128 : i32
    "tpu.region"() ({
      %run_scoped3A = tpu.sem_alloc : memref<!tpu.dma_semaphore, #tpu.memory_space<semaphore_mem>>
      %dma_start3A_147 = tpu.memref_slice %arg3[%multiple_of3A_43] : memref<491520xi32, #tpu.memory_space<hbm>> -> memref<128xi32, #tpu.memory_space<hbm>>
      %dma_start3A_148 = tpu.memref_slice %arg3[%multiple_of3A_43] : memref<491520xi32, #tpu.memory_space<hbm>> -> memref<128xi32, #tpu.memory_space<hbm>>
      tpu.enqueue_dma source(%dma_start3A_148 : memref<128xi32, #tpu.memory_space<hbm>>) target(%arg8 : memref<128xi32, #tpu.memory_space<vmem>>) target_semaphore(%run_scoped3A : memref<!tpu.dma_semaphore, #tpu.memory_space<semaphore_mem>>)
      %dma_wait3A = tpu.memref_slice %arg3[%multiple_of3A_43] : memref<491520xi32, #tpu.memory_space<hbm>> -> memref<128xi32, #tpu.memory_space<hbm>>
      %dma_wait3A_149 = tpu.memref_slice %arg3[%multiple_of3A_43] : memref<491520xi32, #tpu.memory_space<hbm>> -> memref<128xi32, #tpu.memory_space<hbm>>
      tpu.wait_dma2 semaphore(%run_scoped3A : memref<!tpu.dma_semaphore, #tpu.memory_space<semaphore_mem>>) src(%dma_wait3A_149 : memref<128xi32, #tpu.memory_space<hbm>>) dst(%arg8 : memref<128xi32, #tpu.memory_space<vmem>>)
      tpu.yield
    }) : () -> ()
    %add3A_44 = arith.constant 0 : i32
    %add3A_45 = arith.addi %add3A_39, %add3A_44 : i32
    %multiple_of3A_46 = tpu.assume_multiple %add3A_45, 128 : i32
    "tpu.region"() ({
      %run_scoped3A = tpu.sem_alloc : memref<!tpu.dma_semaphore, #tpu.memory_space<semaphore_mem>>
      %dma_start3A_147 = tpu.memref_slice %arg4[%multiple_of3A_46] : memref<491520xi32, #tpu.memory_space<hbm>> -> memref<128xi32, #tpu.memory_space<hbm>>
      %dma_start3A_148 = tpu.memref_slice %arg4[%multiple_of3A_46] : memref<491520xi32, #tpu.memory_space<hbm>> -> memref<128xi32, #tpu.memory_space<hbm>>
      tpu.enqueue_dma source(%dma_start3A_148 : memref<128xi32, #tpu.memory_space<hbm>>) target(%arg10 : memref<128xi32, #tpu.memory_space<vmem>>) target_semaphore(%run_scoped3A : memref<!tpu.dma_semaphore, #tpu.memory_space<semaphore_mem>>)
      %dma_wait3A = tpu.memref_slice %arg4[%multiple_of3A_46] : memref<491520xi32, #tpu.memory_space<hbm>> -> memref<128xi32, #tpu.memory_space<hbm>>
      %dma_wait3A_149 = tpu.memref_slice %arg4[%multiple_of3A_46] : memref<491520xi32, #tpu.memory_space<hbm>> -> memref<128xi32, #tpu.memory_space<hbm>>
      tpu.wait_dma2 semaphore(%run_scoped3A : memref<!tpu.dma_semaphore, #tpu.memory_space<semaphore_mem>>) src(%dma_wait3A_149 : memref<128xi32, #tpu.memory_space<hbm>>) dst(%arg10 : memref<128xi32, #tpu.memory_space<vmem>>)
      tpu.yield
    }) : () -> ()
    %dma_start3A_47 = arith.constant 0 : i32
    %dma_start3A_48 = arith.constant 0 : i32
    %dma_start3A_49 = tpu.memref_slice %arg2[%dma_start3A_47, %dma_start3A_48] : memref<10000x128xf32, #tpu.memory_space<hbm>> -> memref<10000x128xf32, #tpu.memory_space<hbm>>
    tpu.enqueue_indirect_dma source(%dma_start3A_49 : memref<10000x128xf32, #tpu.memory_space<hbm>>) target(%arg12 : memref<128x128xf32, #tpu.memory_space<vmem>>) offsets(%arg8 : memref<128xi32, #tpu.memory_space<vmem>>) semaphore(%arg16 : memref<!tpu.dma_semaphore, #tpu.memory_space<semaphore_mem>>)
    %add3A_50 = arith.constant 128 : i32
    %add3A_51 = arith.addi %add3A_39, %add3A_50 : i32
    %multiple_of3A_52 = tpu.assume_multiple %add3A_51, 128 : i32
    %dma_start3A_53 = tpu.memref_slice %arg3[%multiple_of3A_52] : memref<491520xi32, #tpu.memory_space<hbm>> -> memref<128xi32, #tpu.memory_space<hbm>>
    %dma_start3A_54 = tpu.memref_slice %arg3[%multiple_of3A_52] : memref<491520xi32, #tpu.memory_space<hbm>> -> memref<128xi32, #tpu.memory_space<hbm>>
    tpu.enqueue_dma source(%dma_start3A_54 : memref<128xi32, #tpu.memory_space<hbm>>) target(%arg9 : memref<128xi32, #tpu.memory_space<vmem>>) target_semaphore(%arg15 : memref<!tpu.dma_semaphore, #tpu.memory_space<semaphore_mem>>)
    %add3A_55 = arith.constant 128 : i32
    %add3A_56 = arith.addi %add3A_39, %add3A_55 : i32
    %multiple_of3A_57 = tpu.assume_multiple %add3A_56, 128 : i32
    %dma_start3A_58 = tpu.memref_slice %arg4[%multiple_of3A_57] : memref<491520xi32, #tpu.memory_space<hbm>> -> memref<128xi32, #tpu.memory_space<hbm>>
    %dma_start3A_59 = tpu.memref_slice %arg4[%multiple_of3A_57] : memref<491520xi32, #tpu.memory_space<hbm>> -> memref<128xi32, #tpu.memory_space<hbm>>
    tpu.enqueue_dma source(%dma_start3A_59 : memref<128xi32, #tpu.memory_space<hbm>>) target(%arg11 : memref<128xi32, #tpu.memory_space<vmem>>) target_semaphore(%arg15 : memref<!tpu.dma_semaphore, #tpu.memory_space<semaphore_mem>>)
    %scan3A_60 = arith.constant 0 : i32
    %scan3A_61 = arith.constant 0 : i32
    %scan3A_62 = arith.constant 10 : i32
    %scan3A_63 = arith.addi %scan3A_61, %scan3A_62 : i32
    %scan3A_64 = arith.constant 1 : i32
    %scan3A_65 = scf.for %scan3A_147 = %scan3A_61 to %scan3A_63 step %scan3A_64 iter_args(%scan3A_148 = %scan3A_60) -> (i32)  : i32 {
      %mul3A_149 = arith.constant 2 : i32
      %mul3A_150 = arith.muli %scan3A_147, %mul3A_149 : i32
      %add3A_151 = arith.constant 1 : i32
      %add3A_152 = arith.addi %mul3A_150, %add3A_151 : i32
      %mul3A_153 = arith.constant 128 : i32
      %mul3A_154 = arith.muli %add3A_152, %mul3A_153 : i32
      %add3A_155 = arith.addi %add3A_39, %mul3A_154 : i32
      %multiple_of3A_156 = tpu.assume_multiple %add3A_155, 128 : i32
      %dma_wait3A = tpu.memref_slice %arg3[%multiple_of3A_156] : memref<491520xi32, #tpu.memory_space<hbm>> -> memref<128xi32, #tpu.memory_space<hbm>>
      %dma_wait3A_157 = tpu.memref_slice %arg3[%multiple_of3A_156] : memref<491520xi32, #tpu.memory_space<hbm>> -> memref<128xi32, #tpu.memory_space<hbm>>
      tpu.wait_dma2 semaphore(%arg15 : memref<!tpu.dma_semaphore, #tpu.memory_space<semaphore_mem>>) src(%dma_wait3A_157 : memref<128xi32, #tpu.memory_space<hbm>>) dst(%arg9 : memref<128xi32, #tpu.memory_space<vmem>>)
      %add3A_158 = arith.constant 1 : i32
      %add3A_159 = arith.addi %mul3A_150, %add3A_158 : i32
      %mul3A_160 = arith.constant 128 : i32
      %mul3A_161 = arith.muli %add3A_159, %mul3A_160 : i32
      %add3A_162 = arith.addi %add3A_39, %mul3A_161 : i32
      %multiple_of3A_163 = tpu.assume_multiple %add3A_162, 128 : i32
      %dma_wait3A_164 = tpu.memref_slice %arg4[%multiple_of3A_163] : memref<491520xi32, #tpu.memory_space<hbm>> -> memref<128xi32, #tpu.memory_space<hbm>>
      %dma_wait3A_165 = tpu.memref_slice %arg4[%multiple_of3A_163] : memref<491520xi32, #tpu.memory_space<hbm>> -> memref<128xi32, #tpu.memory_space<hbm>>
      tpu.wait_dma2 semaphore(%arg15 : memref<!tpu.dma_semaphore, #tpu.memory_space<semaphore_mem>>) src(%dma_wait3A_165 : memref<128xi32, #tpu.memory_space<hbm>>) dst(%arg11 : memref<128xi32, #tpu.memory_space<vmem>>)
      %dma_start3A_166 = arith.constant 0 : i32
      %dma_start3A_167 = arith.constant 0 : i32
      %dma_start3A_168 = tpu.memref_slice %arg2[%dma_start3A_166, %dma_start3A_167] : memref<10000x128xf32, #tpu.memory_space<hbm>> -> memref<10000x128xf32, #tpu.memory_space<hbm>>
      tpu.enqueue_indirect_dma source(%dma_start3A_168 : memref<10000x128xf32, #tpu.memory_space<hbm>>) target(%arg13 : memref<128x128xf32, #tpu.memory_space<vmem>>) offsets(%arg9 : memref<128xi32, #tpu.memory_space<vmem>>) semaphore(%arg17 : memref<!tpu.dma_semaphore, #tpu.memory_space<semaphore_mem>>)
      %dma_wait3A_169 = arith.constant 0 : i32
      %dma_wait3A_170 = arith.constant 0 : i32
      %dma_wait3A_171 = tpu.memref_slice %arg2[%dma_wait3A_169, %dma_wait3A_170] : memref<10000x128xf32, #tpu.memory_space<hbm>> -> memref<10000x128xf32, #tpu.memory_space<hbm>>
      tpu.wait_indirect_dma semaphore(%arg16 : memref<!tpu.dma_semaphore, #tpu.memory_space<semaphore_mem>>) src(%dma_wait3A_171 : memref<10000x128xf32, #tpu.memory_space<hbm>>) dst(%arg12 : memref<128x128xf32, #tpu.memory_space<vmem>>)
      "tpu.region"() ({
        %run_scoped3A = tpu.sem_alloc : memref<!tpu.dma_semaphore, #tpu.memory_space<semaphore_mem>>
        %dma_start3A_187 = arith.constant 0 : i32
        %dma_start3A_188 = arith.constant 0 : i32
        %dma_start3A_189 = tpu.memref_slice %arg7[%dma_start3A_187, %dma_start3A_188] : memref<10112x128xf32, #tpu.memory_space<vmem_shared>> -> memref<10112x128xf32, #tpu.memory_space<vmem_shared>>
        tpu.enqueue_indirect_dma source(%arg12 : memref<128x128xf32, #tpu.memory_space<vmem>>) target(%dma_start3A_189 : memref<10112x128xf32, #tpu.memory_space<vmem_shared>>) offsets(%arg10 : memref<128xi32, #tpu.memory_space<vmem>>) semaphore(%run_scoped3A : memref<!tpu.dma_semaphore, #tpu.memory_space<semaphore_mem>>) {add = true}
        %dma_wait3A_190 = arith.constant 0 : i32
        %dma_wait3A_191 = arith.constant 0 : i32
        %dma_wait3A_192 = tpu.memref_slice %arg7[%dma_wait3A_190, %dma_wait3A_191] : memref<10112x128xf32, #tpu.memory_space<vmem_shared>> -> memref<10112x128xf32, #tpu.memory_space<vmem_shared>>
        tpu.wait_indirect_dma semaphore(%run_scoped3A : memref<!tpu.dma_semaphore, #tpu.memory_space<semaphore_mem>>) src(%arg12 : memref<128x128xf32, #tpu.memory_space<vmem>>) dst(%dma_wait3A_192 : memref<10112x128xf32, #tpu.memory_space<vmem_shared>>)
        tpu.yield
      }) : () -> ()
      %add3A_172 = arith.constant 1 : i32
      %add3A_173 = arith.addi %scan3A_147, %add3A_172 : i32
      %lt3A = arith.constant 10 : i32
      %lt3A_174 = arith.cmpi slt, %add3A_173, %lt3A : i32
      %convert_element_type3A = arith.extui %lt3A_174 : i1 to i32
      %cond3A = arith.constant 0 : i32
      %cond3A_175 = arith.cmpi ne, %convert_element_type3A, %cond3A : i32
      scf.if %cond3A_175 {
        %add3A_187 = arith.constant 2 : i32
        %add3A_188 = arith.addi %mul3A_150, %add3A_187 : i32
        %mul3A_189 = arith.constant 128 : i32
        %mul3A_190 = arith.muli %add3A_188, %mul3A_189 : i32
        %add3A_191 = arith.addi %add3A_39, %mul3A_190 : i32
        %multiple_of3A_192 = tpu.assume_multiple %add3A_191, 128 : i32
        %dma_start3A_193 = tpu.memref_slice %arg3[%multiple_of3A_192] : memref<491520xi32, #tpu.memory_space<hbm>> -> memref<128xi32, #tpu.memory_space<hbm>>
        %dma_start3A_194 = tpu.memref_slice %arg3[%multiple_of3A_192] : memref<491520xi32, #tpu.memory_space<hbm>> -> memref<128xi32, #tpu.memory_space<hbm>>
        tpu.enqueue_dma source(%dma_start3A_194 : memref<128xi32, #tpu.memory_space<hbm>>) target(%arg8 : memref<128xi32, #tpu.memory_space<vmem>>) target_semaphore(%arg14 : memref<!tpu.dma_semaphore, #tpu.memory_space<semaphore_mem>>)
        %add3A_195 = arith.constant 2 : i32
        %add3A_196 = arith.addi %mul3A_150, %add3A_195 : i32
        %mul3A_197 = arith.constant 128 : i32
        %mul3A_198 = arith.muli %add3A_196, %mul3A_197 : i32
        %add3A_199 = arith.addi %add3A_39, %mul3A_198 : i32
        %multiple_of3A_200 = tpu.assume_multiple %add3A_199, 128 : i32
        %dma_start3A_201 = tpu.memref_slice %arg4[%multiple_of3A_200] : memref<491520xi32, #tpu.memory_space<hbm>> -> memref<128xi32, #tpu.memory_space<hbm>>
        %dma_start3A_202 = tpu.memref_slice %arg4[%multiple_of3A_200] : memref<491520xi32, #tpu.memory_space<hbm>> -> memref<128xi32, #tpu.memory_space<hbm>>
        tpu.enqueue_dma source(%dma_start3A_202 : memref<128xi32, #tpu.memory_space<hbm>>) target(%arg10 : memref<128xi32, #tpu.memory_space<vmem>>) target_semaphore(%arg14 : memref<!tpu.dma_semaphore, #tpu.memory_space<semaphore_mem>>)
      } else {
      }
      %dma_wait3A_176 = arith.constant 0 : i32
      %dma_wait3A_177 = arith.constant 0 : i32
      %dma_wait3A_178 = tpu.memref_slice %arg2[%dma_wait3A_176, %dma_wait3A_177] : memref<10000x128xf32, #tpu.memory_space<hbm>> -> memref<10000x128xf32, #tpu.memory_space<hbm>>
      tpu.wait_indirect_dma semaphore(%arg17 : memref<!tpu.dma_semaphore, #tpu.memory_space<semaphore_mem>>) src(%dma_wait3A_178 : memref<10000x128xf32, #tpu.memory_space<hbm>>) dst(%arg13 : memref<128x128xf32, #tpu.memory_space<vmem>>)
      "tpu.region"() ({
        %run_scoped3A = tpu.sem_alloc : memref<!tpu.dma_semaphore, #tpu.memory_space<semaphore_mem>>
        %dma_start3A_187 = arith.constant 0 : i32
        %dma_start3A_188 = arith.constant 0 : i32
        %dma_start3A_189 = tpu.memref_slice %arg7[%dma_start3A_187, %dma_start3A_188] : memref<10112x128xf32, #tpu.memory_space<vmem_shared>> -> memref<10112x128xf32, #tpu.memory_space<vmem_shared>>
        tpu.enqueue_indirect_dma source(%arg13 : memref<128x128xf32, #tpu.memory_space<vmem>>) target(%dma_start3A_189 : memref<10112x128xf32, #tpu.memory_space<vmem_shared>>) offsets(%arg11 : memref<128xi32, #tpu.memory_space<vmem>>) semaphore(%run_scoped3A : memref<!tpu.dma_semaphore, #tpu.memory_space<semaphore_mem>>) {add = true}
        %dma_wait3A_190 = arith.constant 0 : i32
        %dma_wait3A_191 = arith.constant 0 : i32
        %dma_wait3A_192 = tpu.memref_slice %arg7[%dma_wait3A_190, %dma_wait3A_191] : memref<10112x128xf32, #tpu.memory_space<vmem_shared>> -> memref<10112x128xf32, #tpu.memory_space<vmem_shared>>
        tpu.wait_indirect_dma semaphore(%run_scoped3A : memref<!tpu.dma_semaphore, #tpu.memory_space<semaphore_mem>>) src(%arg13 : memref<128x128xf32, #tpu.memory_space<vmem>>) dst(%dma_wait3A_192 : memref<10112x128xf32, #tpu.memory_space<vmem_shared>>)
        tpu.yield
      }) : () -> ()
      %add3A_179 = arith.constant 1 : i32
      %add3A_180 = arith.addi %scan3A_147, %add3A_179 : i32
      %lt3A_181 = arith.constant 10 : i32
      %lt3A_182 = arith.cmpi slt, %add3A_180, %lt3A_181 : i32
      %convert_element_type3A_183 = arith.extui %lt3A_182 : i1 to i32
      %cond3A_184 = arith.constant 0 : i32
      %cond3A_185 = arith.cmpi ne, %convert_element_type3A_183, %cond3A_184 : i32
      scf.if %cond3A_185 {
        %add3A_187 = arith.constant 2 : i32
        %add3A_188 = arith.addi %mul3A_150, %add3A_187 : i32
        %mul3A_189 = arith.constant 128 : i32
        %mul3A_190 = arith.muli %add3A_188, %mul3A_189 : i32
        %add3A_191 = arith.addi %add3A_39, %mul3A_190 : i32
        %multiple_of3A_192 = tpu.assume_multiple %add3A_191, 128 : i32
        %dma_wait3A_193 = tpu.memref_slice %arg3[%multiple_of3A_192] : memref<491520xi32, #tpu.memory_space<hbm>> -> memref<128xi32, #tpu.memory_space<hbm>>
        %dma_wait3A_194 = tpu.memref_slice %arg3[%multiple_of3A_192] : memref<491520xi32, #tpu.memory_space<hbm>> -> memref<128xi32, #tpu.memory_space<hbm>>
        tpu.wait_dma2 semaphore(%arg14 : memref<!tpu.dma_semaphore, #tpu.memory_space<semaphore_mem>>) src(%dma_wait3A_194 : memref<128xi32, #tpu.memory_space<hbm>>) dst(%arg8 : memref<128xi32, #tpu.memory_space<vmem>>)
        %add3A_195 = arith.constant 2 : i32
        %add3A_196 = arith.addi %mul3A_150, %add3A_195 : i32
        %mul3A_197 = arith.constant 128 : i32
        %mul3A_198 = arith.muli %add3A_196, %mul3A_197 : i32
        %add3A_199 = arith.addi %add3A_39, %mul3A_198 : i32
        %multiple_of3A_200 = tpu.assume_multiple %add3A_199, 128 : i32
        %dma_wait3A_201 = tpu.memref_slice %arg4[%multiple_of3A_200] : memref<491520xi32, #tpu.memory_space<hbm>> -> memref<128xi32, #tpu.memory_space<hbm>>
        %dma_wait3A_202 = tpu.memref_slice %arg4[%multiple_of3A_200] : memref<491520xi32, #tpu.memory_space<hbm>> -> memref<128xi32, #tpu.memory_space<hbm>>
        tpu.wait_dma2 semaphore(%arg14 : memref<!tpu.dma_semaphore, #tpu.memory_space<semaphore_mem>>) src(%dma_wait3A_202 : memref<128xi32, #tpu.memory_space<hbm>>) dst(%arg10 : memref<128xi32, #tpu.memory_space<vmem>>)
        %dma_start3A_203 = arith.constant 0 : i32
        %dma_start3A_204 = arith.constant 0 : i32
        %dma_start3A_205 = tpu.memref_slice %arg2[%dma_start3A_203, %dma_start3A_204] : memref<10000x128xf32, #tpu.memory_space<hbm>> -> memref<10000x128xf32, #tpu.memory_space<hbm>>
        tpu.enqueue_indirect_dma source(%dma_start3A_205 : memref<10000x128xf32, #tpu.memory_space<hbm>>) target(%arg12 : memref<128x128xf32, #tpu.memory_space<vmem>>) offsets(%arg8 : memref<128xi32, #tpu.memory_space<vmem>>) semaphore(%arg16 : memref<!tpu.dma_semaphore, #tpu.memory_space<semaphore_mem>>)
        %add3A_206 = arith.constant 3 : i32
        %add3A_207 = arith.addi %mul3A_150, %add3A_206 : i32
        %mul3A_208 = arith.constant 128 : i32
        %mul3A_209 = arith.muli %add3A_207, %mul3A_208 : i32
        %add3A_210 = arith.addi %add3A_39, %mul3A_209 : i32
        %multiple_of3A_211 = tpu.assume_multiple %add3A_210, 128 : i32
        %dma_start3A_212 = tpu.memref_slice %arg3[%multiple_of3A_211] : memref<491520xi32, #tpu.memory_space<hbm>> -> memref<128xi32, #tpu.memory_space<hbm>>
        %dma_start3A_213 = tpu.memref_slice %arg3[%multiple_of3A_211] : memref<491520xi32, #tpu.memory_space<hbm>> -> memref<128xi32, #tpu.memory_space<hbm>>
        tpu.enqueue_dma source(%dma_start3A_213 : memref<128xi32, #tpu.memory_space<hbm>>) target(%arg9 : memref<128xi32, #tpu.memory_space<vmem>>) target_semaphore(%arg15 : memref<!tpu.dma_semaphore, #tpu.memory_space<semaphore_mem>>)
        %add3A_214 = arith.constant 3 : i32
        %add3A_215 = arith.addi %mul3A_150, %add3A_214 : i32
        %mul3A_216 = arith.constant 128 : i32
        %mul3A_217 = arith.muli %add3A_215, %mul3A_216 : i32
        %add3A_218 = arith.addi %add3A_39, %mul3A_217 : i32
        %multiple_of3A_219 = tpu.assume_multiple %add3A_218, 128 : i32
        %dma_start3A_220 = tpu.memref_slice %arg4[%multiple_of3A_219] : memref<491520xi32, #tpu.memory_space<hbm>> -> memref<128xi32, #tpu.memory_space<hbm>>
        %dma_start3A_221 = tpu.memref_slice %arg4[%multiple_of3A_219] : memref<491520xi32, #tpu.memory_space<hbm>> -> memref<128xi32, #tpu.memory_space<hbm>>
        tpu.enqueue_dma source(%dma_start3A_221 : memref<128xi32, #tpu.memory_space<hbm>>) target(%arg11 : memref<128xi32, #tpu.memory_space<vmem>>) target_semaphore(%arg15 : memref<!tpu.dma_semaphore, #tpu.memory_space<semaphore_mem>>)
      } else {
      }
      %scan3A_186 = arith.constant 0 : i32
      scf.yield %scan3A_186 : i32
    }
    %scan3A_66 = arith.constant 10 : i32
    %barrier3A_67 = arith.constant 0 : index
    tpu.barrier barrier_id(%barrier3A_67)
    %mul3A_68 = arith.constant 40448 : i32
    %mul3A_69 = arith.muli %arg0, %mul3A_68 : i32
    %add3A_70 = arith.constant 10112 : i32
    %add3A_71 = arith.addi %mul3A_69, %add3A_70 : i32
    %add3A_72 = arith.addi %add3A_71, %mul3A_2 : i32
    "tpu.region"() ({
      %run_scoped3A = tpu.sem_alloc : memref<!tpu.dma_semaphore, #tpu.memory_space<semaphore_mem>>
      %dma_start3A_147 = arith.constant 0 : i32
      %dma_start3A_148 = tpu.memref_slice %arg6[%add3A_72, %dma_start3A_147] : memref<80896x128xf32, #tpu.memory_space<hbm>> -> memref<632x128xf32, #tpu.memory_space<hbm>>
      %dma_start3A_149 = arith.constant 0 : i32
      %dma_start3A_150 = tpu.memref_slice %arg7[%mul3A_2, %dma_start3A_149] : memref<10112x128xf32, #tpu.memory_space<vmem_shared>> -> memref<632x128xf32, #tpu.memory_space<vmem_shared>>
      tpu.enqueue_dma source(%dma_start3A_150 : memref<632x128xf32, #tpu.memory_space<vmem_shared>>) target(%dma_start3A_148 : memref<632x128xf32, #tpu.memory_space<hbm>>) target_semaphore(%run_scoped3A : memref<!tpu.dma_semaphore, #tpu.memory_space<semaphore_mem>>)
      %dma_wait3A = arith.constant 0 : i32
      %dma_wait3A_151 = tpu.memref_slice %arg6[%add3A_72, %dma_wait3A] : memref<80896x128xf32, #tpu.memory_space<hbm>> -> memref<632x128xf32, #tpu.memory_space<hbm>>
      %dma_wait3A_152 = arith.constant 0 : i32
      %dma_wait3A_153 = tpu.memref_slice %arg7[%mul3A_2, %dma_wait3A_152] : memref<10112x128xf32, #tpu.memory_space<vmem_shared>> -> memref<632x128xf32, #tpu.memory_space<vmem_shared>>
      tpu.wait_dma2 semaphore(%run_scoped3A : memref<!tpu.dma_semaphore, #tpu.memory_space<semaphore_mem>>) src(%dma_wait3A_153 : memref<632x128xf32, #tpu.memory_space<vmem_shared>>) dst(%dma_wait3A_151 : memref<632x128xf32, #tpu.memory_space<hbm>>)
      tpu.yield
    }) : () -> ()
    %mul3A_73 = arith.constant 5120 : i32
    %mul3A_74 = arith.muli %add3A, %mul3A_73 : i32
    %add3A_75 = arith.constant 163840 : i32
    %add3A_76 = arith.addi %add3A_75, %mul3A_74 : i32
    "tpu.region"() ({
      %run_scoped3A = tpu.sem_alloc : memref<!tpu.dma_semaphore, #tpu.memory_space<semaphore_mem>>
      %dma_start3A_147 = arith.constant 0 : i32
      %dma_start3A_148 = tpu.memref_slice %arg7[%mul3A_2, %dma_start3A_147] : memref<10112x128xf32, #tpu.memory_space<vmem_shared>> -> memref<632x128xf32, #tpu.memory_space<vmem_shared>>
      tpu.enqueue_dma source(%arg5 : memref<632x128xf32, #tpu.memory_space<hbm>>) target(%dma_start3A_148 : memref<632x128xf32, #tpu.memory_space<vmem_shared>>) target_semaphore(%run_scoped3A : memref<!tpu.dma_semaphore, #tpu.memory_space<semaphore_mem>>)
      %dma_wait3A = arith.constant 0 : i32
      %dma_wait3A_149 = tpu.memref_slice %arg7[%mul3A_2, %dma_wait3A] : memref<10112x128xf32, #tpu.memory_space<vmem_shared>> -> memref<632x128xf32, #tpu.memory_space<vmem_shared>>
      tpu.wait_dma2 semaphore(%run_scoped3A : memref<!tpu.dma_semaphore, #tpu.memory_space<semaphore_mem>>) src(%arg5 : memref<632x128xf32, #tpu.memory_space<hbm>>) dst(%dma_wait3A_149 : memref<632x128xf32, #tpu.memory_space<vmem_shared>>)
      tpu.yield
    }) : () -> ()
    %barrier3A_77 = arith.constant 0 : index
    tpu.barrier barrier_id(%barrier3A_77)
    %add3A_78 = arith.constant 0 : i32
    %add3A_79 = arith.addi %add3A_76, %add3A_78 : i32
    %multiple_of3A_80 = tpu.assume_multiple %add3A_79, 128 : i32
    "tpu.region"() ({
      %run_scoped3A = tpu.sem_alloc : memref<!tpu.dma_semaphore, #tpu.memory_space<semaphore_mem>>
      %dma_start3A_147 = tpu.memref_slice %arg3[%multiple_of3A_80] : memref<491520xi32, #tpu.memory_space<hbm>> -> memref<128xi32, #tpu.memory_space<hbm>>
      %dma_start3A_148 = tpu.memref_slice %arg3[%multiple_of3A_80] : memref<491520xi32, #tpu.memory_space<hbm>> -> memref<128xi32, #tpu.memory_space<hbm>>
      tpu.enqueue_dma source(%dma_start3A_148 : memref<128xi32, #tpu.memory_space<hbm>>) target(%arg8 : memref<128xi32, #tpu.memory_space<vmem>>) target_semaphore(%run_scoped3A : memref<!tpu.dma_semaphore, #tpu.memory_space<semaphore_mem>>)
      %dma_wait3A = tpu.memref_slice %arg3[%multiple_of3A_80] : memref<491520xi32, #tpu.memory_space<hbm>> -> memref<128xi32, #tpu.memory_space<hbm>>
      %dma_wait3A_149 = tpu.memref_slice %arg3[%multiple_of3A_80] : memref<491520xi32, #tpu.memory_space<hbm>> -> memref<128xi32, #tpu.memory_space<hbm>>
      tpu.wait_dma2 semaphore(%run_scoped3A : memref<!tpu.dma_semaphore, #tpu.memory_space<semaphore_mem>>) src(%dma_wait3A_149 : memref<128xi32, #tpu.memory_space<hbm>>) dst(%arg8 : memref<128xi32, #tpu.memory_space<vmem>>)
      tpu.yield
    }) : () -> ()
    %add3A_81 = arith.constant 0 : i32
    %add3A_82 = arith.addi %add3A_76, %add3A_81 : i32
    %multiple_of3A_83 = tpu.assume_multiple %add3A_82, 128 : i32
    "tpu.region"() ({
      %run_scoped3A = tpu.sem_alloc : memref<!tpu.dma_semaphore, #tpu.memory_space<semaphore_mem>>
      %dma_start3A_147 = tpu.memref_slice %arg4[%multiple_of3A_83] : memref<491520xi32, #tpu.memory_space<hbm>> -> memref<128xi32, #tpu.memory_space<hbm>>
      %dma_start3A_148 = tpu.memref_slice %arg4[%multiple_of3A_83] : memref<491520xi32, #tpu.memory_space<hbm>> -> memref<128xi32, #tpu.memory_space<hbm>>
      tpu.enqueue_dma source(%dma_start3A_148 : memref<128xi32, #tpu.memory_space<hbm>>) target(%arg10 : memref<128xi32, #tpu.memory_space<vmem>>) target_semaphore(%run_scoped3A : memref<!tpu.dma_semaphore, #tpu.memory_space<semaphore_mem>>)
      %dma_wait3A = tpu.memref_slice %arg4[%multiple_of3A_83] : memref<491520xi32, #tpu.memory_space<hbm>> -> memref<128xi32, #tpu.memory_space<hbm>>
      %dma_wait3A_149 = tpu.memref_slice %arg4[%multiple_of3A_83] : memref<491520xi32, #tpu.memory_space<hbm>> -> memref<128xi32, #tpu.memory_space<hbm>>
      tpu.wait_dma2 semaphore(%run_scoped3A : memref<!tpu.dma_semaphore, #tpu.memory_space<semaphore_mem>>) src(%dma_wait3A_149 : memref<128xi32, #tpu.memory_space<hbm>>) dst(%arg10 : memref<128xi32, #tpu.memory_space<vmem>>)
      tpu.yield
    }) : () -> ()
    %dma_start3A_84 = arith.constant 0 : i32
    %dma_start3A_85 = arith.constant 0 : i32
    %dma_start3A_86 = tpu.memref_slice %arg2[%dma_start3A_84, %dma_start3A_85] : memref<10000x128xf32, #tpu.memory_space<hbm>> -> memref<10000x128xf32, #tpu.memory_space<hbm>>
    tpu.enqueue_indirect_dma source(%dma_start3A_86 : memref<10000x128xf32, #tpu.memory_space<hbm>>) target(%arg12 : memref<128x128xf32, #tpu.memory_space<vmem>>) offsets(%arg8 : memref<128xi32, #tpu.memory_space<vmem>>) semaphore(%arg16 : memref<!tpu.dma_semaphore, #tpu.memory_space<semaphore_mem>>)
    %add3A_87 = arith.constant 128 : i32
    %add3A_88 = arith.addi %add3A_76, %add3A_87 : i32
    %multiple_of3A_89 = tpu.assume_multiple %add3A_88, 128 : i32
    %dma_start3A_90 = tpu.memref_slice %arg3[%multiple_of3A_89] : memref<491520xi32, #tpu.memory_space<hbm>> -> memref<128xi32, #tpu.memory_space<hbm>>
    %dma_start3A_91 = tpu.memref_slice %arg3[%multiple_of3A_89] : memref<491520xi32, #tpu.memory_space<hbm>> -> memref<128xi32, #tpu.memory_space<hbm>>
    tpu.enqueue_dma source(%dma_start3A_91 : memref<128xi32, #tpu.memory_space<hbm>>) target(%arg9 : memref<128xi32, #tpu.memory_space<vmem>>) target_semaphore(%arg15 : memref<!tpu.dma_semaphore, #tpu.memory_space<semaphore_mem>>)
    %add3A_92 = arith.constant 128 : i32
    %add3A_93 = arith.addi %add3A_76, %add3A_92 : i32
    %multiple_of3A_94 = tpu.assume_multiple %add3A_93, 128 : i32
    %dma_start3A_95 = tpu.memref_slice %arg4[%multiple_of3A_94] : memref<491520xi32, #tpu.memory_space<hbm>> -> memref<128xi32, #tpu.memory_space<hbm>>
    %dma_start3A_96 = tpu.memref_slice %arg4[%multiple_of3A_94] : memref<491520xi32, #tpu.memory_space<hbm>> -> memref<128xi32, #tpu.memory_space<hbm>>
    tpu.enqueue_dma source(%dma_start3A_96 : memref<128xi32, #tpu.memory_space<hbm>>) target(%arg11 : memref<128xi32, #tpu.memory_space<vmem>>) target_semaphore(%arg15 : memref<!tpu.dma_semaphore, #tpu.memory_space<semaphore_mem>>)
    %scan3A_97 = arith.constant 0 : i32
    %scan3A_98 = arith.constant 0 : i32
    %scan3A_99 = arith.constant 20 : i32
    %scan3A_100 = arith.addi %scan3A_98, %scan3A_99 : i32
    %scan3A_101 = arith.constant 1 : i32
    %scan3A_102 = scf.for %scan3A_147 = %scan3A_98 to %scan3A_100 step %scan3A_101 iter_args(%scan3A_148 = %scan3A_97) -> (i32)  : i32 {
      %mul3A_149 = arith.constant 2 : i32
      %mul3A_150 = arith.muli %scan3A_147, %mul3A_149 : i32
      %add3A_151 = arith.constant 1 : i32
      %add3A_152 = arith.addi %mul3A_150, %add3A_151 : i32
      %mul3A_153 = arith.constant 128 : i32
      %mul3A_154 = arith.muli %add3A_152, %mul3A_153 : i32
      %add3A_155 = arith.addi %add3A_76, %mul3A_154 : i32
      %multiple_of3A_156 = tpu.assume_multiple %add3A_155, 128 : i32
      %dma_wait3A = tpu.memref_slice %arg3[%multiple_of3A_156] : memref<491520xi32, #tpu.memory_space<hbm>> -> memref<128xi32, #tpu.memory_space<hbm>>
      %dma_wait3A_157 = tpu.memref_slice %arg3[%multiple_of3A_156] : memref<491520xi32, #tpu.memory_space<hbm>> -> memref<128xi32, #tpu.memory_space<hbm>>
      tpu.wait_dma2 semaphore(%arg15 : memref<!tpu.dma_semaphore, #tpu.memory_space<semaphore_mem>>) src(%dma_wait3A_157 : memref<128xi32, #tpu.memory_space<hbm>>) dst(%arg9 : memref<128xi32, #tpu.memory_space<vmem>>)
      %add3A_158 = arith.constant 1 : i32
      %add3A_159 = arith.addi %mul3A_150, %add3A_158 : i32
      %mul3A_160 = arith.constant 128 : i32
      %mul3A_161 = arith.muli %add3A_159, %mul3A_160 : i32
      %add3A_162 = arith.addi %add3A_76, %mul3A_161 : i32
      %multiple_of3A_163 = tpu.assume_multiple %add3A_162, 128 : i32
      %dma_wait3A_164 = tpu.memref_slice %arg4[%multiple_of3A_163] : memref<491520xi32, #tpu.memory_space<hbm>> -> memref<128xi32, #tpu.memory_space<hbm>>
      %dma_wait3A_165 = tpu.memref_slice %arg4[%multiple_of3A_163] : memref<491520xi32, #tpu.memory_space<hbm>> -> memref<128xi32, #tpu.memory_space<hbm>>
      tpu.wait_dma2 semaphore(%arg15 : memref<!tpu.dma_semaphore, #tpu.memory_space<semaphore_mem>>) src(%dma_wait3A_165 : memref<128xi32, #tpu.memory_space<hbm>>) dst(%arg11 : memref<128xi32, #tpu.memory_space<vmem>>)
      %dma_start3A_166 = arith.constant 0 : i32
      %dma_start3A_167 = arith.constant 0 : i32
      %dma_start3A_168 = tpu.memref_slice %arg2[%dma_start3A_166, %dma_start3A_167] : memref<10000x128xf32, #tpu.memory_space<hbm>> -> memref<10000x128xf32, #tpu.memory_space<hbm>>
      tpu.enqueue_indirect_dma source(%dma_start3A_168 : memref<10000x128xf32, #tpu.memory_space<hbm>>) target(%arg13 : memref<128x128xf32, #tpu.memory_space<vmem>>) offsets(%arg9 : memref<128xi32, #tpu.memory_space<vmem>>) semaphore(%arg17 : memref<!tpu.dma_semaphore, #tpu.memory_space<semaphore_mem>>)
      %dma_wait3A_169 = arith.constant 0 : i32
      %dma_wait3A_170 = arith.constant 0 : i32
      %dma_wait3A_171 = tpu.memref_slice %arg2[%dma_wait3A_169, %dma_wait3A_170] : memref<10000x128xf32, #tpu.memory_space<hbm>> -> memref<10000x128xf32, #tpu.memory_space<hbm>>
      tpu.wait_indirect_dma semaphore(%arg16 : memref<!tpu.dma_semaphore, #tpu.memory_space<semaphore_mem>>) src(%dma_wait3A_171 : memref<10000x128xf32, #tpu.memory_space<hbm>>) dst(%arg12 : memref<128x128xf32, #tpu.memory_space<vmem>>)
      "tpu.region"() ({
        %run_scoped3A = tpu.sem_alloc : memref<!tpu.dma_semaphore, #tpu.memory_space<semaphore_mem>>
        %dma_start3A_187 = arith.constant 0 : i32
        %dma_start3A_188 = arith.constant 0 : i32
        %dma_start3A_189 = tpu.memref_slice %arg7[%dma_start3A_187, %dma_start3A_188] : memref<10112x128xf32, #tpu.memory_space<vmem_shared>> -> memref<10112x128xf32, #tpu.memory_space<vmem_shared>>
        tpu.enqueue_indirect_dma source(%arg12 : memref<128x128xf32, #tpu.memory_space<vmem>>) target(%dma_start3A_189 : memref<10112x128xf32, #tpu.memory_space<vmem_shared>>) offsets(%arg10 : memref<128xi32, #tpu.memory_space<vmem>>) semaphore(%run_scoped3A : memref<!tpu.dma_semaphore, #tpu.memory_space<semaphore_mem>>) {add = true}
        %dma_wait3A_190 = arith.constant 0 : i32
        %dma_wait3A_191 = arith.constant 0 : i32
        %dma_wait3A_192 = tpu.memref_slice %arg7[%dma_wait3A_190, %dma_wait3A_191] : memref<10112x128xf32, #tpu.memory_space<vmem_shared>> -> memref<10112x128xf32, #tpu.memory_space<vmem_shared>>
        tpu.wait_indirect_dma semaphore(%run_scoped3A : memref<!tpu.dma_semaphore, #tpu.memory_space<semaphore_mem>>) src(%arg12 : memref<128x128xf32, #tpu.memory_space<vmem>>) dst(%dma_wait3A_192 : memref<10112x128xf32, #tpu.memory_space<vmem_shared>>)
        tpu.yield
      }) : () -> ()
      %add3A_172 = arith.constant 1 : i32
      %add3A_173 = arith.addi %scan3A_147, %add3A_172 : i32
      %lt3A = arith.constant 20 : i32
      %lt3A_174 = arith.cmpi slt, %add3A_173, %lt3A : i32
      %convert_element_type3A = arith.extui %lt3A_174 : i1 to i32
      %cond3A = arith.constant 0 : i32
      %cond3A_175 = arith.cmpi ne, %convert_element_type3A, %cond3A : i32
      scf.if %cond3A_175 {
        %add3A_187 = arith.constant 2 : i32
        %add3A_188 = arith.addi %mul3A_150, %add3A_187 : i32
        %mul3A_189 = arith.constant 128 : i32
        %mul3A_190 = arith.muli %add3A_188, %mul3A_189 : i32
        %add3A_191 = arith.addi %add3A_76, %mul3A_190 : i32
        %multiple_of3A_192 = tpu.assume_multiple %add3A_191, 128 : i32
        %dma_start3A_193 = tpu.memref_slice %arg3[%multiple_of3A_192] : memref<491520xi32, #tpu.memory_space<hbm>> -> memref<128xi32, #tpu.memory_space<hbm>>
        %dma_start3A_194 = tpu.memref_slice %arg3[%multiple_of3A_192] : memref<491520xi32, #tpu.memory_space<hbm>> -> memref<128xi32, #tpu.memory_space<hbm>>
        tpu.enqueue_dma source(%dma_start3A_194 : memref<128xi32, #tpu.memory_space<hbm>>) target(%arg8 : memref<128xi32, #tpu.memory_space<vmem>>) target_semaphore(%arg14 : memref<!tpu.dma_semaphore, #tpu.memory_space<semaphore_mem>>)
        %add3A_195 = arith.constant 2 : i32
        %add3A_196 = arith.addi %mul3A_150, %add3A_195 : i32
        %mul3A_197 = arith.constant 128 : i32
        %mul3A_198 = arith.muli %add3A_196, %mul3A_197 : i32
        %add3A_199 = arith.addi %add3A_76, %mul3A_198 : i32
        %multiple_of3A_200 = tpu.assume_multiple %add3A_199, 128 : i32
        %dma_start3A_201 = tpu.memref_slice %arg4[%multiple_of3A_200] : memref<491520xi32, #tpu.memory_space<hbm>> -> memref<128xi32, #tpu.memory_space<hbm>>
        %dma_start3A_202 = tpu.memref_slice %arg4[%multiple_of3A_200] : memref<491520xi32, #tpu.memory_space<hbm>> -> memref<128xi32, #tpu.memory_space<hbm>>
        tpu.enqueue_dma source(%dma_start3A_202 : memref<128xi32, #tpu.memory_space<hbm>>) target(%arg10 : memref<128xi32, #tpu.memory_space<vmem>>) target_semaphore(%arg14 : memref<!tpu.dma_semaphore, #tpu.memory_space<semaphore_mem>>)
      } else {
      }
      %dma_wait3A_176 = arith.constant 0 : i32
      %dma_wait3A_177 = arith.constant 0 : i32
      %dma_wait3A_178 = tpu.memref_slice %arg2[%dma_wait3A_176, %dma_wait3A_177] : memref<10000x128xf32, #tpu.memory_space<hbm>> -> memref<10000x128xf32, #tpu.memory_space<hbm>>
      tpu.wait_indirect_dma semaphore(%arg17 : memref<!tpu.dma_semaphore, #tpu.memory_space<semaphore_mem>>) src(%dma_wait3A_178 : memref<10000x128xf32, #tpu.memory_space<hbm>>) dst(%arg13 : memref<128x128xf32, #tpu.memory_space<vmem>>)
      "tpu.region"() ({
        %run_scoped3A = tpu.sem_alloc : memref<!tpu.dma_semaphore, #tpu.memory_space<semaphore_mem>>
        %dma_start3A_187 = arith.constant 0 : i32
        %dma_start3A_188 = arith.constant 0 : i32
        %dma_start3A_189 = tpu.memref_slice %arg7[%dma_start3A_187, %dma_start3A_188] : memref<10112x128xf32, #tpu.memory_space<vmem_shared>> -> memref<10112x128xf32, #tpu.memory_space<vmem_shared>>
        tpu.enqueue_indirect_dma source(%arg13 : memref<128x128xf32, #tpu.memory_space<vmem>>) target(%dma_start3A_189 : memref<10112x128xf32, #tpu.memory_space<vmem_shared>>) offsets(%arg11 : memref<128xi32, #tpu.memory_space<vmem>>) semaphore(%run_scoped3A : memref<!tpu.dma_semaphore, #tpu.memory_space<semaphore_mem>>) {add = true}
        %dma_wait3A_190 = arith.constant 0 : i32
        %dma_wait3A_191 = arith.constant 0 : i32
        %dma_wait3A_192 = tpu.memref_slice %arg7[%dma_wait3A_190, %dma_wait3A_191] : memref<10112x128xf32, #tpu.memory_space<vmem_shared>> -> memref<10112x128xf32, #tpu.memory_space<vmem_shared>>
        tpu.wait_indirect_dma semaphore(%run_scoped3A : memref<!tpu.dma_semaphore, #tpu.memory_space<semaphore_mem>>) src(%arg13 : memref<128x128xf32, #tpu.memory_space<vmem>>) dst(%dma_wait3A_192 : memref<10112x128xf32, #tpu.memory_space<vmem_shared>>)
        tpu.yield
      }) : () -> ()
      %add3A_179 = arith.constant 1 : i32
      %add3A_180 = arith.addi %scan3A_147, %add3A_179 : i32
      %lt3A_181 = arith.constant 20 : i32
      %lt3A_182 = arith.cmpi slt, %add3A_180, %lt3A_181 : i32
      %convert_element_type3A_183 = arith.extui %lt3A_182 : i1 to i32
      %cond3A_184 = arith.constant 0 : i32
      %cond3A_185 = arith.cmpi ne, %convert_element_type3A_183, %cond3A_184 : i32
      scf.if %cond3A_185 {
        %add3A_187 = arith.constant 2 : i32
        %add3A_188 = arith.addi %mul3A_150, %add3A_187 : i32
        %mul3A_189 = arith.constant 128 : i32
        %mul3A_190 = arith.muli %add3A_188, %mul3A_189 : i32
        %add3A_191 = arith.addi %add3A_76, %mul3A_190 : i32
        %multiple_of3A_192 = tpu.assume_multiple %add3A_191, 128 : i32
        %dma_wait3A_193 = tpu.memref_slice %arg3[%multiple_of3A_192] : memref<491520xi32, #tpu.memory_space<hbm>> -> memref<128xi32, #tpu.memory_space<hbm>>
        %dma_wait3A_194 = tpu.memref_slice %arg3[%multiple_of3A_192] : memref<491520xi32, #tpu.memory_space<hbm>> -> memref<128xi32, #tpu.memory_space<hbm>>
        tpu.wait_dma2 semaphore(%arg14 : memref<!tpu.dma_semaphore, #tpu.memory_space<semaphore_mem>>) src(%dma_wait3A_194 : memref<128xi32, #tpu.memory_space<hbm>>) dst(%arg8 : memref<128xi32, #tpu.memory_space<vmem>>)
        %add3A_195 = arith.constant 2 : i32
        %add3A_196 = arith.addi %mul3A_150, %add3A_195 : i32
        %mul3A_197 = arith.constant 128 : i32
        %mul3A_198 = arith.muli %add3A_196, %mul3A_197 : i32
        %add3A_199 = arith.addi %add3A_76, %mul3A_198 : i32
        %multiple_of3A_200 = tpu.assume_multiple %add3A_199, 128 : i32
        %dma_wait3A_201 = tpu.memref_slice %arg4[%multiple_of3A_200] : memref<491520xi32, #tpu.memory_space<hbm>> -> memref<128xi32, #tpu.memory_space<hbm>>
        %dma_wait3A_202 = tpu.memref_slice %arg4[%multiple_of3A_200] : memref<491520xi32, #tpu.memory_space<hbm>> -> memref<128xi32, #tpu.memory_space<hbm>>
        tpu.wait_dma2 semaphore(%arg14 : memref<!tpu.dma_semaphore, #tpu.memory_space<semaphore_mem>>) src(%dma_wait3A_202 : memref<128xi32, #tpu.memory_space<hbm>>) dst(%arg10 : memref<128xi32, #tpu.memory_space<vmem>>)
        %dma_start3A_203 = arith.constant 0 : i32
        %dma_start3A_204 = arith.constant 0 : i32
        %dma_start3A_205 = tpu.memref_slice %arg2[%dma_start3A_203, %dma_start3A_204] : memref<10000x128xf32, #tpu.memory_space<hbm>> -> memref<10000x128xf32, #tpu.memory_space<hbm>>
        tpu.enqueue_indirect_dma source(%dma_start3A_205 : memref<10000x128xf32, #tpu.memory_space<hbm>>) target(%arg12 : memref<128x128xf32, #tpu.memory_space<vmem>>) offsets(%arg8 : memref<128xi32, #tpu.memory_space<vmem>>) semaphore(%arg16 : memref<!tpu.dma_semaphore, #tpu.memory_space<semaphore_mem>>)
        %add3A_206 = arith.constant 3 : i32
        %add3A_207 = arith.addi %mul3A_150, %add3A_206 : i32
        %mul3A_208 = arith.constant 128 : i32
        %mul3A_209 = arith.muli %add3A_207, %mul3A_208 : i32
        %add3A_210 = arith.addi %add3A_76, %mul3A_209 : i32
        %multiple_of3A_211 = tpu.assume_multiple %add3A_210, 128 : i32
        %dma_start3A_212 = tpu.memref_slice %arg3[%multiple_of3A_211] : memref<491520xi32, #tpu.memory_space<hbm>> -> memref<128xi32, #tpu.memory_space<hbm>>
        %dma_start3A_213 = tpu.memref_slice %arg3[%multiple_of3A_211] : memref<491520xi32, #tpu.memory_space<hbm>> -> memref<128xi32, #tpu.memory_space<hbm>>
        tpu.enqueue_dma source(%dma_start3A_213 : memref<128xi32, #tpu.memory_space<hbm>>) target(%arg9 : memref<128xi32, #tpu.memory_space<vmem>>) target_semaphore(%arg15 : memref<!tpu.dma_semaphore, #tpu.memory_space<semaphore_mem>>)
        %add3A_214 = arith.constant 3 : i32
        %add3A_215 = arith.addi %mul3A_150, %add3A_214 : i32
        %mul3A_216 = arith.constant 128 : i32
        %mul3A_217 = arith.muli %add3A_215, %mul3A_216 : i32
        %add3A_218 = arith.addi %add3A_76, %mul3A_217 : i32
        %multiple_of3A_219 = tpu.assume_multiple %add3A_218, 128 : i32
        %dma_start3A_220 = tpu.memref_slice %arg4[%multiple_of3A_219] : memref<491520xi32, #tpu.memory_space<hbm>> -> memref<128xi32, #tpu.memory_space<hbm>>
        %dma_start3A_221 = tpu.memref_slice %arg4[%multiple_of3A_219] : memref<491520xi32, #tpu.memory_space<hbm>> -> memref<128xi32, #tpu.memory_space<hbm>>
        tpu.enqueue_dma source(%dma_start3A_221 : memref<128xi32, #tpu.memory_space<hbm>>) target(%arg11 : memref<128xi32, #tpu.memory_space<vmem>>) target_semaphore(%arg15 : memref<!tpu.dma_semaphore, #tpu.memory_space<semaphore_mem>>)
      } else {
      }
      %scan3A_186 = arith.constant 0 : i32
      scf.yield %scan3A_186 : i32
    }
    %scan3A_103 = arith.constant 20 : i32
    %barrier3A_104 = arith.constant 0 : index
    tpu.barrier barrier_id(%barrier3A_104)
    %mul3A_105 = arith.constant 40448 : i32
    %mul3A_106 = arith.muli %arg0, %mul3A_105 : i32
    %add3A_107 = arith.constant 20224 : i32
    %add3A_108 = arith.addi %mul3A_106, %add3A_107 : i32
    %add3A_109 = arith.addi %add3A_108, %mul3A_2 : i32
    "tpu.region"() ({
      %run_scoped3A = tpu.sem_alloc : memref<!tpu.dma_semaphore, #tpu.memory_space<semaphore_mem>>
      %dma_start3A_147 = arith.constant 0 : i32
      %dma_start3A_148 = tpu.memref_slice %arg6[%add3A_109, %dma_start3A_147] : memref<80896x128xf32, #tpu.memory_space<hbm>> -> memref<632x128xf32, #tpu.memory_space<hbm>>
      %dma_start3A_149 = arith.constant 0 : i32
      %dma_start3A_150 = tpu.memref_slice %arg7[%mul3A_2, %dma_start3A_149] : memref<10112x128xf32, #tpu.memory_space<vmem_shared>> -> memref<632x128xf32, #tpu.memory_space<vmem_shared>>
      tpu.enqueue_dma source(%dma_start3A_150 : memref<632x128xf32, #tpu.memory_space<vmem_shared>>) target(%dma_start3A_148 : memref<632x128xf32, #tpu.memory_space<hbm>>) target_semaphore(%run_scoped3A : memref<!tpu.dma_semaphore, #tpu.memory_space<semaphore_mem>>)
      %dma_wait3A = arith.constant 0 : i32
      %dma_wait3A_151 = tpu.memref_slice %arg6[%add3A_109, %dma_wait3A] : memref<80896x128xf32, #tpu.memory_space<hbm>> -> memref<632x128xf32, #tpu.memory_space<hbm>>
      %dma_wait3A_152 = arith.constant 0 : i32
      %dma_wait3A_153 = tpu.memref_slice %arg7[%mul3A_2, %dma_wait3A_152] : memref<10112x128xf32, #tpu.memory_space<vmem_shared>> -> memref<632x128xf32, #tpu.memory_space<vmem_shared>>
      tpu.wait_dma2 semaphore(%run_scoped3A : memref<!tpu.dma_semaphore, #tpu.memory_space<semaphore_mem>>) src(%dma_wait3A_153 : memref<632x128xf32, #tpu.memory_space<vmem_shared>>) dst(%dma_wait3A_151 : memref<632x128xf32, #tpu.memory_space<hbm>>)
      tpu.yield
    }) : () -> ()
    %mul3A_110 = arith.constant 5120 : i32
    %mul3A_111 = arith.muli %add3A, %mul3A_110 : i32
    %add3A_112 = arith.constant 327680 : i32
    %add3A_113 = arith.addi %add3A_112, %mul3A_111 : i32
    "tpu.region"() ({
      %run_scoped3A = tpu.sem_alloc : memref<!tpu.dma_semaphore, #tpu.memory_space<semaphore_mem>>
      %dma_start3A_147 = arith.constant 0 : i32
      %dma_start3A_148 = tpu.memref_slice %arg7[%mul3A_2, %dma_start3A_147] : memref<10112x128xf32, #tpu.memory_space<vmem_shared>> -> memref<632x128xf32, #tpu.memory_space<vmem_shared>>
      tpu.enqueue_dma source(%arg5 : memref<632x128xf32, #tpu.memory_space<hbm>>) target(%dma_start3A_148 : memref<632x128xf32, #tpu.memory_space<vmem_shared>>) target_semaphore(%run_scoped3A : memref<!tpu.dma_semaphore, #tpu.memory_space<semaphore_mem>>)
      %dma_wait3A = arith.constant 0 : i32
      %dma_wait3A_149 = tpu.memref_slice %arg7[%mul3A_2, %dma_wait3A] : memref<10112x128xf32, #tpu.memory_space<vmem_shared>> -> memref<632x128xf32, #tpu.memory_space<vmem_shared>>
      tpu.wait_dma2 semaphore(%run_scoped3A : memref<!tpu.dma_semaphore, #tpu.memory_space<semaphore_mem>>) src(%arg5 : memref<632x128xf32, #tpu.memory_space<hbm>>) dst(%dma_wait3A_149 : memref<632x128xf32, #tpu.memory_space<vmem_shared>>)
      tpu.yield
    }) : () -> ()
    %barrier3A_114 = arith.constant 0 : index
    tpu.barrier barrier_id(%barrier3A_114)
    %add3A_115 = arith.constant 0 : i32
    %add3A_116 = arith.addi %add3A_113, %add3A_115 : i32
    %multiple_of3A_117 = tpu.assume_multiple %add3A_116, 128 : i32
    "tpu.region"() ({
      %run_scoped3A = tpu.sem_alloc : memref<!tpu.dma_semaphore, #tpu.memory_space<semaphore_mem>>
      %dma_start3A_147 = tpu.memref_slice %arg3[%multiple_of3A_117] : memref<491520xi32, #tpu.memory_space<hbm>> -> memref<128xi32, #tpu.memory_space<hbm>>
      %dma_start3A_148 = tpu.memref_slice %arg3[%multiple_of3A_117] : memref<491520xi32, #tpu.memory_space<hbm>> -> memref<128xi32, #tpu.memory_space<hbm>>
      tpu.enqueue_dma source(%dma_start3A_148 : memref<128xi32, #tpu.memory_space<hbm>>) target(%arg8 : memref<128xi32, #tpu.memory_space<vmem>>) target_semaphore(%run_scoped3A : memref<!tpu.dma_semaphore, #tpu.memory_space<semaphore_mem>>)
      %dma_wait3A = tpu.memref_slice %arg3[%multiple_of3A_117] : memref<491520xi32, #tpu.memory_space<hbm>> -> memref<128xi32, #tpu.memory_space<hbm>>
      %dma_wait3A_149 = tpu.memref_slice %arg3[%multiple_of3A_117] : memref<491520xi32, #tpu.memory_space<hbm>> -> memref<128xi32, #tpu.memory_space<hbm>>
      tpu.wait_dma2 semaphore(%run_scoped3A : memref<!tpu.dma_semaphore, #tpu.memory_space<semaphore_mem>>) src(%dma_wait3A_149 : memref<128xi32, #tpu.memory_space<hbm>>) dst(%arg8 : memref<128xi32, #tpu.memory_space<vmem>>)
      tpu.yield
    }) : () -> ()
    %add3A_118 = arith.constant 0 : i32
    %add3A_119 = arith.addi %add3A_113, %add3A_118 : i32
    %multiple_of3A_120 = tpu.assume_multiple %add3A_119, 128 : i32
    "tpu.region"() ({
      %run_scoped3A = tpu.sem_alloc : memref<!tpu.dma_semaphore, #tpu.memory_space<semaphore_mem>>
      %dma_start3A_147 = tpu.memref_slice %arg4[%multiple_of3A_120] : memref<491520xi32, #tpu.memory_space<hbm>> -> memref<128xi32, #tpu.memory_space<hbm>>
      %dma_start3A_148 = tpu.memref_slice %arg4[%multiple_of3A_120] : memref<491520xi32, #tpu.memory_space<hbm>> -> memref<128xi32, #tpu.memory_space<hbm>>
      tpu.enqueue_dma source(%dma_start3A_148 : memref<128xi32, #tpu.memory_space<hbm>>) target(%arg10 : memref<128xi32, #tpu.memory_space<vmem>>) target_semaphore(%run_scoped3A : memref<!tpu.dma_semaphore, #tpu.memory_space<semaphore_mem>>)
      %dma_wait3A = tpu.memref_slice %arg4[%multiple_of3A_120] : memref<491520xi32, #tpu.memory_space<hbm>> -> memref<128xi32, #tpu.memory_space<hbm>>
      %dma_wait3A_149 = tpu.memref_slice %arg4[%multiple_of3A_120] : memref<491520xi32, #tpu.memory_space<hbm>> -> memref<128xi32, #tpu.memory_space<hbm>>
      tpu.wait_dma2 semaphore(%run_scoped3A : memref<!tpu.dma_semaphore, #tpu.memory_space<semaphore_mem>>) src(%dma_wait3A_149 : memref<128xi32, #tpu.memory_space<hbm>>) dst(%arg10 : memref<128xi32, #tpu.memory_space<vmem>>)
      tpu.yield
    }) : () -> ()
    %dma_start3A_121 = arith.constant 0 : i32
    %dma_start3A_122 = arith.constant 0 : i32
    %dma_start3A_123 = tpu.memref_slice %arg2[%dma_start3A_121, %dma_start3A_122] : memref<10000x128xf32, #tpu.memory_space<hbm>> -> memref<10000x128xf32, #tpu.memory_space<hbm>>
    tpu.enqueue_indirect_dma source(%dma_start3A_123 : memref<10000x128xf32, #tpu.memory_space<hbm>>) target(%arg12 : memref<128x128xf32, #tpu.memory_space<vmem>>) offsets(%arg8 : memref<128xi32, #tpu.memory_space<vmem>>) semaphore(%arg16 : memref<!tpu.dma_semaphore, #tpu.memory_space<semaphore_mem>>)
    %add3A_124 = arith.constant 128 : i32
    %add3A_125 = arith.addi %add3A_113, %add3A_124 : i32
    %multiple_of3A_126 = tpu.assume_multiple %add3A_125, 128 : i32
    %dma_start3A_127 = tpu.memref_slice %arg3[%multiple_of3A_126] : memref<491520xi32, #tpu.memory_space<hbm>> -> memref<128xi32, #tpu.memory_space<hbm>>
    %dma_start3A_128 = tpu.memref_slice %arg3[%multiple_of3A_126] : memref<491520xi32, #tpu.memory_space<hbm>> -> memref<128xi32, #tpu.memory_space<hbm>>
    tpu.enqueue_dma source(%dma_start3A_128 : memref<128xi32, #tpu.memory_space<hbm>>) target(%arg9 : memref<128xi32, #tpu.memory_space<vmem>>) target_semaphore(%arg15 : memref<!tpu.dma_semaphore, #tpu.memory_space<semaphore_mem>>)
    %add3A_129 = arith.constant 128 : i32
    %add3A_130 = arith.addi %add3A_113, %add3A_129 : i32
    %multiple_of3A_131 = tpu.assume_multiple %add3A_130, 128 : i32
    %dma_start3A_132 = tpu.memref_slice %arg4[%multiple_of3A_131] : memref<491520xi32, #tpu.memory_space<hbm>> -> memref<128xi32, #tpu.memory_space<hbm>>
    %dma_start3A_133 = tpu.memref_slice %arg4[%multiple_of3A_131] : memref<491520xi32, #tpu.memory_space<hbm>> -> memref<128xi32, #tpu.memory_space<hbm>>
    tpu.enqueue_dma source(%dma_start3A_133 : memref<128xi32, #tpu.memory_space<hbm>>) target(%arg11 : memref<128xi32, #tpu.memory_space<vmem>>) target_semaphore(%arg15 : memref<!tpu.dma_semaphore, #tpu.memory_space<semaphore_mem>>)
    %scan3A_134 = arith.constant 0 : i32
    %scan3A_135 = arith.constant 0 : i32
    %scan3A_136 = arith.constant 20 : i32
    %scan3A_137 = arith.addi %scan3A_135, %scan3A_136 : i32
    %scan3A_138 = arith.constant 1 : i32
    %scan3A_139 = scf.for %scan3A_147 = %scan3A_135 to %scan3A_137 step %scan3A_138 iter_args(%scan3A_148 = %scan3A_134) -> (i32)  : i32 {
      %mul3A_149 = arith.constant 2 : i32
      %mul3A_150 = arith.muli %scan3A_147, %mul3A_149 : i32
      %add3A_151 = arith.constant 1 : i32
      %add3A_152 = arith.addi %mul3A_150, %add3A_151 : i32
      %mul3A_153 = arith.constant 128 : i32
      %mul3A_154 = arith.muli %add3A_152, %mul3A_153 : i32
      %add3A_155 = arith.addi %add3A_113, %mul3A_154 : i32
      %multiple_of3A_156 = tpu.assume_multiple %add3A_155, 128 : i32
      %dma_wait3A = tpu.memref_slice %arg3[%multiple_of3A_156] : memref<491520xi32, #tpu.memory_space<hbm>> -> memref<128xi32, #tpu.memory_space<hbm>>
      %dma_wait3A_157 = tpu.memref_slice %arg3[%multiple_of3A_156] : memref<491520xi32, #tpu.memory_space<hbm>> -> memref<128xi32, #tpu.memory_space<hbm>>
      tpu.wait_dma2 semaphore(%arg15 : memref<!tpu.dma_semaphore, #tpu.memory_space<semaphore_mem>>) src(%dma_wait3A_157 : memref<128xi32, #tpu.memory_space<hbm>>) dst(%arg9 : memref<128xi32, #tpu.memory_space<vmem>>)
      %add3A_158 = arith.constant 1 : i32
      %add3A_159 = arith.addi %mul3A_150, %add3A_158 : i32
      %mul3A_160 = arith.constant 128 : i32
      %mul3A_161 = arith.muli %add3A_159, %mul3A_160 : i32
      %add3A_162 = arith.addi %add3A_113, %mul3A_161 : i32
      %multiple_of3A_163 = tpu.assume_multiple %add3A_162, 128 : i32
      %dma_wait3A_164 = tpu.memref_slice %arg4[%multiple_of3A_163] : memref<491520xi32, #tpu.memory_space<hbm>> -> memref<128xi32, #tpu.memory_space<hbm>>
      %dma_wait3A_165 = tpu.memref_slice %arg4[%multiple_of3A_163] : memref<491520xi32, #tpu.memory_space<hbm>> -> memref<128xi32, #tpu.memory_space<hbm>>
      tpu.wait_dma2 semaphore(%arg15 : memref<!tpu.dma_semaphore, #tpu.memory_space<semaphore_mem>>) src(%dma_wait3A_165 : memref<128xi32, #tpu.memory_space<hbm>>) dst(%arg11 : memref<128xi32, #tpu.memory_space<vmem>>)
      %dma_start3A_166 = arith.constant 0 : i32
      %dma_start3A_167 = arith.constant 0 : i32
      %dma_start3A_168 = tpu.memref_slice %arg2[%dma_start3A_166, %dma_start3A_167] : memref<10000x128xf32, #tpu.memory_space<hbm>> -> memref<10000x128xf32, #tpu.memory_space<hbm>>
      tpu.enqueue_indirect_dma source(%dma_start3A_168 : memref<10000x128xf32, #tpu.memory_space<hbm>>) target(%arg13 : memref<128x128xf32, #tpu.memory_space<vmem>>) offsets(%arg9 : memref<128xi32, #tpu.memory_space<vmem>>) semaphore(%arg17 : memref<!tpu.dma_semaphore, #tpu.memory_space<semaphore_mem>>)
      %dma_wait3A_169 = arith.constant 0 : i32
      %dma_wait3A_170 = arith.constant 0 : i32
      %dma_wait3A_171 = tpu.memref_slice %arg2[%dma_wait3A_169, %dma_wait3A_170] : memref<10000x128xf32, #tpu.memory_space<hbm>> -> memref<10000x128xf32, #tpu.memory_space<hbm>>
      tpu.wait_indirect_dma semaphore(%arg16 : memref<!tpu.dma_semaphore, #tpu.memory_space<semaphore_mem>>) src(%dma_wait3A_171 : memref<10000x128xf32, #tpu.memory_space<hbm>>) dst(%arg12 : memref<128x128xf32, #tpu.memory_space<vmem>>)
      "tpu.region"() ({
        %run_scoped3A = tpu.sem_alloc : memref<!tpu.dma_semaphore, #tpu.memory_space<semaphore_mem>>
        %dma_start3A_187 = arith.constant 0 : i32
        %dma_start3A_188 = arith.constant 0 : i32
        %dma_start3A_189 = tpu.memref_slice %arg7[%dma_start3A_187, %dma_start3A_188] : memref<10112x128xf32, #tpu.memory_space<vmem_shared>> -> memref<10112x128xf32, #tpu.memory_space<vmem_shared>>
        tpu.enqueue_indirect_dma source(%arg12 : memref<128x128xf32, #tpu.memory_space<vmem>>) target(%dma_start3A_189 : memref<10112x128xf32, #tpu.memory_space<vmem_shared>>) offsets(%arg10 : memref<128xi32, #tpu.memory_space<vmem>>) semaphore(%run_scoped3A : memref<!tpu.dma_semaphore, #tpu.memory_space<semaphore_mem>>) {add = true}
        %dma_wait3A_190 = arith.constant 0 : i32
        %dma_wait3A_191 = arith.constant 0 : i32
        %dma_wait3A_192 = tpu.memref_slice %arg7[%dma_wait3A_190, %dma_wait3A_191] : memref<10112x128xf32, #tpu.memory_space<vmem_shared>> -> memref<10112x128xf32, #tpu.memory_space<vmem_shared>>
        tpu.wait_indirect_dma semaphore(%run_scoped3A : memref<!tpu.dma_semaphore, #tpu.memory_space<semaphore_mem>>) src(%arg12 : memref<128x128xf32, #tpu.memory_space<vmem>>) dst(%dma_wait3A_192 : memref<10112x128xf32, #tpu.memory_space<vmem_shared>>)
        tpu.yield
      }) : () -> ()
      %add3A_172 = arith.constant 1 : i32
      %add3A_173 = arith.addi %scan3A_147, %add3A_172 : i32
      %lt3A = arith.constant 20 : i32
      %lt3A_174 = arith.cmpi slt, %add3A_173, %lt3A : i32
      %convert_element_type3A = arith.extui %lt3A_174 : i1 to i32
      %cond3A = arith.constant 0 : i32
      %cond3A_175 = arith.cmpi ne, %convert_element_type3A, %cond3A : i32
      scf.if %cond3A_175 {
        %add3A_187 = arith.constant 2 : i32
        %add3A_188 = arith.addi %mul3A_150, %add3A_187 : i32
        %mul3A_189 = arith.constant 128 : i32
        %mul3A_190 = arith.muli %add3A_188, %mul3A_189 : i32
        %add3A_191 = arith.addi %add3A_113, %mul3A_190 : i32
        %multiple_of3A_192 = tpu.assume_multiple %add3A_191, 128 : i32
        %dma_start3A_193 = tpu.memref_slice %arg3[%multiple_of3A_192] : memref<491520xi32, #tpu.memory_space<hbm>> -> memref<128xi32, #tpu.memory_space<hbm>>
        %dma_start3A_194 = tpu.memref_slice %arg3[%multiple_of3A_192] : memref<491520xi32, #tpu.memory_space<hbm>> -> memref<128xi32, #tpu.memory_space<hbm>>
        tpu.enqueue_dma source(%dma_start3A_194 : memref<128xi32, #tpu.memory_space<hbm>>) target(%arg8 : memref<128xi32, #tpu.memory_space<vmem>>) target_semaphore(%arg14 : memref<!tpu.dma_semaphore, #tpu.memory_space<semaphore_mem>>)
        %add3A_195 = arith.constant 2 : i32
        %add3A_196 = arith.addi %mul3A_150, %add3A_195 : i32
        %mul3A_197 = arith.constant 128 : i32
        %mul3A_198 = arith.muli %add3A_196, %mul3A_197 : i32
        %add3A_199 = arith.addi %add3A_113, %mul3A_198 : i32
        %multiple_of3A_200 = tpu.assume_multiple %add3A_199, 128 : i32
        %dma_start3A_201 = tpu.memref_slice %arg4[%multiple_of3A_200] : memref<491520xi32, #tpu.memory_space<hbm>> -> memref<128xi32, #tpu.memory_space<hbm>>
        %dma_start3A_202 = tpu.memref_slice %arg4[%multiple_of3A_200] : memref<491520xi32, #tpu.memory_space<hbm>> -> memref<128xi32, #tpu.memory_space<hbm>>
        tpu.enqueue_dma source(%dma_start3A_202 : memref<128xi32, #tpu.memory_space<hbm>>) target(%arg10 : memref<128xi32, #tpu.memory_space<vmem>>) target_semaphore(%arg14 : memref<!tpu.dma_semaphore, #tpu.memory_space<semaphore_mem>>)
      } else {
      }
      %dma_wait3A_176 = arith.constant 0 : i32
      %dma_wait3A_177 = arith.constant 0 : i32
      %dma_wait3A_178 = tpu.memref_slice %arg2[%dma_wait3A_176, %dma_wait3A_177] : memref<10000x128xf32, #tpu.memory_space<hbm>> -> memref<10000x128xf32, #tpu.memory_space<hbm>>
      tpu.wait_indirect_dma semaphore(%arg17 : memref<!tpu.dma_semaphore, #tpu.memory_space<semaphore_mem>>) src(%dma_wait3A_178 : memref<10000x128xf32, #tpu.memory_space<hbm>>) dst(%arg13 : memref<128x128xf32, #tpu.memory_space<vmem>>)
      "tpu.region"() ({
        %run_scoped3A = tpu.sem_alloc : memref<!tpu.dma_semaphore, #tpu.memory_space<semaphore_mem>>
        %dma_start3A_187 = arith.constant 0 : i32
        %dma_start3A_188 = arith.constant 0 : i32
        %dma_start3A_189 = tpu.memref_slice %arg7[%dma_start3A_187, %dma_start3A_188] : memref<10112x128xf32, #tpu.memory_space<vmem_shared>> -> memref<10112x128xf32, #tpu.memory_space<vmem_shared>>
        tpu.enqueue_indirect_dma source(%arg13 : memref<128x128xf32, #tpu.memory_space<vmem>>) target(%dma_start3A_189 : memref<10112x128xf32, #tpu.memory_space<vmem_shared>>) offsets(%arg11 : memref<128xi32, #tpu.memory_space<vmem>>) semaphore(%run_scoped3A : memref<!tpu.dma_semaphore, #tpu.memory_space<semaphore_mem>>) {add = true}
        %dma_wait3A_190 = arith.constant 0 : i32
        %dma_wait3A_191 = arith.constant 0 : i32
        %dma_wait3A_192 = tpu.memref_slice %arg7[%dma_wait3A_190, %dma_wait3A_191] : memref<10112x128xf32, #tpu.memory_space<vmem_shared>> -> memref<10112x128xf32, #tpu.memory_space<vmem_shared>>
        tpu.wait_indirect_dma semaphore(%run_scoped3A : memref<!tpu.dma_semaphore, #tpu.memory_space<semaphore_mem>>) src(%arg13 : memref<128x128xf32, #tpu.memory_space<vmem>>) dst(%dma_wait3A_192 : memref<10112x128xf32, #tpu.memory_space<vmem_shared>>)
        tpu.yield
      }) : () -> ()
      %add3A_179 = arith.constant 1 : i32
      %add3A_180 = arith.addi %scan3A_147, %add3A_179 : i32
      %lt3A_181 = arith.constant 20 : i32
      %lt3A_182 = arith.cmpi slt, %add3A_180, %lt3A_181 : i32
      %convert_element_type3A_183 = arith.extui %lt3A_182 : i1 to i32
      %cond3A_184 = arith.constant 0 : i32
      %cond3A_185 = arith.cmpi ne, %convert_element_type3A_183, %cond3A_184 : i32
      scf.if %cond3A_185 {
        %add3A_187 = arith.constant 2 : i32
        %add3A_188 = arith.addi %mul3A_150, %add3A_187 : i32
        %mul3A_189 = arith.constant 128 : i32
        %mul3A_190 = arith.muli %add3A_188, %mul3A_189 : i32
        %add3A_191 = arith.addi %add3A_113, %mul3A_190 : i32
        %multiple_of3A_192 = tpu.assume_multiple %add3A_191, 128 : i32
        %dma_wait3A_193 = tpu.memref_slice %arg3[%multiple_of3A_192] : memref<491520xi32, #tpu.memory_space<hbm>> -> memref<128xi32, #tpu.memory_space<hbm>>
        %dma_wait3A_194 = tpu.memref_slice %arg3[%multiple_of3A_192] : memref<491520xi32, #tpu.memory_space<hbm>> -> memref<128xi32, #tpu.memory_space<hbm>>
        tpu.wait_dma2 semaphore(%arg14 : memref<!tpu.dma_semaphore, #tpu.memory_space<semaphore_mem>>) src(%dma_wait3A_194 : memref<128xi32, #tpu.memory_space<hbm>>) dst(%arg8 : memref<128xi32, #tpu.memory_space<vmem>>)
        %add3A_195 = arith.constant 2 : i32
        %add3A_196 = arith.addi %mul3A_150, %add3A_195 : i32
        %mul3A_197 = arith.constant 128 : i32
        %mul3A_198 = arith.muli %add3A_196, %mul3A_197 : i32
        %add3A_199 = arith.addi %add3A_113, %mul3A_198 : i32
        %multiple_of3A_200 = tpu.assume_multiple %add3A_199, 128 : i32
        %dma_wait3A_201 = tpu.memref_slice %arg4[%multiple_of3A_200] : memref<491520xi32, #tpu.memory_space<hbm>> -> memref<128xi32, #tpu.memory_space<hbm>>
        %dma_wait3A_202 = tpu.memref_slice %arg4[%multiple_of3A_200] : memref<491520xi32, #tpu.memory_space<hbm>> -> memref<128xi32, #tpu.memory_space<hbm>>
        tpu.wait_dma2 semaphore(%arg14 : memref<!tpu.dma_semaphore, #tpu.memory_space<semaphore_mem>>) src(%dma_wait3A_202 : memref<128xi32, #tpu.memory_space<hbm>>) dst(%arg10 : memref<128xi32, #tpu.memory_space<vmem>>)
        %dma_start3A_203 = arith.constant 0 : i32
        %dma_start3A_204 = arith.constant 0 : i32
        %dma_start3A_205 = tpu.memref_slice %arg2[%dma_start3A_203, %dma_start3A_204] : memref<10000x128xf32, #tpu.memory_space<hbm>> -> memref<10000x128xf32, #tpu.memory_space<hbm>>
        tpu.enqueue_indirect_dma source(%dma_start3A_205 : memref<10000x128xf32, #tpu.memory_space<hbm>>) target(%arg12 : memref<128x128xf32, #tpu.memory_space<vmem>>) offsets(%arg8 : memref<128xi32, #tpu.memory_space<vmem>>) semaphore(%arg16 : memref<!tpu.dma_semaphore, #tpu.memory_space<semaphore_mem>>)
        %add3A_206 = arith.constant 3 : i32
        %add3A_207 = arith.addi %mul3A_150, %add3A_206 : i32
        %mul3A_208 = arith.constant 128 : i32
        %mul3A_209 = arith.muli %add3A_207, %mul3A_208 : i32
        %add3A_210 = arith.addi %add3A_113, %mul3A_209 : i32
        %multiple_of3A_211 = tpu.assume_multiple %add3A_210, 128 : i32
        %dma_start3A_212 = tpu.memref_slice %arg3[%multiple_of3A_211] : memref<491520xi32, #tpu.memory_space<hbm>> -> memref<128xi32, #tpu.memory_space<hbm>>
        %dma_start3A_213 = tpu.memref_slice %arg3[%multiple_of3A_211] : memref<491520xi32, #tpu.memory_space<hbm>> -> memref<128xi32, #tpu.memory_space<hbm>>
        tpu.enqueue_dma source(%dma_start3A_213 : memref<128xi32, #tpu.memory_space<hbm>>) target(%arg9 : memref<128xi32, #tpu.memory_space<vmem>>) target_semaphore(%arg15 : memref<!tpu.dma_semaphore, #tpu.memory_space<semaphore_mem>>)
        %add3A_214 = arith.constant 3 : i32
        %add3A_215 = arith.addi %mul3A_150, %add3A_214 : i32
        %mul3A_216 = arith.constant 128 : i32
        %mul3A_217 = arith.muli %add3A_215, %mul3A_216 : i32
        %add3A_218 = arith.addi %add3A_113, %mul3A_217 : i32
        %multiple_of3A_219 = tpu.assume_multiple %add3A_218, 128 : i32
        %dma_start3A_220 = tpu.memref_slice %arg4[%multiple_of3A_219] : memref<491520xi32, #tpu.memory_space<hbm>> -> memref<128xi32, #tpu.memory_space<hbm>>
        %dma_start3A_221 = tpu.memref_slice %arg4[%multiple_of3A_219] : memref<491520xi32, #tpu.memory_space<hbm>> -> memref<128xi32, #tpu.memory_space<hbm>>
        tpu.enqueue_dma source(%dma_start3A_221 : memref<128xi32, #tpu.memory_space<hbm>>) target(%arg11 : memref<128xi32, #tpu.memory_space<vmem>>) target_semaphore(%arg15 : memref<!tpu.dma_semaphore, #tpu.memory_space<semaphore_mem>>)
      } else {
      }
      %scan3A_186 = arith.constant 0 : i32
      scf.yield %scan3A_186 : i32
    }
    %scan3A_140 = arith.constant 20 : i32
    %barrier3A_141 = arith.constant 0 : index
    tpu.barrier barrier_id(%barrier3A_141)
    %mul3A_142 = arith.constant 40448 : i32
    %mul3A_143 = arith.muli %arg0, %mul3A_142 : i32
    %add3A_144 = arith.constant 30336 : i32
    %add3A_145 = arith.addi %mul3A_143, %add3A_144 : i32
    %add3A_146 = arith.addi %add3A_145, %mul3A_2 : i32
    "tpu.region"() ({
      %run_scoped3A = tpu.sem_alloc : memref<!tpu.dma_semaphore, #tpu.memory_space<semaphore_mem>>
      %dma_start3A_147 = arith.constant 0 : i32
      %dma_start3A_148 = tpu.memref_slice %arg6[%add3A_146, %dma_start3A_147] : memref<80896x128xf32, #tpu.memory_space<hbm>> -> memref<632x128xf32, #tpu.memory_space<hbm>>
      %dma_start3A_149 = arith.constant 0 : i32
      %dma_start3A_150 = tpu.memref_slice %arg7[%mul3A_2, %dma_start3A_149] : memref<10112x128xf32, #tpu.memory_space<vmem_shared>> -> memref<632x128xf32, #tpu.memory_space<vmem_shared>>
      tpu.enqueue_dma source(%dma_start3A_150 : memref<632x128xf32, #tpu.memory_space<vmem_shared>>) target(%dma_start3A_148 : memref<632x128xf32, #tpu.memory_space<hbm>>) target_semaphore(%run_scoped3A : memref<!tpu.dma_semaphore, #tpu.memory_space<semaphore_mem>>)
      %dma_wait3A = arith.constant 0 : i32
      %dma_wait3A_151 = tpu.memref_slice %arg6[%add3A_146, %dma_wait3A] : memref<80896x128xf32, #tpu.memory_space<hbm>> -> memref<632x128xf32, #tpu.memory_space<hbm>>
      %dma_wait3A_152 = arith.constant 0 : i32
      %dma_wait3A_153 = tpu.memref_slice %arg7[%mul3A_2, %dma_wait3A_152] : memref<10112x128xf32, #tpu.memory_space<vmem_shared>> -> memref<632x128xf32, #tpu.memory_space<vmem_shared>>
      tpu.wait_dma2 semaphore(%run_scoped3A : memref<!tpu.dma_semaphore, #tpu.memory_space<semaphore_mem>>) src(%dma_wait3A_153 : memref<632x128xf32, #tpu.memory_space<vmem_shared>>) dst(%dma_wait3A_151 : memref<632x128xf32, #tpu.memory_space<hbm>>)
      tpu.yield
    }) : () -> ()
    return
  }
}

module attributes {stable_mosaic.version = 14 : i64} {
  func.func @_tc_body(%arg0: i32, %arg1: memref<1000x128xf32, #tpu.memory_space<vmem>>, %arg2: memref<2x4x1000x128xf32, #tpu.memory_space<vmem>>, %arg3: memref<1000x1xi32, #tpu.memory_space<vmem>>, %arg4: memref<4x384x128xf32, #tpu.memory_space<vmem>>, %arg5: memref<4x384x128xf32, #tpu.memory_space<vmem>>, %arg6: memref<24x128xf32, #tpu.memory_space<vmem>>, %arg7: memref<1536x128xf32, #tpu.memory_space<vmem>>, %arg8: memref<8x128xf32, #tpu.memory_space<vmem>>, %arg9: memref<1000x128xf32, #tpu.memory_space<vmem>>) attributes {dimension_semantics = [#tpu.dimension_semantics<arbitrary>], iteration_bounds = array<i64: 10>, scalar_prefetch = 0 : i64, scratch_operands = 0 : i64, tpu.core_type = #tpu.core_type<tc>, window_params = [{transform_indices = @transform_0, window_bounds = array<i64: 1000, 128>}, {transform_indices = @transform_1, window_bounds = array<i64: 2, 4, 1000, 128>}, {transform_indices = @transform_2, window_bounds = array<i64: 1000, 1>}, {pipeline_mode = #tpu.pipeline_mode<synchronous>, transform_indices = @transform_3, window_bounds = array<i64: 4, 384, 128>}, {pipeline_mode = #tpu.pipeline_mode<synchronous>, transform_indices = @transform_4, window_bounds = array<i64: 4, 384, 128>}, {pipeline_mode = #tpu.pipeline_mode<synchronous>, transform_indices = @transform_5, window_bounds = array<i64: 24, 128>}, {pipeline_mode = #tpu.pipeline_mode<synchronous>, transform_indices = @transform_6, window_bounds = array<i64: 1536, 128>}, {pipeline_mode = #tpu.pipeline_mode<synchronous>, transform_indices = @transform_7, window_bounds = array<i64: 8, 128>}, {transform_indices = @transform_8, window_bounds = array<i64: 1000, 128>}]} {
    %get3A = arith.constant 0 : index
    %get3A_0 = arith.constant 0 : index
    %get3A_1 = vector.load %arg3[%get3A, %get3A_0] : memref<1000x1xi32, #tpu.memory_space<vmem>>, vector<1000x1xi32>
    %eq3A = arith.constant 0 : i32
    %eq3A_2 = vector.broadcast %eq3A : i32 to vector<1000x1xi32>
    %eq3A_3 = arith.cmpi eq, %get3A_1, %eq3A_2 : vector<1000x1xi32>
    %eq3A_4 = arith.constant 1 : i32
    %eq3A_5 = vector.broadcast %eq3A_4 : i32 to vector<1000x1xi32>
    %eq3A_6 = arith.cmpi eq, %get3A_1, %eq3A_5 : vector<1000x1xi32>
    %eq3A_7 = arith.constant 2 : i32
    %eq3A_8 = vector.broadcast %eq3A_7 : i32 to vector<1000x1xi32>
    %eq3A_9 = arith.cmpi eq, %get3A_1, %eq3A_8 : vector<1000x1xi32>
    %get3A_10 = arith.constant 0 : index
    %get3A_11 = arith.constant 0 : index
    %get3A_12 = vector.load %arg1[%get3A_10, %get3A_11] : memref<1000x128xf32, #tpu.memory_space<vmem>>, vector<1000x128xf32>
    %get3A_13 = arith.constant 0 : index
    %get3A_14 = arith.constant 0 : index
    %get3A_15 = arith.constant 0 : index
    %get3A_16 = arith.constant 0 : index
    %get3A_17 = vector.load %arg2[%get3A_13, %get3A_14, %get3A_15, %get3A_16] : memref<2x4x1000x128xf32, #tpu.memory_space<vmem>>, vector<1x1x1000x128xf32>
    %get3A_18 = vector.shape_cast %get3A_17 : vector<1x1x1000x128xf32> to vector<1000x128xf32>
    %add3A = arith.addf %get3A_12, %get3A_18 : vector<1000x128xf32>
    %get3A_19 = arith.constant 1 : index
    %get3A_20 = arith.constant 0 : index
    %get3A_21 = arith.constant 0 : index
    %get3A_22 = arith.constant 0 : index
    %get3A_23 = vector.load %arg2[%get3A_19, %get3A_20, %get3A_21, %get3A_22] : memref<2x4x1000x128xf32, #tpu.memory_space<vmem>>, vector<1x1x1000x128xf32>
    %get3A_24 = vector.shape_cast %get3A_23 : vector<1x1x1000x128xf32> to vector<1000x128xf32>
    %add3A_25 = arith.addf %add3A, %get3A_24 : vector<1000x128xf32>
    %jit3A = arith.constant 0.000000e+00 : f32
    %broadcast_in_dim3A = vector.shape_cast %eq3A_3 : vector<1000x1xi1> to vector<1000x1xi1>
    %broadcast_in_dim3A_26 = vector.broadcast %broadcast_in_dim3A : vector<1000x1xi1> to vector<1000x128xi1>
    %broadcast_in_dim3A_27 = vector.broadcast %jit3A : f32 to vector<1000x128xf32>
    %select_n3A = arith.select %broadcast_in_dim3A_26, %add3A_25, %broadcast_in_dim3A_27 : vector<1000x128xi1>, vector<1000x128xf32>
    %jit3A_28 = arith.constant 0.000000e+00 : f32
    %broadcast_in_dim3A_29 = vector.shape_cast %eq3A_6 : vector<1000x1xi1> to vector<1000x1xi1>
    %broadcast_in_dim3A_30 = vector.broadcast %broadcast_in_dim3A_29 : vector<1000x1xi1> to vector<1000x128xi1>
    %broadcast_in_dim3A_31 = vector.broadcast %jit3A_28 : f32 to vector<1000x128xf32>
    %select_n3A_32 = arith.select %broadcast_in_dim3A_30, %add3A_25, %broadcast_in_dim3A_31 : vector<1000x128xi1>, vector<1000x128xf32>
    %jit3A_33 = arith.constant 0.000000e+00 : f32
    %broadcast_in_dim3A_34 = vector.shape_cast %eq3A_9 : vector<1000x1xi1> to vector<1000x1xi1>
    %broadcast_in_dim3A_35 = vector.broadcast %broadcast_in_dim3A_34 : vector<1000x1xi1> to vector<1000x128xi1>
    %broadcast_in_dim3A_36 = vector.broadcast %jit3A_33 : f32 to vector<1000x128xf32>
    %select_n3A_37 = arith.select %broadcast_in_dim3A_35, %add3A_25, %broadcast_in_dim3A_36 : vector<1000x128xi1>, vector<1000x128xf32>
    %concatenate3A = tpu.concatenate %select_n3A, %select_n3A_32, %select_n3A_37 in 1 : vector<1000x128xf32>, vector<1000x128xf32>, vector<1000x128xf32> -> vector<1000x384xf32>
    %get3A_38 = arith.constant 0 : index
    %get3A_39 = arith.constant 0 : index
    %get3A_40 = arith.constant 0 : index
    %get3A_41 = vector.load %arg4[%get3A_38, %get3A_39, %get3A_40] : memref<4x384x128xf32, #tpu.memory_space<vmem>>, vector<1x384x128xf32>
    %get3A_42 = vector.shape_cast %get3A_41 : vector<1x384x128xf32> to vector<384x128xf32>
    %dot_general3A = arith.constant dense<0.000000e+00> : vector<1000x128xf32>
    %dot_general3A_43 = tpu.matmul %concatenate3A, %get3A_42, %dot_general3A {dimension_numbers = #tpu.dot_dimension_numbers<[1], [0], [0], [1], [0, 0, 1, 1], [], []>, transpose_lhs_hint = false} : vector<1000x384xf32>, vector<384x128xf32>, vector<1000x128xf32> -> vector<1000x128xf32>
    %get3A_44 = arith.constant 0 : index
    %get3A_45 = arith.constant 0 : index
    %get3A_46 = vector.load %arg6[%get3A_44, %get3A_45] : memref<24x128xf32, #tpu.memory_space<vmem>>, vector<1x128xf32>
    %get3A_47 = vector.shape_cast %get3A_46 : vector<1x128xf32> to vector<128xf32>
    %jit3A_48 = arith.constant 0.000000e+00 : f32
    %broadcast_in_dim3A_49 = vector.shape_cast %eq3A_3 : vector<1000x1xi1> to vector<1000x1xi1>
    %broadcast_in_dim3A_50 = vector.broadcast %broadcast_in_dim3A_49 : vector<1000x1xi1> to vector<1000x128xi1>
    %broadcast_in_dim3A_51 = vector.shape_cast %get3A_47 : vector<128xf32> to vector<1x128xf32>
    %broadcast_in_dim3A_52 = vector.broadcast %broadcast_in_dim3A_51 : vector<1x128xf32> to vector<1000x128xf32>
    %broadcast_in_dim3A_53 = vector.broadcast %jit3A_48 : f32 to vector<1000x128xf32>
    %select_n3A_54 = arith.select %broadcast_in_dim3A_50, %broadcast_in_dim3A_52, %broadcast_in_dim3A_53 : vector<1000x128xi1>, vector<1000x128xf32>
    %get3A_55 = arith.constant 1 : index
    %get3A_56 = arith.constant 0 : index
    %get3A_57 = vector.load %arg6[%get3A_55, %get3A_56] : memref<24x128xf32, #tpu.memory_space<vmem>>, vector<1x128xf32>
    %get3A_58 = vector.shape_cast %get3A_57 : vector<1x128xf32> to vector<128xf32>
    %jit3A_59 = arith.constant 0.000000e+00 : f32
    %broadcast_in_dim3A_60 = vector.shape_cast %eq3A_6 : vector<1000x1xi1> to vector<1000x1xi1>
    %broadcast_in_dim3A_61 = vector.broadcast %broadcast_in_dim3A_60 : vector<1000x1xi1> to vector<1000x128xi1>
    %broadcast_in_dim3A_62 = vector.shape_cast %get3A_58 : vector<128xf32> to vector<1x128xf32>
    %broadcast_in_dim3A_63 = vector.broadcast %broadcast_in_dim3A_62 : vector<1x128xf32> to vector<1000x128xf32>
    %broadcast_in_dim3A_64 = vector.broadcast %jit3A_59 : f32 to vector<1000x128xf32>
    %select_n3A_65 = arith.select %broadcast_in_dim3A_61, %broadcast_in_dim3A_63, %broadcast_in_dim3A_64 : vector<1000x128xi1>, vector<1000x128xf32>
    %add3A_66 = arith.addf %select_n3A_54, %select_n3A_65 : vector<1000x128xf32>
    %get3A_67 = arith.constant 2 : index
    %get3A_68 = arith.constant 0 : index
    %get3A_69 = vector.load %arg6[%get3A_67, %get3A_68] : memref<24x128xf32, #tpu.memory_space<vmem>>, vector<1x128xf32>
    %get3A_70 = vector.shape_cast %get3A_69 : vector<1x128xf32> to vector<128xf32>
    %jit3A_71 = arith.constant 0.000000e+00 : f32
    %broadcast_in_dim3A_72 = vector.shape_cast %eq3A_9 : vector<1000x1xi1> to vector<1000x1xi1>
    %broadcast_in_dim3A_73 = vector.broadcast %broadcast_in_dim3A_72 : vector<1000x1xi1> to vector<1000x128xi1>
    %broadcast_in_dim3A_74 = vector.shape_cast %get3A_70 : vector<128xf32> to vector<1x128xf32>
    %broadcast_in_dim3A_75 = vector.broadcast %broadcast_in_dim3A_74 : vector<1x128xf32> to vector<1000x128xf32>
    %broadcast_in_dim3A_76 = vector.broadcast %jit3A_71 : f32 to vector<1000x128xf32>
    %select_n3A_77 = arith.select %broadcast_in_dim3A_73, %broadcast_in_dim3A_75, %broadcast_in_dim3A_76 : vector<1000x128xi1>, vector<1000x128xf32>
    %add3A_78 = arith.addf %add3A_66, %select_n3A_77 : vector<1000x128xf32>
    %add3A_79 = arith.addf %dot_general3A_43, %add3A_78 : vector<1000x128xf32>
    %max3A = arith.constant 0.000000e+00 : f32
    %max3A_80 = vector.broadcast %max3A : f32 to vector<1000x128xf32>
    %max3A_81 = arith.maximumf %add3A_79, %max3A_80 : vector<1000x128xf32>
    %jit3A_82 = arith.constant 0.000000e+00 : f32
    %broadcast_in_dim3A_83 = vector.shape_cast %eq3A_3 : vector<1000x1xi1> to vector<1000x1xi1>
    %broadcast_in_dim3A_84 = vector.broadcast %broadcast_in_dim3A_83 : vector<1000x1xi1> to vector<1000x128xi1>
    %broadcast_in_dim3A_85 = vector.broadcast %jit3A_82 : f32 to vector<1000x128xf32>
    %select_n3A_86 = arith.select %broadcast_in_dim3A_84, %max3A_81, %broadcast_in_dim3A_85 : vector<1000x128xi1>, vector<1000x128xf32>
    %jit3A_87 = arith.constant 0.000000e+00 : f32
    %broadcast_in_dim3A_88 = vector.shape_cast %eq3A_6 : vector<1000x1xi1> to vector<1000x1xi1>
    %broadcast_in_dim3A_89 = vector.broadcast %broadcast_in_dim3A_88 : vector<1000x1xi1> to vector<1000x128xi1>
    %broadcast_in_dim3A_90 = vector.broadcast %jit3A_87 : f32 to vector<1000x128xf32>
    %select_n3A_91 = arith.select %broadcast_in_dim3A_89, %max3A_81, %broadcast_in_dim3A_90 : vector<1000x128xi1>, vector<1000x128xf32>
    %jit3A_92 = arith.constant 0.000000e+00 : f32
    %broadcast_in_dim3A_93 = vector.shape_cast %eq3A_9 : vector<1000x1xi1> to vector<1000x1xi1>
    %broadcast_in_dim3A_94 = vector.broadcast %broadcast_in_dim3A_93 : vector<1000x1xi1> to vector<1000x128xi1>
    %broadcast_in_dim3A_95 = vector.broadcast %jit3A_92 : f32 to vector<1000x128xf32>
    %select_n3A_96 = arith.select %broadcast_in_dim3A_94, %max3A_81, %broadcast_in_dim3A_95 : vector<1000x128xi1>, vector<1000x128xf32>
    %concatenate3A_97 = tpu.concatenate %select_n3A_86, %select_n3A_91, %select_n3A_96 in 1 : vector<1000x128xf32>, vector<1000x128xf32>, vector<1000x128xf32> -> vector<1000x384xf32>
    %get3A_98 = arith.constant 0 : index
    %get3A_99 = arith.constant 0 : index
    %get3A_100 = arith.constant 0 : index
    %get3A_101 = vector.load %arg5[%get3A_98, %get3A_99, %get3A_100] : memref<4x384x128xf32, #tpu.memory_space<vmem>>, vector<1x384x128xf32>
    %get3A_102 = vector.shape_cast %get3A_101 : vector<1x384x128xf32> to vector<384x128xf32>
    %dot_general3A_103 = arith.constant dense<0.000000e+00> : vector<1000x128xf32>
    %dot_general3A_104 = tpu.matmul %concatenate3A_97, %get3A_102, %dot_general3A_103 {dimension_numbers = #tpu.dot_dimension_numbers<[1], [0], [0], [1], [0, 0, 1, 1], [], []>, transpose_lhs_hint = false} : vector<1000x384xf32>, vector<384x128xf32>, vector<1000x128xf32> -> vector<1000x128xf32>
    %get3A_105 = arith.constant 3 : index
    %get3A_106 = arith.constant 0 : index
    %get3A_107 = vector.load %arg6[%get3A_105, %get3A_106] : memref<24x128xf32, #tpu.memory_space<vmem>>, vector<1x128xf32>
    %get3A_108 = vector.shape_cast %get3A_107 : vector<1x128xf32> to vector<128xf32>
    %jit3A_109 = arith.constant 0.000000e+00 : f32
    %broadcast_in_dim3A_110 = vector.shape_cast %eq3A_3 : vector<1000x1xi1> to vector<1000x1xi1>
    %broadcast_in_dim3A_111 = vector.broadcast %broadcast_in_dim3A_110 : vector<1000x1xi1> to vector<1000x128xi1>
    %broadcast_in_dim3A_112 = vector.shape_cast %get3A_108 : vector<128xf32> to vector<1x128xf32>
    %broadcast_in_dim3A_113 = vector.broadcast %broadcast_in_dim3A_112 : vector<1x128xf32> to vector<1000x128xf32>
    %broadcast_in_dim3A_114 = vector.broadcast %jit3A_109 : f32 to vector<1000x128xf32>
    %select_n3A_115 = arith.select %broadcast_in_dim3A_111, %broadcast_in_dim3A_113, %broadcast_in_dim3A_114 : vector<1000x128xi1>, vector<1000x128xf32>
    %get3A_116 = arith.constant 4 : index
    %get3A_117 = arith.constant 0 : index
    %get3A_118 = vector.load %arg6[%get3A_116, %get3A_117] : memref<24x128xf32, #tpu.memory_space<vmem>>, vector<1x128xf32>
    %get3A_119 = vector.shape_cast %get3A_118 : vector<1x128xf32> to vector<128xf32>
    %jit3A_120 = arith.constant 0.000000e+00 : f32
    %broadcast_in_dim3A_121 = vector.shape_cast %eq3A_6 : vector<1000x1xi1> to vector<1000x1xi1>
    %broadcast_in_dim3A_122 = vector.broadcast %broadcast_in_dim3A_121 : vector<1000x1xi1> to vector<1000x128xi1>
    %broadcast_in_dim3A_123 = vector.shape_cast %get3A_119 : vector<128xf32> to vector<1x128xf32>
    %broadcast_in_dim3A_124 = vector.broadcast %broadcast_in_dim3A_123 : vector<1x128xf32> to vector<1000x128xf32>
    %broadcast_in_dim3A_125 = vector.broadcast %jit3A_120 : f32 to vector<1000x128xf32>
    %select_n3A_126 = arith.select %broadcast_in_dim3A_122, %broadcast_in_dim3A_124, %broadcast_in_dim3A_125 : vector<1000x128xi1>, vector<1000x128xf32>
    %add3A_127 = arith.addf %select_n3A_115, %select_n3A_126 : vector<1000x128xf32>
    %get3A_128 = arith.constant 5 : index
    %get3A_129 = arith.constant 0 : index
    %get3A_130 = vector.load %arg6[%get3A_128, %get3A_129] : memref<24x128xf32, #tpu.memory_space<vmem>>, vector<1x128xf32>
    %get3A_131 = vector.shape_cast %get3A_130 : vector<1x128xf32> to vector<128xf32>
    %jit3A_132 = arith.constant 0.000000e+00 : f32
    %broadcast_in_dim3A_133 = vector.shape_cast %eq3A_9 : vector<1000x1xi1> to vector<1000x1xi1>
    %broadcast_in_dim3A_134 = vector.broadcast %broadcast_in_dim3A_133 : vector<1000x1xi1> to vector<1000x128xi1>
    %broadcast_in_dim3A_135 = vector.shape_cast %get3A_131 : vector<128xf32> to vector<1x128xf32>
    %broadcast_in_dim3A_136 = vector.broadcast %broadcast_in_dim3A_135 : vector<1x128xf32> to vector<1000x128xf32>
    %broadcast_in_dim3A_137 = vector.broadcast %jit3A_132 : f32 to vector<1000x128xf32>
    %select_n3A_138 = arith.select %broadcast_in_dim3A_134, %broadcast_in_dim3A_136, %broadcast_in_dim3A_137 : vector<1000x128xi1>, vector<1000x128xf32>
    %add3A_139 = arith.addf %add3A_127, %select_n3A_138 : vector<1000x128xf32>
    %add3A_140 = arith.addf %dot_general3A_104, %add3A_139 : vector<1000x128xf32>
    %max3A_141 = arith.constant 0.000000e+00 : f32
    %max3A_142 = vector.broadcast %max3A_141 : f32 to vector<1000x128xf32>
    %max3A_143 = arith.maximumf %add3A_140, %max3A_142 : vector<1000x128xf32>
    %get3A_144 = arith.constant 0 : index
    %get3A_145 = arith.constant 1 : index
    %get3A_146 = arith.constant 0 : index
    %get3A_147 = arith.constant 0 : index
    %get3A_148 = vector.load %arg2[%get3A_144, %get3A_145, %get3A_146, %get3A_147] : memref<2x4x1000x128xf32, #tpu.memory_space<vmem>>, vector<1x1x1000x128xf32>
    %get3A_149 = vector.shape_cast %get3A_148 : vector<1x1x1000x128xf32> to vector<1000x128xf32>
    %add3A_150 = arith.addf %get3A_12, %get3A_149 : vector<1000x128xf32>
    %get3A_151 = arith.constant 1 : index
    %get3A_152 = arith.constant 1 : index
    %get3A_153 = arith.constant 0 : index
    %get3A_154 = arith.constant 0 : index
    %get3A_155 = vector.load %arg2[%get3A_151, %get3A_152, %get3A_153, %get3A_154] : memref<2x4x1000x128xf32, #tpu.memory_space<vmem>>, vector<1x1x1000x128xf32>
    %get3A_156 = vector.shape_cast %get3A_155 : vector<1x1x1000x128xf32> to vector<1000x128xf32>
    %add3A_157 = arith.addf %add3A_150, %get3A_156 : vector<1000x128xf32>
    %jit3A_158 = arith.constant 0.000000e+00 : f32
    %broadcast_in_dim3A_159 = vector.shape_cast %eq3A_3 : vector<1000x1xi1> to vector<1000x1xi1>
    %broadcast_in_dim3A_160 = vector.broadcast %broadcast_in_dim3A_159 : vector<1000x1xi1> to vector<1000x128xi1>
    %broadcast_in_dim3A_161 = vector.broadcast %jit3A_158 : f32 to vector<1000x128xf32>
    %select_n3A_162 = arith.select %broadcast_in_dim3A_160, %add3A_157, %broadcast_in_dim3A_161 : vector<1000x128xi1>, vector<1000x128xf32>
    %jit3A_163 = arith.constant 0.000000e+00 : f32
    %broadcast_in_dim3A_164 = vector.shape_cast %eq3A_6 : vector<1000x1xi1> to vector<1000x1xi1>
    %broadcast_in_dim3A_165 = vector.broadcast %broadcast_in_dim3A_164 : vector<1000x1xi1> to vector<1000x128xi1>
    %broadcast_in_dim3A_166 = vector.broadcast %jit3A_163 : f32 to vector<1000x128xf32>
    %select_n3A_167 = arith.select %broadcast_in_dim3A_165, %add3A_157, %broadcast_in_dim3A_166 : vector<1000x128xi1>, vector<1000x128xf32>
    %jit3A_168 = arith.constant 0.000000e+00 : f32
    %broadcast_in_dim3A_169 = vector.shape_cast %eq3A_9 : vector<1000x1xi1> to vector<1000x1xi1>
    %broadcast_in_dim3A_170 = vector.broadcast %broadcast_in_dim3A_169 : vector<1000x1xi1> to vector<1000x128xi1>
    %broadcast_in_dim3A_171 = vector.broadcast %jit3A_168 : f32 to vector<1000x128xf32>
    %select_n3A_172 = arith.select %broadcast_in_dim3A_170, %add3A_157, %broadcast_in_dim3A_171 : vector<1000x128xi1>, vector<1000x128xf32>
    %concatenate3A_173 = tpu.concatenate %select_n3A_162, %select_n3A_167, %select_n3A_172 in 1 : vector<1000x128xf32>, vector<1000x128xf32>, vector<1000x128xf32> -> vector<1000x384xf32>
    %get3A_174 = arith.constant 1 : index
    %get3A_175 = arith.constant 0 : index
    %get3A_176 = arith.constant 0 : index
    %get3A_177 = vector.load %arg4[%get3A_174, %get3A_175, %get3A_176] : memref<4x384x128xf32, #tpu.memory_space<vmem>>, vector<1x384x128xf32>
    %get3A_178 = vector.shape_cast %get3A_177 : vector<1x384x128xf32> to vector<384x128xf32>
    %dot_general3A_179 = arith.constant dense<0.000000e+00> : vector<1000x128xf32>
    %dot_general3A_180 = tpu.matmul %concatenate3A_173, %get3A_178, %dot_general3A_179 {dimension_numbers = #tpu.dot_dimension_numbers<[1], [0], [0], [1], [0, 0, 1, 1], [], []>, transpose_lhs_hint = false} : vector<1000x384xf32>, vector<384x128xf32>, vector<1000x128xf32> -> vector<1000x128xf32>
    %get3A_181 = arith.constant 6 : index
    %get3A_182 = arith.constant 0 : index
    %get3A_183 = vector.load %arg6[%get3A_181, %get3A_182] : memref<24x128xf32, #tpu.memory_space<vmem>>, vector<1x128xf32>
    %get3A_184 = vector.shape_cast %get3A_183 : vector<1x128xf32> to vector<128xf32>
    %jit3A_185 = arith.constant 0.000000e+00 : f32
    %broadcast_in_dim3A_186 = vector.shape_cast %eq3A_3 : vector<1000x1xi1> to vector<1000x1xi1>
    %broadcast_in_dim3A_187 = vector.broadcast %broadcast_in_dim3A_186 : vector<1000x1xi1> to vector<1000x128xi1>
    %broadcast_in_dim3A_188 = vector.shape_cast %get3A_184 : vector<128xf32> to vector<1x128xf32>
    %broadcast_in_dim3A_189 = vector.broadcast %broadcast_in_dim3A_188 : vector<1x128xf32> to vector<1000x128xf32>
    %broadcast_in_dim3A_190 = vector.broadcast %jit3A_185 : f32 to vector<1000x128xf32>
    %select_n3A_191 = arith.select %broadcast_in_dim3A_187, %broadcast_in_dim3A_189, %broadcast_in_dim3A_190 : vector<1000x128xi1>, vector<1000x128xf32>
    %get3A_192 = arith.constant 7 : index
    %get3A_193 = arith.constant 0 : index
    %get3A_194 = vector.load %arg6[%get3A_192, %get3A_193] : memref<24x128xf32, #tpu.memory_space<vmem>>, vector<1x128xf32>
    %get3A_195 = vector.shape_cast %get3A_194 : vector<1x128xf32> to vector<128xf32>
    %jit3A_196 = arith.constant 0.000000e+00 : f32
    %broadcast_in_dim3A_197 = vector.shape_cast %eq3A_6 : vector<1000x1xi1> to vector<1000x1xi1>
    %broadcast_in_dim3A_198 = vector.broadcast %broadcast_in_dim3A_197 : vector<1000x1xi1> to vector<1000x128xi1>
    %broadcast_in_dim3A_199 = vector.shape_cast %get3A_195 : vector<128xf32> to vector<1x128xf32>
    %broadcast_in_dim3A_200 = vector.broadcast %broadcast_in_dim3A_199 : vector<1x128xf32> to vector<1000x128xf32>
    %broadcast_in_dim3A_201 = vector.broadcast %jit3A_196 : f32 to vector<1000x128xf32>
    %select_n3A_202 = arith.select %broadcast_in_dim3A_198, %broadcast_in_dim3A_200, %broadcast_in_dim3A_201 : vector<1000x128xi1>, vector<1000x128xf32>
    %add3A_203 = arith.addf %select_n3A_191, %select_n3A_202 : vector<1000x128xf32>
    %get3A_204 = arith.constant 8 : index
    %get3A_205 = arith.constant 0 : index
    %get3A_206 = vector.load %arg6[%get3A_204, %get3A_205] : memref<24x128xf32, #tpu.memory_space<vmem>>, vector<1x128xf32>
    %get3A_207 = vector.shape_cast %get3A_206 : vector<1x128xf32> to vector<128xf32>
    %jit3A_208 = arith.constant 0.000000e+00 : f32
    %broadcast_in_dim3A_209 = vector.shape_cast %eq3A_9 : vector<1000x1xi1> to vector<1000x1xi1>
    %broadcast_in_dim3A_210 = vector.broadcast %broadcast_in_dim3A_209 : vector<1000x1xi1> to vector<1000x128xi1>
    %broadcast_in_dim3A_211 = vector.shape_cast %get3A_207 : vector<128xf32> to vector<1x128xf32>
    %broadcast_in_dim3A_212 = vector.broadcast %broadcast_in_dim3A_211 : vector<1x128xf32> to vector<1000x128xf32>
    %broadcast_in_dim3A_213 = vector.broadcast %jit3A_208 : f32 to vector<1000x128xf32>
    %select_n3A_214 = arith.select %broadcast_in_dim3A_210, %broadcast_in_dim3A_212, %broadcast_in_dim3A_213 : vector<1000x128xi1>, vector<1000x128xf32>
    %add3A_215 = arith.addf %add3A_203, %select_n3A_214 : vector<1000x128xf32>
    %add3A_216 = arith.addf %dot_general3A_180, %add3A_215 : vector<1000x128xf32>
    %max3A_217 = arith.constant 0.000000e+00 : f32
    %max3A_218 = vector.broadcast %max3A_217 : f32 to vector<1000x128xf32>
    %max3A_219 = arith.maximumf %add3A_216, %max3A_218 : vector<1000x128xf32>
    %jit3A_220 = arith.constant 0.000000e+00 : f32
    %broadcast_in_dim3A_221 = vector.shape_cast %eq3A_3 : vector<1000x1xi1> to vector<1000x1xi1>
    %broadcast_in_dim3A_222 = vector.broadcast %broadcast_in_dim3A_221 : vector<1000x1xi1> to vector<1000x128xi1>
    %broadcast_in_dim3A_223 = vector.broadcast %jit3A_220 : f32 to vector<1000x128xf32>
    %select_n3A_224 = arith.select %broadcast_in_dim3A_222, %max3A_219, %broadcast_in_dim3A_223 : vector<1000x128xi1>, vector<1000x128xf32>
    %jit3A_225 = arith.constant 0.000000e+00 : f32
    %broadcast_in_dim3A_226 = vector.shape_cast %eq3A_6 : vector<1000x1xi1> to vector<1000x1xi1>
    %broadcast_in_dim3A_227 = vector.broadcast %broadcast_in_dim3A_226 : vector<1000x1xi1> to vector<1000x128xi1>
    %broadcast_in_dim3A_228 = vector.broadcast %jit3A_225 : f32 to vector<1000x128xf32>
    %select_n3A_229 = arith.select %broadcast_in_dim3A_227, %max3A_219, %broadcast_in_dim3A_228 : vector<1000x128xi1>, vector<1000x128xf32>
    %jit3A_230 = arith.constant 0.000000e+00 : f32
    %broadcast_in_dim3A_231 = vector.shape_cast %eq3A_9 : vector<1000x1xi1> to vector<1000x1xi1>
    %broadcast_in_dim3A_232 = vector.broadcast %broadcast_in_dim3A_231 : vector<1000x1xi1> to vector<1000x128xi1>
    %broadcast_in_dim3A_233 = vector.broadcast %jit3A_230 : f32 to vector<1000x128xf32>
    %select_n3A_234 = arith.select %broadcast_in_dim3A_232, %max3A_219, %broadcast_in_dim3A_233 : vector<1000x128xi1>, vector<1000x128xf32>
    %concatenate3A_235 = tpu.concatenate %select_n3A_224, %select_n3A_229, %select_n3A_234 in 1 : vector<1000x128xf32>, vector<1000x128xf32>, vector<1000x128xf32> -> vector<1000x384xf32>
    %get3A_236 = arith.constant 1 : index
    %get3A_237 = arith.constant 0 : index
    %get3A_238 = arith.constant 0 : index
    %get3A_239 = vector.load %arg5[%get3A_236, %get3A_237, %get3A_238] : memref<4x384x128xf32, #tpu.memory_space<vmem>>, vector<1x384x128xf32>
    %get3A_240 = vector.shape_cast %get3A_239 : vector<1x384x128xf32> to vector<384x128xf32>
    %dot_general3A_241 = arith.constant dense<0.000000e+00> : vector<1000x128xf32>
    %dot_general3A_242 = tpu.matmul %concatenate3A_235, %get3A_240, %dot_general3A_241 {dimension_numbers = #tpu.dot_dimension_numbers<[1], [0], [0], [1], [0, 0, 1, 1], [], []>, transpose_lhs_hint = false} : vector<1000x384xf32>, vector<384x128xf32>, vector<1000x128xf32> -> vector<1000x128xf32>
    %get3A_243 = arith.constant 9 : index
    %get3A_244 = arith.constant 0 : index
    %get3A_245 = vector.load %arg6[%get3A_243, %get3A_244] : memref<24x128xf32, #tpu.memory_space<vmem>>, vector<1x128xf32>
    %get3A_246 = vector.shape_cast %get3A_245 : vector<1x128xf32> to vector<128xf32>
    %jit3A_247 = arith.constant 0.000000e+00 : f32
    %broadcast_in_dim3A_248 = vector.shape_cast %eq3A_3 : vector<1000x1xi1> to vector<1000x1xi1>
    %broadcast_in_dim3A_249 = vector.broadcast %broadcast_in_dim3A_248 : vector<1000x1xi1> to vector<1000x128xi1>
    %broadcast_in_dim3A_250 = vector.shape_cast %get3A_246 : vector<128xf32> to vector<1x128xf32>
    %broadcast_in_dim3A_251 = vector.broadcast %broadcast_in_dim3A_250 : vector<1x128xf32> to vector<1000x128xf32>
    %broadcast_in_dim3A_252 = vector.broadcast %jit3A_247 : f32 to vector<1000x128xf32>
    %select_n3A_253 = arith.select %broadcast_in_dim3A_249, %broadcast_in_dim3A_251, %broadcast_in_dim3A_252 : vector<1000x128xi1>, vector<1000x128xf32>
    %get3A_254 = arith.constant 10 : index
    %get3A_255 = arith.constant 0 : index
    %get3A_256 = vector.load %arg6[%get3A_254, %get3A_255] : memref<24x128xf32, #tpu.memory_space<vmem>>, vector<1x128xf32>
    %get3A_257 = vector.shape_cast %get3A_256 : vector<1x128xf32> to vector<128xf32>
    %jit3A_258 = arith.constant 0.000000e+00 : f32
    %broadcast_in_dim3A_259 = vector.shape_cast %eq3A_6 : vector<1000x1xi1> to vector<1000x1xi1>
    %broadcast_in_dim3A_260 = vector.broadcast %broadcast_in_dim3A_259 : vector<1000x1xi1> to vector<1000x128xi1>
    %broadcast_in_dim3A_261 = vector.shape_cast %get3A_257 : vector<128xf32> to vector<1x128xf32>
    %broadcast_in_dim3A_262 = vector.broadcast %broadcast_in_dim3A_261 : vector<1x128xf32> to vector<1000x128xf32>
    %broadcast_in_dim3A_263 = vector.broadcast %jit3A_258 : f32 to vector<1000x128xf32>
    %select_n3A_264 = arith.select %broadcast_in_dim3A_260, %broadcast_in_dim3A_262, %broadcast_in_dim3A_263 : vector<1000x128xi1>, vector<1000x128xf32>
    %add3A_265 = arith.addf %select_n3A_253, %select_n3A_264 : vector<1000x128xf32>
    %get3A_266 = arith.constant 11 : index
    %get3A_267 = arith.constant 0 : index
    %get3A_268 = vector.load %arg6[%get3A_266, %get3A_267] : memref<24x128xf32, #tpu.memory_space<vmem>>, vector<1x128xf32>
    %get3A_269 = vector.shape_cast %get3A_268 : vector<1x128xf32> to vector<128xf32>
    %jit3A_270 = arith.constant 0.000000e+00 : f32
    %broadcast_in_dim3A_271 = vector.shape_cast %eq3A_9 : vector<1000x1xi1> to vector<1000x1xi1>
    %broadcast_in_dim3A_272 = vector.broadcast %broadcast_in_dim3A_271 : vector<1000x1xi1> to vector<1000x128xi1>
    %broadcast_in_dim3A_273 = vector.shape_cast %get3A_269 : vector<128xf32> to vector<1x128xf32>
    %broadcast_in_dim3A_274 = vector.broadcast %broadcast_in_dim3A_273 : vector<1x128xf32> to vector<1000x128xf32>
    %broadcast_in_dim3A_275 = vector.broadcast %jit3A_270 : f32 to vector<1000x128xf32>
    %select_n3A_276 = arith.select %broadcast_in_dim3A_272, %broadcast_in_dim3A_274, %broadcast_in_dim3A_275 : vector<1000x128xi1>, vector<1000x128xf32>
    %add3A_277 = arith.addf %add3A_265, %select_n3A_276 : vector<1000x128xf32>
    %add3A_278 = arith.addf %dot_general3A_242, %add3A_277 : vector<1000x128xf32>
    %max3A_279 = arith.constant 0.000000e+00 : f32
    %max3A_280 = vector.broadcast %max3A_279 : f32 to vector<1000x128xf32>
    %max3A_281 = arith.maximumf %add3A_278, %max3A_280 : vector<1000x128xf32>
    %get3A_282 = arith.constant 0 : index
    %get3A_283 = arith.constant 2 : index
    %get3A_284 = arith.constant 0 : index
    %get3A_285 = arith.constant 0 : index
    %get3A_286 = vector.load %arg2[%get3A_282, %get3A_283, %get3A_284, %get3A_285] : memref<2x4x1000x128xf32, #tpu.memory_space<vmem>>, vector<1x1x1000x128xf32>
    %get3A_287 = vector.shape_cast %get3A_286 : vector<1x1x1000x128xf32> to vector<1000x128xf32>
    %add3A_288 = arith.addf %get3A_12, %get3A_287 : vector<1000x128xf32>
    %get3A_289 = arith.constant 1 : index
    %get3A_290 = arith.constant 2 : index
    %get3A_291 = arith.constant 0 : index
    %get3A_292 = arith.constant 0 : index
    %get3A_293 = vector.load %arg2[%get3A_289, %get3A_290, %get3A_291, %get3A_292] : memref<2x4x1000x128xf32, #tpu.memory_space<vmem>>, vector<1x1x1000x128xf32>
    %get3A_294 = vector.shape_cast %get3A_293 : vector<1x1x1000x128xf32> to vector<1000x128xf32>
    %add3A_295 = arith.addf %add3A_288, %get3A_294 : vector<1000x128xf32>
    %jit3A_296 = arith.constant 0.000000e+00 : f32
    %broadcast_in_dim3A_297 = vector.shape_cast %eq3A_3 : vector<1000x1xi1> to vector<1000x1xi1>
    %broadcast_in_dim3A_298 = vector.broadcast %broadcast_in_dim3A_297 : vector<1000x1xi1> to vector<1000x128xi1>
    %broadcast_in_dim3A_299 = vector.broadcast %jit3A_296 : f32 to vector<1000x128xf32>
    %select_n3A_300 = arith.select %broadcast_in_dim3A_298, %add3A_295, %broadcast_in_dim3A_299 : vector<1000x128xi1>, vector<1000x128xf32>
    %jit3A_301 = arith.constant 0.000000e+00 : f32
    %broadcast_in_dim3A_302 = vector.shape_cast %eq3A_6 : vector<1000x1xi1> to vector<1000x1xi1>
    %broadcast_in_dim3A_303 = vector.broadcast %broadcast_in_dim3A_302 : vector<1000x1xi1> to vector<1000x128xi1>
    %broadcast_in_dim3A_304 = vector.broadcast %jit3A_301 : f32 to vector<1000x128xf32>
    %select_n3A_305 = arith.select %broadcast_in_dim3A_303, %add3A_295, %broadcast_in_dim3A_304 : vector<1000x128xi1>, vector<1000x128xf32>
    %jit3A_306 = arith.constant 0.000000e+00 : f32
    %broadcast_in_dim3A_307 = vector.shape_cast %eq3A_9 : vector<1000x1xi1> to vector<1000x1xi1>
    %broadcast_in_dim3A_308 = vector.broadcast %broadcast_in_dim3A_307 : vector<1000x1xi1> to vector<1000x128xi1>
    %broadcast_in_dim3A_309 = vector.broadcast %jit3A_306 : f32 to vector<1000x128xf32>
    %select_n3A_310 = arith.select %broadcast_in_dim3A_308, %add3A_295, %broadcast_in_dim3A_309 : vector<1000x128xi1>, vector<1000x128xf32>
    %concatenate3A_311 = tpu.concatenate %select_n3A_300, %select_n3A_305, %select_n3A_310 in 1 : vector<1000x128xf32>, vector<1000x128xf32>, vector<1000x128xf32> -> vector<1000x384xf32>
    %get3A_312 = arith.constant 2 : index
    %get3A_313 = arith.constant 0 : index
    %get3A_314 = arith.constant 0 : index
    %get3A_315 = vector.load %arg4[%get3A_312, %get3A_313, %get3A_314] : memref<4x384x128xf32, #tpu.memory_space<vmem>>, vector<1x384x128xf32>
    %get3A_316 = vector.shape_cast %get3A_315 : vector<1x384x128xf32> to vector<384x128xf32>
    %dot_general3A_317 = arith.constant dense<0.000000e+00> : vector<1000x128xf32>
    %dot_general3A_318 = tpu.matmul %concatenate3A_311, %get3A_316, %dot_general3A_317 {dimension_numbers = #tpu.dot_dimension_numbers<[1], [0], [0], [1], [0, 0, 1, 1], [], []>, transpose_lhs_hint = false} : vector<1000x384xf32>, vector<384x128xf32>, vector<1000x128xf32> -> vector<1000x128xf32>
    %get3A_319 = arith.constant 12 : index
    %get3A_320 = arith.constant 0 : index
    %get3A_321 = vector.load %arg6[%get3A_319, %get3A_320] : memref<24x128xf32, #tpu.memory_space<vmem>>, vector<1x128xf32>
    %get3A_322 = vector.shape_cast %get3A_321 : vector<1x128xf32> to vector<128xf32>
    %jit3A_323 = arith.constant 0.000000e+00 : f32
    %broadcast_in_dim3A_324 = vector.shape_cast %eq3A_3 : vector<1000x1xi1> to vector<1000x1xi1>
    %broadcast_in_dim3A_325 = vector.broadcast %broadcast_in_dim3A_324 : vector<1000x1xi1> to vector<1000x128xi1>
    %broadcast_in_dim3A_326 = vector.shape_cast %get3A_322 : vector<128xf32> to vector<1x128xf32>
    %broadcast_in_dim3A_327 = vector.broadcast %broadcast_in_dim3A_326 : vector<1x128xf32> to vector<1000x128xf32>
    %broadcast_in_dim3A_328 = vector.broadcast %jit3A_323 : f32 to vector<1000x128xf32>
    %select_n3A_329 = arith.select %broadcast_in_dim3A_325, %broadcast_in_dim3A_327, %broadcast_in_dim3A_328 : vector<1000x128xi1>, vector<1000x128xf32>
    %get3A_330 = arith.constant 13 : index
    %get3A_331 = arith.constant 0 : index
    %get3A_332 = vector.load %arg6[%get3A_330, %get3A_331] : memref<24x128xf32, #tpu.memory_space<vmem>>, vector<1x128xf32>
    %get3A_333 = vector.shape_cast %get3A_332 : vector<1x128xf32> to vector<128xf32>
    %jit3A_334 = arith.constant 0.000000e+00 : f32
    %broadcast_in_dim3A_335 = vector.shape_cast %eq3A_6 : vector<1000x1xi1> to vector<1000x1xi1>
    %broadcast_in_dim3A_336 = vector.broadcast %broadcast_in_dim3A_335 : vector<1000x1xi1> to vector<1000x128xi1>
    %broadcast_in_dim3A_337 = vector.shape_cast %get3A_333 : vector<128xf32> to vector<1x128xf32>
    %broadcast_in_dim3A_338 = vector.broadcast %broadcast_in_dim3A_337 : vector<1x128xf32> to vector<1000x128xf32>
    %broadcast_in_dim3A_339 = vector.broadcast %jit3A_334 : f32 to vector<1000x128xf32>
    %select_n3A_340 = arith.select %broadcast_in_dim3A_336, %broadcast_in_dim3A_338, %broadcast_in_dim3A_339 : vector<1000x128xi1>, vector<1000x128xf32>
    %add3A_341 = arith.addf %select_n3A_329, %select_n3A_340 : vector<1000x128xf32>
    %get3A_342 = arith.constant 14 : index
    %get3A_343 = arith.constant 0 : index
    %get3A_344 = vector.load %arg6[%get3A_342, %get3A_343] : memref<24x128xf32, #tpu.memory_space<vmem>>, vector<1x128xf32>
    %get3A_345 = vector.shape_cast %get3A_344 : vector<1x128xf32> to vector<128xf32>
    %jit3A_346 = arith.constant 0.000000e+00 : f32
    %broadcast_in_dim3A_347 = vector.shape_cast %eq3A_9 : vector<1000x1xi1> to vector<1000x1xi1>
    %broadcast_in_dim3A_348 = vector.broadcast %broadcast_in_dim3A_347 : vector<1000x1xi1> to vector<1000x128xi1>
    %broadcast_in_dim3A_349 = vector.shape_cast %get3A_345 : vector<128xf32> to vector<1x128xf32>
    %broadcast_in_dim3A_350 = vector.broadcast %broadcast_in_dim3A_349 : vector<1x128xf32> to vector<1000x128xf32>
    %broadcast_in_dim3A_351 = vector.broadcast %jit3A_346 : f32 to vector<1000x128xf32>
    %select_n3A_352 = arith.select %broadcast_in_dim3A_348, %broadcast_in_dim3A_350, %broadcast_in_dim3A_351 : vector<1000x128xi1>, vector<1000x128xf32>
    %add3A_353 = arith.addf %add3A_341, %select_n3A_352 : vector<1000x128xf32>
    %add3A_354 = arith.addf %dot_general3A_318, %add3A_353 : vector<1000x128xf32>
    %max3A_355 = arith.constant 0.000000e+00 : f32
    %max3A_356 = vector.broadcast %max3A_355 : f32 to vector<1000x128xf32>
    %max3A_357 = arith.maximumf %add3A_354, %max3A_356 : vector<1000x128xf32>
    %jit3A_358 = arith.constant 0.000000e+00 : f32
    %broadcast_in_dim3A_359 = vector.shape_cast %eq3A_3 : vector<1000x1xi1> to vector<1000x1xi1>
    %broadcast_in_dim3A_360 = vector.broadcast %broadcast_in_dim3A_359 : vector<1000x1xi1> to vector<1000x128xi1>
    %broadcast_in_dim3A_361 = vector.broadcast %jit3A_358 : f32 to vector<1000x128xf32>
    %select_n3A_362 = arith.select %broadcast_in_dim3A_360, %max3A_357, %broadcast_in_dim3A_361 : vector<1000x128xi1>, vector<1000x128xf32>
    %jit3A_363 = arith.constant 0.000000e+00 : f32
    %broadcast_in_dim3A_364 = vector.shape_cast %eq3A_6 : vector<1000x1xi1> to vector<1000x1xi1>
    %broadcast_in_dim3A_365 = vector.broadcast %broadcast_in_dim3A_364 : vector<1000x1xi1> to vector<1000x128xi1>
    %broadcast_in_dim3A_366 = vector.broadcast %jit3A_363 : f32 to vector<1000x128xf32>
    %select_n3A_367 = arith.select %broadcast_in_dim3A_365, %max3A_357, %broadcast_in_dim3A_366 : vector<1000x128xi1>, vector<1000x128xf32>
    %jit3A_368 = arith.constant 0.000000e+00 : f32
    %broadcast_in_dim3A_369 = vector.shape_cast %eq3A_9 : vector<1000x1xi1> to vector<1000x1xi1>
    %broadcast_in_dim3A_370 = vector.broadcast %broadcast_in_dim3A_369 : vector<1000x1xi1> to vector<1000x128xi1>
    %broadcast_in_dim3A_371 = vector.broadcast %jit3A_368 : f32 to vector<1000x128xf32>
    %select_n3A_372 = arith.select %broadcast_in_dim3A_370, %max3A_357, %broadcast_in_dim3A_371 : vector<1000x128xi1>, vector<1000x128xf32>
    %concatenate3A_373 = tpu.concatenate %select_n3A_362, %select_n3A_367, %select_n3A_372 in 1 : vector<1000x128xf32>, vector<1000x128xf32>, vector<1000x128xf32> -> vector<1000x384xf32>
    %get3A_374 = arith.constant 2 : index
    %get3A_375 = arith.constant 0 : index
    %get3A_376 = arith.constant 0 : index
    %get3A_377 = vector.load %arg5[%get3A_374, %get3A_375, %get3A_376] : memref<4x384x128xf32, #tpu.memory_space<vmem>>, vector<1x384x128xf32>
    %get3A_378 = vector.shape_cast %get3A_377 : vector<1x384x128xf32> to vector<384x128xf32>
    %dot_general3A_379 = arith.constant dense<0.000000e+00> : vector<1000x128xf32>
    %dot_general3A_380 = tpu.matmul %concatenate3A_373, %get3A_378, %dot_general3A_379 {dimension_numbers = #tpu.dot_dimension_numbers<[1], [0], [0], [1], [0, 0, 1, 1], [], []>, transpose_lhs_hint = false} : vector<1000x384xf32>, vector<384x128xf32>, vector<1000x128xf32> -> vector<1000x128xf32>
    %get3A_381 = arith.constant 15 : index
    %get3A_382 = arith.constant 0 : index
    %get3A_383 = vector.load %arg6[%get3A_381, %get3A_382] : memref<24x128xf32, #tpu.memory_space<vmem>>, vector<1x128xf32>
    %get3A_384 = vector.shape_cast %get3A_383 : vector<1x128xf32> to vector<128xf32>
    %jit3A_385 = arith.constant 0.000000e+00 : f32
    %broadcast_in_dim3A_386 = vector.shape_cast %eq3A_3 : vector<1000x1xi1> to vector<1000x1xi1>
    %broadcast_in_dim3A_387 = vector.broadcast %broadcast_in_dim3A_386 : vector<1000x1xi1> to vector<1000x128xi1>
    %broadcast_in_dim3A_388 = vector.shape_cast %get3A_384 : vector<128xf32> to vector<1x128xf32>
    %broadcast_in_dim3A_389 = vector.broadcast %broadcast_in_dim3A_388 : vector<1x128xf32> to vector<1000x128xf32>
    %broadcast_in_dim3A_390 = vector.broadcast %jit3A_385 : f32 to vector<1000x128xf32>
    %select_n3A_391 = arith.select %broadcast_in_dim3A_387, %broadcast_in_dim3A_389, %broadcast_in_dim3A_390 : vector<1000x128xi1>, vector<1000x128xf32>
    %get3A_392 = arith.constant 16 : index
    %get3A_393 = arith.constant 0 : index
    %get3A_394 = vector.load %arg6[%get3A_392, %get3A_393] : memref<24x128xf32, #tpu.memory_space<vmem>>, vector<1x128xf32>
    %get3A_395 = vector.shape_cast %get3A_394 : vector<1x128xf32> to vector<128xf32>
    %jit3A_396 = arith.constant 0.000000e+00 : f32
    %broadcast_in_dim3A_397 = vector.shape_cast %eq3A_6 : vector<1000x1xi1> to vector<1000x1xi1>
    %broadcast_in_dim3A_398 = vector.broadcast %broadcast_in_dim3A_397 : vector<1000x1xi1> to vector<1000x128xi1>
    %broadcast_in_dim3A_399 = vector.shape_cast %get3A_395 : vector<128xf32> to vector<1x128xf32>
    %broadcast_in_dim3A_400 = vector.broadcast %broadcast_in_dim3A_399 : vector<1x128xf32> to vector<1000x128xf32>
    %broadcast_in_dim3A_401 = vector.broadcast %jit3A_396 : f32 to vector<1000x128xf32>
    %select_n3A_402 = arith.select %broadcast_in_dim3A_398, %broadcast_in_dim3A_400, %broadcast_in_dim3A_401 : vector<1000x128xi1>, vector<1000x128xf32>
    %add3A_403 = arith.addf %select_n3A_391, %select_n3A_402 : vector<1000x128xf32>
    %get3A_404 = arith.constant 17 : index
    %get3A_405 = arith.constant 0 : index
    %get3A_406 = vector.load %arg6[%get3A_404, %get3A_405] : memref<24x128xf32, #tpu.memory_space<vmem>>, vector<1x128xf32>
    %get3A_407 = vector.shape_cast %get3A_406 : vector<1x128xf32> to vector<128xf32>
    %jit3A_408 = arith.constant 0.000000e+00 : f32
    %broadcast_in_dim3A_409 = vector.shape_cast %eq3A_9 : vector<1000x1xi1> to vector<1000x1xi1>
    %broadcast_in_dim3A_410 = vector.broadcast %broadcast_in_dim3A_409 : vector<1000x1xi1> to vector<1000x128xi1>
    %broadcast_in_dim3A_411 = vector.shape_cast %get3A_407 : vector<128xf32> to vector<1x128xf32>
    %broadcast_in_dim3A_412 = vector.broadcast %broadcast_in_dim3A_411 : vector<1x128xf32> to vector<1000x128xf32>
    %broadcast_in_dim3A_413 = vector.broadcast %jit3A_408 : f32 to vector<1000x128xf32>
    %select_n3A_414 = arith.select %broadcast_in_dim3A_410, %broadcast_in_dim3A_412, %broadcast_in_dim3A_413 : vector<1000x128xi1>, vector<1000x128xf32>
    %add3A_415 = arith.addf %add3A_403, %select_n3A_414 : vector<1000x128xf32>
    %add3A_416 = arith.addf %dot_general3A_380, %add3A_415 : vector<1000x128xf32>
    %max3A_417 = arith.constant 0.000000e+00 : f32
    %max3A_418 = vector.broadcast %max3A_417 : f32 to vector<1000x128xf32>
    %max3A_419 = arith.maximumf %add3A_416, %max3A_418 : vector<1000x128xf32>
    %get3A_420 = arith.constant 0 : index
    %get3A_421 = arith.constant 3 : index
    %get3A_422 = arith.constant 0 : index
    %get3A_423 = arith.constant 0 : index
    %get3A_424 = vector.load %arg2[%get3A_420, %get3A_421, %get3A_422, %get3A_423] : memref<2x4x1000x128xf32, #tpu.memory_space<vmem>>, vector<1x1x1000x128xf32>
    %get3A_425 = vector.shape_cast %get3A_424 : vector<1x1x1000x128xf32> to vector<1000x128xf32>
    %add3A_426 = arith.addf %get3A_12, %get3A_425 : vector<1000x128xf32>
    %get3A_427 = arith.constant 1 : index
    %get3A_428 = arith.constant 3 : index
    %get3A_429 = arith.constant 0 : index
    %get3A_430 = arith.constant 0 : index
    %get3A_431 = vector.load %arg2[%get3A_427, %get3A_428, %get3A_429, %get3A_430] : memref<2x4x1000x128xf32, #tpu.memory_space<vmem>>, vector<1x1x1000x128xf32>
    %get3A_432 = vector.shape_cast %get3A_431 : vector<1x1x1000x128xf32> to vector<1000x128xf32>
    %add3A_433 = arith.addf %add3A_426, %get3A_432 : vector<1000x128xf32>
    %jit3A_434 = arith.constant 0.000000e+00 : f32
    %broadcast_in_dim3A_435 = vector.shape_cast %eq3A_3 : vector<1000x1xi1> to vector<1000x1xi1>
    %broadcast_in_dim3A_436 = vector.broadcast %broadcast_in_dim3A_435 : vector<1000x1xi1> to vector<1000x128xi1>
    %broadcast_in_dim3A_437 = vector.broadcast %jit3A_434 : f32 to vector<1000x128xf32>
    %select_n3A_438 = arith.select %broadcast_in_dim3A_436, %add3A_433, %broadcast_in_dim3A_437 : vector<1000x128xi1>, vector<1000x128xf32>
    %jit3A_439 = arith.constant 0.000000e+00 : f32
    %broadcast_in_dim3A_440 = vector.shape_cast %eq3A_6 : vector<1000x1xi1> to vector<1000x1xi1>
    %broadcast_in_dim3A_441 = vector.broadcast %broadcast_in_dim3A_440 : vector<1000x1xi1> to vector<1000x128xi1>
    %broadcast_in_dim3A_442 = vector.broadcast %jit3A_439 : f32 to vector<1000x128xf32>
    %select_n3A_443 = arith.select %broadcast_in_dim3A_441, %add3A_433, %broadcast_in_dim3A_442 : vector<1000x128xi1>, vector<1000x128xf32>
    %jit3A_444 = arith.constant 0.000000e+00 : f32
    %broadcast_in_dim3A_445 = vector.shape_cast %eq3A_9 : vector<1000x1xi1> to vector<1000x1xi1>
    %broadcast_in_dim3A_446 = vector.broadcast %broadcast_in_dim3A_445 : vector<1000x1xi1> to vector<1000x128xi1>
    %broadcast_in_dim3A_447 = vector.broadcast %jit3A_444 : f32 to vector<1000x128xf32>
    %select_n3A_448 = arith.select %broadcast_in_dim3A_446, %add3A_433, %broadcast_in_dim3A_447 : vector<1000x128xi1>, vector<1000x128xf32>
    %concatenate3A_449 = tpu.concatenate %select_n3A_438, %select_n3A_443, %select_n3A_448 in 1 : vector<1000x128xf32>, vector<1000x128xf32>, vector<1000x128xf32> -> vector<1000x384xf32>
    %get3A_450 = arith.constant 3 : index
    %get3A_451 = arith.constant 0 : index
    %get3A_452 = arith.constant 0 : index
    %get3A_453 = vector.load %arg4[%get3A_450, %get3A_451, %get3A_452] : memref<4x384x128xf32, #tpu.memory_space<vmem>>, vector<1x384x128xf32>
    %get3A_454 = vector.shape_cast %get3A_453 : vector<1x384x128xf32> to vector<384x128xf32>
    %dot_general3A_455 = arith.constant dense<0.000000e+00> : vector<1000x128xf32>
    %dot_general3A_456 = tpu.matmul %concatenate3A_449, %get3A_454, %dot_general3A_455 {dimension_numbers = #tpu.dot_dimension_numbers<[1], [0], [0], [1], [0, 0, 1, 1], [], []>, transpose_lhs_hint = false} : vector<1000x384xf32>, vector<384x128xf32>, vector<1000x128xf32> -> vector<1000x128xf32>
    %get3A_457 = arith.constant 18 : index
    %get3A_458 = arith.constant 0 : index
    %get3A_459 = vector.load %arg6[%get3A_457, %get3A_458] : memref<24x128xf32, #tpu.memory_space<vmem>>, vector<1x128xf32>
    %get3A_460 = vector.shape_cast %get3A_459 : vector<1x128xf32> to vector<128xf32>
    %jit3A_461 = arith.constant 0.000000e+00 : f32
    %broadcast_in_dim3A_462 = vector.shape_cast %eq3A_3 : vector<1000x1xi1> to vector<1000x1xi1>
    %broadcast_in_dim3A_463 = vector.broadcast %broadcast_in_dim3A_462 : vector<1000x1xi1> to vector<1000x128xi1>
    %broadcast_in_dim3A_464 = vector.shape_cast %get3A_460 : vector<128xf32> to vector<1x128xf32>
    %broadcast_in_dim3A_465 = vector.broadcast %broadcast_in_dim3A_464 : vector<1x128xf32> to vector<1000x128xf32>
    %broadcast_in_dim3A_466 = vector.broadcast %jit3A_461 : f32 to vector<1000x128xf32>
    %select_n3A_467 = arith.select %broadcast_in_dim3A_463, %broadcast_in_dim3A_465, %broadcast_in_dim3A_466 : vector<1000x128xi1>, vector<1000x128xf32>
    %get3A_468 = arith.constant 19 : index
    %get3A_469 = arith.constant 0 : index
    %get3A_470 = vector.load %arg6[%get3A_468, %get3A_469] : memref<24x128xf32, #tpu.memory_space<vmem>>, vector<1x128xf32>
    %get3A_471 = vector.shape_cast %get3A_470 : vector<1x128xf32> to vector<128xf32>
    %jit3A_472 = arith.constant 0.000000e+00 : f32
    %broadcast_in_dim3A_473 = vector.shape_cast %eq3A_6 : vector<1000x1xi1> to vector<1000x1xi1>
    %broadcast_in_dim3A_474 = vector.broadcast %broadcast_in_dim3A_473 : vector<1000x1xi1> to vector<1000x128xi1>
    %broadcast_in_dim3A_475 = vector.shape_cast %get3A_471 : vector<128xf32> to vector<1x128xf32>
    %broadcast_in_dim3A_476 = vector.broadcast %broadcast_in_dim3A_475 : vector<1x128xf32> to vector<1000x128xf32>
    %broadcast_in_dim3A_477 = vector.broadcast %jit3A_472 : f32 to vector<1000x128xf32>
    %select_n3A_478 = arith.select %broadcast_in_dim3A_474, %broadcast_in_dim3A_476, %broadcast_in_dim3A_477 : vector<1000x128xi1>, vector<1000x128xf32>
    %add3A_479 = arith.addf %select_n3A_467, %select_n3A_478 : vector<1000x128xf32>
    %get3A_480 = arith.constant 20 : index
    %get3A_481 = arith.constant 0 : index
    %get3A_482 = vector.load %arg6[%get3A_480, %get3A_481] : memref<24x128xf32, #tpu.memory_space<vmem>>, vector<1x128xf32>
    %get3A_483 = vector.shape_cast %get3A_482 : vector<1x128xf32> to vector<128xf32>
    %jit3A_484 = arith.constant 0.000000e+00 : f32
    %broadcast_in_dim3A_485 = vector.shape_cast %eq3A_9 : vector<1000x1xi1> to vector<1000x1xi1>
    %broadcast_in_dim3A_486 = vector.broadcast %broadcast_in_dim3A_485 : vector<1000x1xi1> to vector<1000x128xi1>
    %broadcast_in_dim3A_487 = vector.shape_cast %get3A_483 : vector<128xf32> to vector<1x128xf32>
    %broadcast_in_dim3A_488 = vector.broadcast %broadcast_in_dim3A_487 : vector<1x128xf32> to vector<1000x128xf32>
    %broadcast_in_dim3A_489 = vector.broadcast %jit3A_484 : f32 to vector<1000x128xf32>
    %select_n3A_490 = arith.select %broadcast_in_dim3A_486, %broadcast_in_dim3A_488, %broadcast_in_dim3A_489 : vector<1000x128xi1>, vector<1000x128xf32>
    %add3A_491 = arith.addf %add3A_479, %select_n3A_490 : vector<1000x128xf32>
    %add3A_492 = arith.addf %dot_general3A_456, %add3A_491 : vector<1000x128xf32>
    %max3A_493 = arith.constant 0.000000e+00 : f32
    %max3A_494 = vector.broadcast %max3A_493 : f32 to vector<1000x128xf32>
    %max3A_495 = arith.maximumf %add3A_492, %max3A_494 : vector<1000x128xf32>
    %jit3A_496 = arith.constant 0.000000e+00 : f32
    %broadcast_in_dim3A_497 = vector.shape_cast %eq3A_3 : vector<1000x1xi1> to vector<1000x1xi1>
    %broadcast_in_dim3A_498 = vector.broadcast %broadcast_in_dim3A_497 : vector<1000x1xi1> to vector<1000x128xi1>
    %broadcast_in_dim3A_499 = vector.broadcast %jit3A_496 : f32 to vector<1000x128xf32>
    %select_n3A_500 = arith.select %broadcast_in_dim3A_498, %max3A_495, %broadcast_in_dim3A_499 : vector<1000x128xi1>, vector<1000x128xf32>
    %jit3A_501 = arith.constant 0.000000e+00 : f32
    %broadcast_in_dim3A_502 = vector.shape_cast %eq3A_6 : vector<1000x1xi1> to vector<1000x1xi1>
    %broadcast_in_dim3A_503 = vector.broadcast %broadcast_in_dim3A_502 : vector<1000x1xi1> to vector<1000x128xi1>
    %broadcast_in_dim3A_504 = vector.broadcast %jit3A_501 : f32 to vector<1000x128xf32>
    %select_n3A_505 = arith.select %broadcast_in_dim3A_503, %max3A_495, %broadcast_in_dim3A_504 : vector<1000x128xi1>, vector<1000x128xf32>
    %jit3A_506 = arith.constant 0.000000e+00 : f32
    %broadcast_in_dim3A_507 = vector.shape_cast %eq3A_9 : vector<1000x1xi1> to vector<1000x1xi1>
    %broadcast_in_dim3A_508 = vector.broadcast %broadcast_in_dim3A_507 : vector<1000x1xi1> to vector<1000x128xi1>
    %broadcast_in_dim3A_509 = vector.broadcast %jit3A_506 : f32 to vector<1000x128xf32>
    %select_n3A_510 = arith.select %broadcast_in_dim3A_508, %max3A_495, %broadcast_in_dim3A_509 : vector<1000x128xi1>, vector<1000x128xf32>
    %concatenate3A_511 = tpu.concatenate %select_n3A_500, %select_n3A_505, %select_n3A_510 in 1 : vector<1000x128xf32>, vector<1000x128xf32>, vector<1000x128xf32> -> vector<1000x384xf32>
    %get3A_512 = arith.constant 3 : index
    %get3A_513 = arith.constant 0 : index
    %get3A_514 = arith.constant 0 : index
    %get3A_515 = vector.load %arg5[%get3A_512, %get3A_513, %get3A_514] : memref<4x384x128xf32, #tpu.memory_space<vmem>>, vector<1x384x128xf32>
    %get3A_516 = vector.shape_cast %get3A_515 : vector<1x384x128xf32> to vector<384x128xf32>
    %dot_general3A_517 = arith.constant dense<0.000000e+00> : vector<1000x128xf32>
    %dot_general3A_518 = tpu.matmul %concatenate3A_511, %get3A_516, %dot_general3A_517 {dimension_numbers = #tpu.dot_dimension_numbers<[1], [0], [0], [1], [0, 0, 1, 1], [], []>, transpose_lhs_hint = false} : vector<1000x384xf32>, vector<384x128xf32>, vector<1000x128xf32> -> vector<1000x128xf32>
    %get3A_519 = arith.constant 21 : index
    %get3A_520 = arith.constant 0 : index
    %get3A_521 = vector.load %arg6[%get3A_519, %get3A_520] : memref<24x128xf32, #tpu.memory_space<vmem>>, vector<1x128xf32>
    %get3A_522 = vector.shape_cast %get3A_521 : vector<1x128xf32> to vector<128xf32>
    %jit3A_523 = arith.constant 0.000000e+00 : f32
    %broadcast_in_dim3A_524 = vector.shape_cast %eq3A_3 : vector<1000x1xi1> to vector<1000x1xi1>
    %broadcast_in_dim3A_525 = vector.broadcast %broadcast_in_dim3A_524 : vector<1000x1xi1> to vector<1000x128xi1>
    %broadcast_in_dim3A_526 = vector.shape_cast %get3A_522 : vector<128xf32> to vector<1x128xf32>
    %broadcast_in_dim3A_527 = vector.broadcast %broadcast_in_dim3A_526 : vector<1x128xf32> to vector<1000x128xf32>
    %broadcast_in_dim3A_528 = vector.broadcast %jit3A_523 : f32 to vector<1000x128xf32>
    %select_n3A_529 = arith.select %broadcast_in_dim3A_525, %broadcast_in_dim3A_527, %broadcast_in_dim3A_528 : vector<1000x128xi1>, vector<1000x128xf32>
    %get3A_530 = arith.constant 22 : index
    %get3A_531 = arith.constant 0 : index
    %get3A_532 = vector.load %arg6[%get3A_530, %get3A_531] : memref<24x128xf32, #tpu.memory_space<vmem>>, vector<1x128xf32>
    %get3A_533 = vector.shape_cast %get3A_532 : vector<1x128xf32> to vector<128xf32>
    %jit3A_534 = arith.constant 0.000000e+00 : f32
    %broadcast_in_dim3A_535 = vector.shape_cast %eq3A_6 : vector<1000x1xi1> to vector<1000x1xi1>
    %broadcast_in_dim3A_536 = vector.broadcast %broadcast_in_dim3A_535 : vector<1000x1xi1> to vector<1000x128xi1>
    %broadcast_in_dim3A_537 = vector.shape_cast %get3A_533 : vector<128xf32> to vector<1x128xf32>
    %broadcast_in_dim3A_538 = vector.broadcast %broadcast_in_dim3A_537 : vector<1x128xf32> to vector<1000x128xf32>
    %broadcast_in_dim3A_539 = vector.broadcast %jit3A_534 : f32 to vector<1000x128xf32>
    %select_n3A_540 = arith.select %broadcast_in_dim3A_536, %broadcast_in_dim3A_538, %broadcast_in_dim3A_539 : vector<1000x128xi1>, vector<1000x128xf32>
    %add3A_541 = arith.addf %select_n3A_529, %select_n3A_540 : vector<1000x128xf32>
    %get3A_542 = arith.constant 23 : index
    %get3A_543 = arith.constant 0 : index
    %get3A_544 = vector.load %arg6[%get3A_542, %get3A_543] : memref<24x128xf32, #tpu.memory_space<vmem>>, vector<1x128xf32>
    %get3A_545 = vector.shape_cast %get3A_544 : vector<1x128xf32> to vector<128xf32>
    %jit3A_546 = arith.constant 0.000000e+00 : f32
    %broadcast_in_dim3A_547 = vector.shape_cast %eq3A_9 : vector<1000x1xi1> to vector<1000x1xi1>
    %broadcast_in_dim3A_548 = vector.broadcast %broadcast_in_dim3A_547 : vector<1000x1xi1> to vector<1000x128xi1>
    %broadcast_in_dim3A_549 = vector.shape_cast %get3A_545 : vector<128xf32> to vector<1x128xf32>
    %broadcast_in_dim3A_550 = vector.broadcast %broadcast_in_dim3A_549 : vector<1x128xf32> to vector<1000x128xf32>
    %broadcast_in_dim3A_551 = vector.broadcast %jit3A_546 : f32 to vector<1000x128xf32>
    %select_n3A_552 = arith.select %broadcast_in_dim3A_548, %broadcast_in_dim3A_550, %broadcast_in_dim3A_551 : vector<1000x128xi1>, vector<1000x128xf32>
    %add3A_553 = arith.addf %add3A_541, %select_n3A_552 : vector<1000x128xf32>
    %add3A_554 = arith.addf %dot_general3A_518, %add3A_553 : vector<1000x128xf32>
    %max3A_555 = arith.constant 0.000000e+00 : f32
    %max3A_556 = vector.broadcast %max3A_555 : f32 to vector<1000x128xf32>
    %max3A_557 = arith.maximumf %add3A_554, %max3A_556 : vector<1000x128xf32>
    %concatenate3A_558 = tpu.concatenate %max3A_143, %max3A_281, %max3A_419, %max3A_557 in 1 : vector<1000x128xf32>, vector<1000x128xf32>, vector<1000x128xf32>, vector<1000x128xf32> -> vector<1000x512xf32>
    %jit3A_559 = arith.constant 0.000000e+00 : f32
    %broadcast_in_dim3A_560 = vector.shape_cast %eq3A_3 : vector<1000x1xi1> to vector<1000x1xi1>
    %broadcast_in_dim3A_561 = vector.broadcast %broadcast_in_dim3A_560 : vector<1000x1xi1> to vector<1000x512xi1>
    %broadcast_in_dim3A_562 = vector.broadcast %jit3A_559 : f32 to vector<1000x512xf32>
    %select_n3A_563 = arith.select %broadcast_in_dim3A_561, %concatenate3A_558, %broadcast_in_dim3A_562 : vector<1000x512xi1>, vector<1000x512xf32>
    %jit3A_564 = arith.constant 0.000000e+00 : f32
    %broadcast_in_dim3A_565 = vector.shape_cast %eq3A_6 : vector<1000x1xi1> to vector<1000x1xi1>
    %broadcast_in_dim3A_566 = vector.broadcast %broadcast_in_dim3A_565 : vector<1000x1xi1> to vector<1000x512xi1>
    %broadcast_in_dim3A_567 = vector.broadcast %jit3A_564 : f32 to vector<1000x512xf32>
    %select_n3A_568 = arith.select %broadcast_in_dim3A_566, %concatenate3A_558, %broadcast_in_dim3A_567 : vector<1000x512xi1>, vector<1000x512xf32>
    %jit3A_569 = arith.constant 0.000000e+00 : f32
    %broadcast_in_dim3A_570 = vector.shape_cast %eq3A_9 : vector<1000x1xi1> to vector<1000x1xi1>
    %broadcast_in_dim3A_571 = vector.broadcast %broadcast_in_dim3A_570 : vector<1000x1xi1> to vector<1000x512xi1>
    %broadcast_in_dim3A_572 = vector.broadcast %jit3A_569 : f32 to vector<1000x512xf32>
    %select_n3A_573 = arith.select %broadcast_in_dim3A_571, %concatenate3A_558, %broadcast_in_dim3A_572 : vector<1000x512xi1>, vector<1000x512xf32>
    %concatenate3A_574 = tpu.concatenate %select_n3A_563, %select_n3A_568, %select_n3A_573 in 1 : vector<1000x512xf32>, vector<1000x512xf32>, vector<1000x512xf32> -> vector<1000x1536xf32>
    %get3A_575 = arith.constant 0 : index
    %get3A_576 = arith.constant 0 : index
    %get3A_577 = vector.load %arg8[%get3A_575, %get3A_576] : memref<8x128xf32, #tpu.memory_space<vmem>>, vector<1x128xf32>
    %get3A_578 = vector.shape_cast %get3A_577 : vector<1x128xf32> to vector<128xf32>
    %jit3A_579 = arith.constant 0.000000e+00 : f32
    %broadcast_in_dim3A_580 = vector.shape_cast %eq3A_3 : vector<1000x1xi1> to vector<1000x1xi1>
    %broadcast_in_dim3A_581 = vector.broadcast %broadcast_in_dim3A_580 : vector<1000x1xi1> to vector<1000x128xi1>
    %broadcast_in_dim3A_582 = vector.shape_cast %get3A_578 : vector<128xf32> to vector<1x128xf32>
    %broadcast_in_dim3A_583 = vector.broadcast %broadcast_in_dim3A_582 : vector<1x128xf32> to vector<1000x128xf32>
    %broadcast_in_dim3A_584 = vector.broadcast %jit3A_579 : f32 to vector<1000x128xf32>
    %select_n3A_585 = arith.select %broadcast_in_dim3A_581, %broadcast_in_dim3A_583, %broadcast_in_dim3A_584 : vector<1000x128xi1>, vector<1000x128xf32>
    %get3A_586 = arith.constant 1 : index
    %get3A_587 = arith.constant 0 : index
    %get3A_588 = vector.load %arg8[%get3A_586, %get3A_587] : memref<8x128xf32, #tpu.memory_space<vmem>>, vector<1x128xf32>
    %get3A_589 = vector.shape_cast %get3A_588 : vector<1x128xf32> to vector<128xf32>
    %jit3A_590 = arith.constant 0.000000e+00 : f32
    %broadcast_in_dim3A_591 = vector.shape_cast %eq3A_6 : vector<1000x1xi1> to vector<1000x1xi1>
    %broadcast_in_dim3A_592 = vector.broadcast %broadcast_in_dim3A_591 : vector<1000x1xi1> to vector<1000x128xi1>
    %broadcast_in_dim3A_593 = vector.shape_cast %get3A_589 : vector<128xf32> to vector<1x128xf32>
    %broadcast_in_dim3A_594 = vector.broadcast %broadcast_in_dim3A_593 : vector<1x128xf32> to vector<1000x128xf32>
    %broadcast_in_dim3A_595 = vector.broadcast %jit3A_590 : f32 to vector<1000x128xf32>
    %select_n3A_596 = arith.select %broadcast_in_dim3A_592, %broadcast_in_dim3A_594, %broadcast_in_dim3A_595 : vector<1000x128xi1>, vector<1000x128xf32>
    %add3A_597 = arith.addf %select_n3A_585, %select_n3A_596 : vector<1000x128xf32>
    %get3A_598 = arith.constant 2 : index
    %get3A_599 = arith.constant 0 : index
    %get3A_600 = vector.load %arg8[%get3A_598, %get3A_599] : memref<8x128xf32, #tpu.memory_space<vmem>>, vector<1x128xf32>
    %get3A_601 = vector.shape_cast %get3A_600 : vector<1x128xf32> to vector<128xf32>
    %jit3A_602 = arith.constant 0.000000e+00 : f32
    %broadcast_in_dim3A_603 = vector.shape_cast %eq3A_9 : vector<1000x1xi1> to vector<1000x1xi1>
    %broadcast_in_dim3A_604 = vector.broadcast %broadcast_in_dim3A_603 : vector<1000x1xi1> to vector<1000x128xi1>
    %broadcast_in_dim3A_605 = vector.shape_cast %get3A_601 : vector<128xf32> to vector<1x128xf32>
    %broadcast_in_dim3A_606 = vector.broadcast %broadcast_in_dim3A_605 : vector<1x128xf32> to vector<1000x128xf32>
    %broadcast_in_dim3A_607 = vector.broadcast %jit3A_602 : f32 to vector<1000x128xf32>
    %select_n3A_608 = arith.select %broadcast_in_dim3A_604, %broadcast_in_dim3A_606, %broadcast_in_dim3A_607 : vector<1000x128xi1>, vector<1000x128xf32>
    %add3A_609 = arith.addf %add3A_597, %select_n3A_608 : vector<1000x128xf32>
    %get3A_610 = arith.constant 0 : index
    %get3A_611 = arith.constant 0 : index
    %get3A_612 = vector.load %arg7[%get3A_610, %get3A_611] : memref<1536x128xf32, #tpu.memory_space<vmem>>, vector<1536x128xf32>
    %dot_general3A_613 = arith.constant dense<0.000000e+00> : vector<1000x128xf32>
    %dot_general3A_614 = tpu.matmul %concatenate3A_574, %get3A_612, %dot_general3A_613 {dimension_numbers = #tpu.dot_dimension_numbers<[1], [0], [0], [1], [0, 0, 1, 1], [], []>, transpose_lhs_hint = false} : vector<1000x1536xf32>, vector<1536x128xf32>, vector<1000x128xf32> -> vector<1000x128xf32>
    %add3A_615 = arith.addf %dot_general3A_614, %add3A_609 : vector<1000x128xf32>
    %max3A_616 = arith.constant 0.000000e+00 : f32
    %max3A_617 = vector.broadcast %max3A_616 : f32 to vector<1000x128xf32>
    %max3A_618 = arith.maximumf %add3A_615, %max3A_617 : vector<1000x128xf32>
    %swap3A = arith.constant 0 : index
    %swap3A_619 = arith.constant 0 : index
    %swap3A_620 = vector.load %arg9[%swap3A, %swap3A_619] : memref<1000x128xf32, #tpu.memory_space<vmem>>, vector<1000x128xf32>
    tpu.vector_store %arg9[%swap3A, %swap3A_619], %max3A_618 {strides = array<i32>} : memref<1000x128xf32, #tpu.memory_space<vmem>>, vector<1000x128xf32>,
    return
  }
  func.func @transform_0(%arg0: i32) -> (i32, i32) {
    %c0_i32 = arith.constant 0 : i32
    %c0_i32_0 = arith.constant 0 : i32
    return %arg0, %c0_i32 : i32, i32
  }
  func.func @transform_1(%arg0: i32) -> (i32, i32, i32, i32) {
    %c0_i32 = arith.constant 0 : i32
    %c0_i32_0 = arith.constant 0 : i32
    %c0_i32_1 = arith.constant 0 : i32
    %c0_i32_2 = arith.constant 0 : i32
    return %c0_i32, %c0_i32_0, %arg0, %c0_i32_1 : i32, i32, i32, i32
  }
  func.func @transform_2(%arg0: i32) -> (i32, i32) {
    %c0_i32 = arith.constant 0 : i32
    %c0_i32_0 = arith.constant 0 : i32
    return %arg0, %c0_i32 : i32, i32
  }
  func.func @transform_3(%arg0: i32) -> (i32, i32, i32) {
    %c0_i32 = arith.constant 0 : i32
    %c0_i32_0 = arith.constant 0 : i32
    %c0_i32_1 = arith.constant 0 : i32
    %c0_i32_2 = arith.constant 0 : i32
    return %c0_i32, %c0_i32_0, %c0_i32_1 : i32, i32, i32
  }
  func.func @transform_4(%arg0: i32) -> (i32, i32, i32) {
    %c0_i32 = arith.constant 0 : i32
    %c0_i32_0 = arith.constant 0 : i32
    %c0_i32_1 = arith.constant 0 : i32
    %c0_i32_2 = arith.constant 0 : i32
    return %c0_i32, %c0_i32_0, %c0_i32_1 : i32, i32, i32
  }
  func.func @transform_5(%arg0: i32) -> (i32, i32) {
    %c0_i32 = arith.constant 0 : i32
    %c0_i32_0 = arith.constant 0 : i32
    %c0_i32_1 = arith.constant 0 : i32
    return %c0_i32, %c0_i32_0 : i32, i32
  }
  func.func @transform_6(%arg0: i32) -> (i32, i32) {
    %c0_i32 = arith.constant 0 : i32
    %c0_i32_0 = arith.constant 0 : i32
    %c0_i32_1 = arith.constant 0 : i32
    return %c0_i32, %c0_i32_0 : i32, i32
  }
  func.func @transform_7(%arg0: i32) -> (i32, i32) {
    %c0_i32 = arith.constant 0 : i32
    %c0_i32_0 = arith.constant 0 : i32
    %c0_i32_1 = arith.constant 0 : i32
    return %c0_i32, %c0_i32_0 : i32, i32
  }
  func.func @transform_8(%arg0: i32) -> (i32, i32) {
    %c0_i32 = arith.constant 0 : i32
    %c0_i32_0 = arith.constant 0 : i32
    return %arg0, %c0_i32 : i32, i32
  }
}

</mosaic_0001>

<sc_bundles>
// kernel: kernel.4.cloned.1.call-start
scs
__scs_entry_jumppad:
0x0: {  	(pc) =	sbr.rel $0x88, $3  }
0x1: {  	(tag) =	ssettag $0x0;
	lr =	simm.s32 $0x1  }
0x2: {  	[smem:$0x3F8A] =	sst lr;
	_ =	strace $0xD0000000  }
0x3: {  	_ = 	snop  }
0x4: {  	_ = 	snop  }
0x5: {  	_ = 	snop  }
0x6: {  	_ = 	snop  }
0x7: {  	_ = 	snop  }
__scs_overlays_trampoline_lowered:
0x8: {  	[smem:$0x3F99] =	sst s0  }
0x9: {  	[smem:$0x3F9A] =	sst s1  }
0xa: {  	[smem:$0x3F9B] =	sst s2  }
0xb: {  	[smem:$0x3F9C] =	sst s3  }
0xc: {  	[smem:$0x3F9D] =	sst s4  }
0xd: {  	[smem:$0x3F9E] =	sst s5  }
0xe: {  	[smem:$0x3F9F] =	sst s6  }
0xf: {  	[smem:$0x3FA0] =	sst s7  }
0x10: {  	[smem:$0x3FA1] =	sst s8  }
0x11: {  	[smem:$0x3FA2] =	sst s9;
	s0 =	simm.s32 @!p0 $0x0  }
0x12: {  	s1 =	sld [smem:$0x3F88];
	s0 =	simm.s32 @p0 $0x1  }
0x13: {  	[smem:$0x3FA3] =	sst s0;
	s0 =	simm.s32 @!p1 $0x0  }
0x14: {  	s2 =	sld [smem:$0x3F87];
	s0 =	simm.s32 @p1 $0x1  }
0x15: {  	[smem:$0x3FA4] =	sst s0;
	s0 =	simm.s32 @!p2 $0x0  }
0x16: {  	s3 =	sld [smem:$0x3FDB];
	s0 =	simm.s32 @p2 $0x1  }
0x17: {  	s4 =	simm.s32 $0x1BF5;
	[smem:$0x3FA6] =	sst s0  }
0x18: {  	s0 =	sld [smem:$0x3F89];
	_ =	swait.ge [sflag:s4], $0x0  }
0x19: {  	s7 =	sld [smem:$0x3F8A]  }
0x1a: {  	s8 =	sadd.s32 $0xFFFFE003, lr  }
0x1b: {  	s9 =	sadd.s32 $0xFFFFFEF7, lr;
	s5 =	simm.s32 $0xFFFFFFFF;
	p2 =	slt.u32 s8, $0xFFFFF086  }
0x1c: {  	p1 =	slt.u32 s9, $0xF7A;
	s5 =	simm.s32 @!p2 $0x0  }
0x1d: {  	s5 =	simm.s32 @p1 $0x1;
	p0 =	seq.s32 s7, s2  }
0x1e: {  	s7 =	smul.u32 @!p0 $0xF7A, s2;
	p2 =	seq.s32 @!p0 s5, $0x0  }
0x1f: {  	s9 =	smul.u32 $0xF7A, s1;
	s8 =	simm.s32 @!p0 $0x1BF5;
	p2 =	por !p2, p0  }
0x20: {  	[sflag:s8] =	ssyncset.s32 @!p0 $0xFFFFF086;
	s6 =	sadd.s32 @!p0 s3, s7;
	s7 =	simm.s32 @!p0 $0x108  }
0x21: {  	s3 =	sadd.s32 s3, s9;
	s6 =	sadd.s32 @!p0 $0x88, s6;
	s7 =	simm.s32 @p2 $0x1082  }
0x22: {  	[simem:s7], [sflag:s8] =	dma.local @!p0 [hbm:s6], $0xF7A  }
0x23: {  	s9 =	sor.u32 $0xD0000000, s2;
	s6 =	simm.s32 $0x108;
	_ =	swait.ge @!p0 [sflag:s8], $0x0  }
0x24: {  	s3 =	sadd.s32 $0x88, s3;
	s6 =	simm.s32 @!p1 $0x1082;
	[sflag:s4] =	ssyncset.s32 $0xFFFFF086  }
0x25: {  	[simem:s6], [sflag:s4] =	dma.local [hbm:s3], $0xF7A  }
0x26: {  	[smem:$0x3F8A] =	sst s1;
	(tag) =	ssettag s2;
	_ =	strace s9  }
0x27: {  	s1 =	sld [smem:$0x3F9A]  }
0x28: {  	s2 =	sld [smem:$0x3F9B]  }
0x29: {  	s4 =	sld [smem:$0x3F9D]  }
0x2a: {  	p0 =	seq.s32 s5, $0x0;
	s5 =	sld [smem:$0x3F9E]  }
0x2b: {  	s6 =	sld [smem:$0x3F9F]  }
0x2c: {  	s7 =	sld [smem:$0x3FA0]  }
0x2d: {  	s3 =	simm.s32 $0x108;
	s8 =	sld [smem:$0x3FA1]  }
0x2e: {  	s3 =	simm.s32 @!p0 $0x1082;
	s9 =	sld [smem:$0x3FA2]  }
0x2f: {  	lr =	sadd.s32 s0, s3;
	s0 =	sld [smem:$0x3F99]  }
0x30: {  	s3 =	sld [smem:$0x3F9C]  }
0x31: {  	[smem:$0x3FA5] =	sst s10  }
0x32: {  	s10 =	sld [smem:$0x3FA3];
	_ =	sdelay $0x3  }
0x33: {  	p0 =	seq.s32 s10, $0x1;
	s10 =	sld [smem:$0x3FA5];
	_ =	sdelay $0x3  }
0x34: {  	[smem:$0x3FA5] =	sst s10  }
0x35: {  	s10 =	sld [smem:$0x3FA4];
	_ =	sdelay $0x3  }
0x36: {  	p1 =	seq.s32 s10, $0x1;
	s10 =	sld [smem:$0x3FA5];
	_ =	sdelay $0x3  }
0x37: {  	[smem:$0x3FA5] =	sst s10  }
0x38: {  	s10 =	sld [smem:$0x3FA6]  }
0x39: {  	_ = 	snop;
	(pc) =	sbr.ind lr, $3  }
0x3a: {  	_ = 	snop  }
0x3b: {  	_ = 	snop  }
0x3c: {  	p2 =	seq.s32 s10, $0x1;
	s10 =	sld [smem:$0x3FA5]  }
0x3d: {  	_ =	shalt  }
0x3e: {  	_ =	shalt  }
0x3f: {  	_ =	shalt  }
0x40: {  	_ =	shalt  }
0x41: {  	_ =	shalt  }
0x42: {  	_ =	shalt  }
0x43: {  	_ =	shalt  }
0x44: {  	_ =	shalt  }
0x45: {  	_ =	shalt  }
0x46: {  	_ =	shalt  }
0x47: {  	_ =	shalt  }
0x48: {  	_ =	shalt  }
0x49: {  	_ =	shalt  }
0x4a: {  	_ =	shalt  }
0x4b: {  	_ =	shalt  }
0x4c: {  	_ =	shalt  }
0x4d: {  	_ =	shalt  }
0x4e: {  	_ =	shalt  }
0x4f: {  	_ =	shalt  }
0x50: {  	_ =	shalt  }
0x51: {  	_ =	shalt  }
0x52: {  	_ =	shalt  }
0x53: {  	_ =	shalt  }
0x54: {  	_ =	shalt  }
0x55: {  	_ =	shalt  }
0x56: {  	_ =	shalt  }
0x57: {  	_ =	shalt  }
0x58: {  	_ =	shalt  }
0x59: {  	_ =	shalt  }
0x5a: {  	_ =	shalt  }
0x5b: {  	_ =	shalt  }
0x5c: {  	_ =	shalt  }
0x5d: {  	_ =	shalt  }
0x5e: {  	_ =	shalt  }
0x5f: {  	_ =	shalt  }
0x60: {  	_ =	shalt  }
0x61: {  	_ =	shalt  }
0x62: {  	_ =	shalt  }
0x63: {  	_ =	shalt  }
0x64: {  	_ =	shalt  }
0x65: {  	_ =	shalt  }
0x66: {  	_ =	shalt  }
0x67: {  	_ =	shalt  }
0x68: {  	_ =	shalt  }
0x69: {  	_ =	shalt  }
0x6a: {  	_ =	shalt  }
0x6b: {  	_ =	shalt  }
0x6c: {  	_ =	shalt  }
0x6d: {  	_ =	shalt  }
0x6e: {  	_ =	shalt  }
0x6f: {  	_ =	shalt  }
0x70: {  	_ =	shalt  }
0x71: {  	_ =	shalt  }
0x72: {  	_ =	shalt  }
0x73: {  	_ =	shalt  }
0x74: {  	_ =	shalt  }
0x75: {  	_ =	shalt  }
0x76: {  	_ =	shalt  }
0x77: {  	_ =	shalt  }
0x78: {  	_ =	shalt  }
0x79: {  	_ =	shalt  }
0x7a: {  	_ =	shalt  }
0x7b: {  	_ =	shalt  }
0x7c: {  	_ =	shalt  }
0x7d: {  	_ =	shalt  }
0x7e: {  	_ =	shalt  }
0x7f: {  	_ =	shalt  }
0x80: {  	_ =	shalt  }
0x81: {  	_ =	shalt  }
0x82: {  	_ =	shalt  }
0x83: {  	_ =	shalt  }
0x84: {  	_ =	shalt  }
0x85: {  	_ =	shalt  }
0x86: {  	_ =	shalt  }
0x87: {  	_ =	shalt  }
.Lfunc_end0:
.L_simem_size_0:
called_computation_lowered:
.L_overlay_start_0:
0x88: {  	s2 =	sld [smem:$0x3FD9]  }
0x89: {  	s3 =	sld [smem:$0x3FFE];
	_ =	sdelay $0x1  }
0x8a: {  	s1 =	srdreg.scid  }
0x8b: {  	s0 =	sand.u32 $0x1, s1  }
0x8c: {  	s17 =	sshll.u32 s0, $0xA;
	s2 =	sadd.s32 s3, s2  }
0x8d: {  	s2 =	sadd.s32 s2, s17  }
0x8e: {  	[smem:$0x3FB1] =	sst s2  }
0x8f: {  	_ = 	snop  }
0x90: {  	s2 =	sld [smem:$0x3FC9]  }
0x91: {  	s18 =	sld [smem:$0x3FD0];
	(tm) =	ssettm $0x1  }
0x92: {  	s4 =	sld [smem:$0x3FFB];
	_ =	sdelay $0x3  }
0x93: {  	_ =	strace s4  }
0x94: {  	s4 =	sld [smem:$0x3FFC];
	_ =	sdelay $0x3  }
0x95: {  	_ =	strace s4  }
0x96: {  	s4 =	sld [smem:$0x3FFD];
	_ =	sdelay $0x3  }
0x97: {  	_ =	strace s4  }
0x98: {  	_ =	strace $0x8FFFFFFF  }
0x99: {  	s19 =	sld [smem:$0x3FDB];
	_ =	sdelay $0x1  }
0x9a: {  	s5 =	simm.s32 $_scs_section_size  }
0x9b: {  	s6 =	simm.s32 $_size__tile_overlayer_lowered;
	s7 =	simm.s32 $_tile_overlayer_lowered  }
0x9c: {  	s22 =	simm.s32 $0x1BFF;
	s21 =	sshll.u32 s7, $0x1;
	s4 =	sadd.s32 s5, s19  }
0x9d: {  	s8 =	simm.s32 $0x0;
	s20 =	sshll.u32 s6, $0x1;
	s6 =	sadd.s32 s21, s4  }
0x9e: {  	[timem:s8], [sflag:s22] =	dma.local [hbm:s6], s20  }
0x9f: {  	_ =	swait.ge [sflag:s22], s20  }
0xa0: {  	s5 =	ssub.s32 $0x0, s20;
	[sflag:s22] =	ssyncset.done $0x0  }
0xa1: {  	[sflag:s22] =	ssyncadd.s32 s5;
	_ =	sdelay $0x1  }
0xa2: {  	s23 =	simm.s32 $0x1B8B  }
0xa3: {  	_ =	swait.ge [sflag:s23], $0x1  }
0xa4: {  	[sflag:s23] =	ssyncset.done $0x0  }
0xa5: {  	s25 =	simm.s32 $0x1B8E;
	s24 =	sld [smem:$0x3FFE];
	[sflag:s23] =	ssyncadd.s32 $0xFFFFFFFF  }
0xa6: {  	s26 =	simm.s32 $execute0_lowered;
	[smem:$0x3FD2] =	sst s25  }
0xa7: {  	s6 =	sshll.u32 s26, $0x1;
	_ =	strace $0x80000046;
	[dreg:$0x1] =	wrdreg $0xFFFFFFFF  }
0xa8: {  	s28 =	simm.s32 $_size_execute0_lowered;
	s4 =	sadd.s32 s4, s6;
	[dreg:$0x0] =	wrdreg $0x0  }
0xa9: {  	s6 =	sshll.u32 s28, $0x1;
	[dreg:$0x2] =	wrdreg s4  }
0xaa: {  	[dreg:$0x3] =	wrdreg s6  }
0xab: {  	[dreg:$0x4] =	wrdreg $0xC0  }
0xac: {  	_ =	task [dreg:s8], $0x5FFFF  }
0xad: {  	[dreg:$0x1] =	wrdreg $0xFFFFFFFF  }
0xae: {  	[dreg:$0x0] =	wrdreg $0x60  }
0xaf: {  	[dreg:$0x2] =	wrdreg s2  }
0xb0: {  	[dreg:$0x3] =	wrdreg s18  }
0xb1: {  	[dreg:$0x4] =	wrdreg s24  }
0xb2: {  	[dreg:$0x5] =	wrdreg $0x0  }
0xb3: {  	[dreg:$0x6] =	wrdreg $0x9  }
0xb4: {  	_ =	task.clear_ibuf [dreg:s8], $0x7FFFF;
	_ =	strace $0x90000046  }
0xb5: {  	s29 =	simm.s32 $0x9;
	_ =	strace $0x80000048  }
0xb6: {  	_ =	swait.ge [sflag:s29], $0x1  }
0xb7: {  	[sflag:s29] =	ssyncadd.s32 $0xFFFFFFFF  }
0xb8: {  	_ =	strace $0x90000048  }
0xb9: {  	_ =	sfence  }
0xba: {  	s30 =	sld [smem:$0x0];
	_ =	sdelay $0x2  }
0xbb: {  	s31 =	sshll.u32 s1, $0xD;
	s1 =	sshrl.u32 s1, $0x2  }
0xbc: {  	s3 =	sand.u32 $0x4000, s31;
	s1 =	sadd.s32 s1, s30  }
0xbd: {  	s0 =	sor.u32 s3, s0;
	s1 =	sshll.u32 s1, $0x11  }
0xbe: {  	s0 =	sor.u32 s1, s0  }
0xbf: {  	s0 =	sadd.s32 $0x8F2B, s0  }
0xc0: {  	[sflag:s0] =	ssyncadd.remote.s32 $0x1  }
0xc1: {  	_ =	sfence.sel $0xFFFF  }
0xc2: {  	[dreg:$0x0] =	wrdreg $0xFFFFFFFF;
	(pc) =	sbr.abs _section_cstart, $3  }
0xc3: {  	[dreg:$0x1] =	wrdreg $0xFFFFFFFF  }
0xc4: {  	_ =	task.clear_ibuf [dreg:s8], $0x2FFFF;
	_ =	strace $0x9FFFFFFF  }
0xc5: {  	(tm) =	ssettm $0x7FFFFFFF  }
tec
execute0_lowered:
.L_overlay_start_1:
0x0: {  	(tag) =	ssettag $0x1  }
0x1: {  	s0 =	srdreg.scid;
	s5 =	rddreg [dreg:$0x1]  }
0x2: {  	s12 =	stileid.u32;
	s6 =	rddreg [dreg:$0x2];
	s0 =	sand.u32 $0x1, s0  }
0x3: {  	s31 =	rddreg [dreg:$0x0];
	s2 =	smul.u32 $0x278, s12;
	s1 =	sshll.u32 s0, $0x4  }
0x4: {  	s4 =	sadd.s32 $0x3600, s6;
	s3 =	smul.u32 $0x9E00, s0;
	s9 =	sor.u32 s12, s1  }
0x5: {  	s7 =	ssub.s32 $0x2, s0;
	s1 =	simm.s32 $0x0;
	s10 =	smul.u32 $0xA00, s9  }
0x6: {  	s16 =	smul.u32 $0xA00, s12;
	s11 =	sshrl.u32 s7, $0x1;
	[smem:$0x7FF] =	sst s1  }
0x7: {  	s8 =	sadd.s32 s2, s3;
	s9 =	smul.u32 $0x1400, s9;
	s17 =	sshrl.u32 s10, $0x3  }
0x8: {  	s7 =	ssub.s32 s7, s11;
	s11 =	smul.u32 $0xA000, s0;
	s18 =	sadd.s32 s5, s17  }
0x9: {  	s19 =	sadd.s32 s4, s17;
	s20 =	sor.u32 $0x10, s17;
	[dreg:$0x5] =	wrdreg s18  }
0xa: {  	s0 =	smul.u32 $0x14000, s0;
	[dreg:$0x6] =	wrdreg s19;
	s21 =	sadd.s32 s5, s20  }
0xb: {  	s22 =	sadd.s32 $0x2800, s17;
	s3 =	sadd.s32 s4, s20;
	[dreg:$0x7] =	wrdreg s21  }
0xc: {  	s8 =	sshll.u32 s8, $0x4;
	s23 =	sadd.s32 s5, s22;
	[dreg:$0x8] =	wrdreg s3  }
0xd: {  	s2 =	sadd.s32 $0x2810, s17;
	s24 =	sadd.s32 s4, s22;
	[dreg:$0x9] =	wrdreg s23  }
0xe: {  	s26 =	sshrl.u32 s9, $0x3;
	s25 =	sadd.s32 s5, s2;
	[dreg:$0xa] =	wrdreg s24  }
0xf: {  	s9 =	sadd.s32 $0x5000, s26;
	s2 =	sadd.s32 s4, s2;
	[dreg:$0xb] =	wrdreg s25  }
0x10: {  	s15 =	sadd.s32 $0x5010, s26;
	s14 =	sadd.s32 s5, s9;
	[dreg:$0xc] =	wrdreg s2  }
0x11: {  	s8 =	sadd.s32 s8, s6;
	s17 =	sadd.s32 s5, s15;
	[dreg:$0xd] =	wrdreg s14  }
0x12: {  	s6 =	sadd.s32 $0x12600, s6;
	s18 =	sadd.s32 s4, s15;
	[dreg:$0xf] =	wrdreg s17  }
0x13: {  	s19 =	sadd.s32 $0xA000, s26;
	s2 =	sadd.s32 s4, s9;
	[dreg:$0x10] =	wrdreg s18  }
0x14: {  	s20 =	smul.u32 $0x1400, s12;
	s13 =	sadd.s32 s5, s19;
	[dreg:$0xe] =	wrdreg s2  }
0x15: {  	s21 =	sadd.s32 s16, s11;
	s3 =	sadd.s32 $0xA010, s26;
	[dreg:$0x11] =	wrdreg s13  }
0x16: {  	s2 =	sadd.s32 s4, s19;
	s9 =	sor.u32 $0x180, s21;
	s0 =	sadd.s32 s20, s0  }
0x17: {  	s22 =	sadd.s32 s5, s3;
	s23 =	sor.u32 $0x100, s21;
	[dreg:$0x12] =	wrdreg s2  }
0x18: {  	s3 =	sadd.s32 s4, s3;
	s26 =	sadd.s32 $0x14180, s21;
	[dreg:$0x13] =	wrdreg s22  }
0x19: {  	s9 =	sshrl.u32 s9, $0x3;
	[dreg:$0x14] =	wrdreg s3;
	s24 =	sshrl.u32 s23, $0x3  }
0x1a: {  	s2 =	sadd.s32 $0x14100, s21;
	s10 =	sadd.s32 $0x28180, s0;
	s14 =	sadd.s32 $0x28100, s0  }
0x1b: {  	s15 =	sadd.s32 $0x50180, s0;
	s17 =	sadd.s32 $0x50100, s0;
	s3 =	rddreg [dreg:$0x3]  }
0x1c: {  	s21 =	smul.u32 $0x4F000, s12;
	s19 =	sadd.s32 s9, s4;
	s20 =	sadd.s32 s9, s5  }
0x1d: {  	s25 =	sadd.s32 s24, s4;
	s22 =	sadd.s32 s24, s5;
	s9 =	sshrl.u32 s26, $0x3  }
0x1e: {  	s2 =	sshrl.u32 s2, $0x3;
	s11 =	sshrl.u32 s10, $0x3;
	s16 =	sshrl.u32 s15, $0x3  }
0x1f: {  	s18 =	sshrl.u32 s17, $0x3;
	s15 =	sadd.s32 $0x3C600, s8;
	s17 =	sadd.s32 $0x8B600, s8  }
0x20: {  	[dreg:$0x17] =	wrdreg s25;
	s23 =	sadd.s32 s9, s4;
	s13 =	sadd.s32 s2, s4  }
0x21: {  	s25 =	sadd.s32 s2, s5;
	s26 =	sadd.s32 s11, s4;
	s28 =	sadd.s32 s11, s5  }
0x22: {  	s2 =	sshrl.u32 s14, $0x3;
	s11 =	sshrl.u32 s21, $0x2;
	[dreg:$0x1b] =	wrdreg s13  }
0x23: {  	s13 =	sadd.s32 s11, s3;
	_ =	strace $0x80000047;
	[dreg:$0x1c] =	wrdreg s6  }
0x24: {  	s0 =	sadd.s32 s16, s4;
	s14 =	sadd.s32 $0x14E00, s8;
	[dreg:$0x1d] =	wrdreg s13  }
0x25: {  	s29 =	sadd.s32 s2, s4;
	s30 =	sadd.s32 s2, s5;
	[dreg:$0x1f] =	wrdreg s14  }
0x26: {  	s2 =	sadd.s32 s16, s5;
	s16 =	sadd.s32 $0x63E00, s8;
	[smem:$0x7F9] =	sst s15  }
0x27: {  	s24 =	sadd.s32 s9, s5;
	s4 =	sadd.s32 s18, s4;
	[smem:$0x7FA] =	sst s16  }
0x28: {  	s5 =	sadd.s32 s18, s5;
	s18 =	smax.u32 s7, $0x1;
	[smem:$0x7FB] =	sst s17  }
0x29: {  	s12 =	sshll.u32 s12, $0x6;
	[smem:$0x7FC] =	sst s18  }
0x2a: {  	s10 =	simm.s32 $0x13D80;
	s21 =	sor.u32 $0x1C05, s12;
	[dreg:$0x15] =	wrdreg s19  }
0x2b: {  	s9 =	simm.s32 $0x13C80;
	s12 =	simm.s32 $0x17E00;
	[dreg:$0x16] =	wrdreg s20  }
0x2c: {  	s7 =	simm.s32 $0x13E00;
	s11 =	simm.s32 $0x2;
	[dreg:$0x18] =	wrdreg s22  }
0x2d: {  	s8 =	simm.s32 $0x1;
	s14 =	simm.s32 $0x5;
	[dreg:$0x19] =	wrdreg s23  }
0x2e: {  	s15 =	simm.s32 $0x13C00;
	s16 =	simm.s32 $0x13D00;
	[dreg:$0x1a] =	wrdreg s24  }
0x2f: {  	s17 =	simm.s32 $0x80;
	s18 =	simm.s32 $0x0;
	[dreg:$0x1e] =	wrdreg s21  }
0x30: {  	s13 =	simm.s32 $0x3;
	s6 =	simm.s32 $0x4;
	[smem:$0x7FD] =	sst s18  }
.LBB2_1:
0x31: {  	s18 =	rddreg [dreg:$0x1d]  }
0x32: {  	s24 =	rddreg [dreg:$0x1c];
	s23 =	sshrl.u32 s18, $0x3  }
0x33: {  	[smem:$0x7F8] =	sst s23  }
0x34: {  	[spmem:s23], [sflag:s21] =	dma.local [hbm:s24], $0x2780  }
0x35: {  	_ =	swait.ge [sflag:s14], $0x2780  }
0x36: {  	[sflag:s14] =	ssyncset.done $0x0  }
0x37: {  	[sflag:s14] =	ssyncadd.s32 $0xFFFFD880  }
0x38: {  	[bflag:$0x0] =	sbarrier.arrive $0xFFFF  }
0x39: {  	s23 =	rddreg [dreg:$0x5]  }
0x3a: {  	[tilespmem:s15], [sflag:$0x5] =	stream.linear.gather [hbm4b:s23+s1], $0x80, $0x38;
	[tilespmem:$0x1BE00] =	vst v63  }
0x3b: {  	_ =	swait.ge [sflag:s14], $0x80  }
0x3c: {  	[sflag:s14] =	ssyncset.done $0x0  }
0x3d: {  	s24 =	rddreg [dreg:$0x6];
	[sflag:s14] =	ssyncadd.s32 $0xFFFFFF80  }
0x3e: {  	[tilespmem:s16], [sflag:$0x5] =	stream.linear.gather [hbm4b:s24+s1], $0x80, $0x38;
	[tilespmem:$0x1BE00] =	vst v63  }
0x3f: {  	_ =	swait.ge [sflag:s14], $0x80  }
0x40: {  	[sflag:s14] =	ssyncset.done $0x0  }
0x41: {  	[sflag:s14] =	ssyncadd.s32 $0xFFFFFF80  }
0x42: {  	[tilespmem:s7], [sflag:$0x3] =	stream.indirect.gather [hbm4b:s31+s17], $0x80, s15, s17, $0xb8;
	[tilespmem:$0x1BE00] =	vst v63  }
0x43: {  	s21 =	rddreg [dreg:$0x7]  }
0x44: {  	[tilespmem:s9], [sflag:$0x2] =	stream.linear.gather [hbm4b:s21+s1], $0x80, $0x38;
	[tilespmem:$0x1BE00] =	vst v63  }
0x45: {  	s23 =	rddreg [dreg:$0x8]  }
0x46: {  	[tilespmem:s10], [sflag:$0x2] =	stream.linear.gather [hbm4b:s23+s1], $0x80, $0x38;
	[tilespmem:$0x1BE00] =	vst v63  }
0x47: {  	_ =	swait.ge [sflag:s11], $0x80  }
0x48: {  	[sflag:s11] =	ssyncset.done $0x0  }
0x49: {  	[sflag:s11] =	ssyncadd.s32 $0xFFFFFF80  }
0x4a: {  	_ =	swait.ge [sflag:s11], $0x80  }
0x4b: {  	[sflag:s11] =	ssyncset.done $0x0  }
0x4c: {  	[sflag:s11] =	ssyncadd.s32 $0xFFFFFF80  }
0x4d: {  	[tilespmem:s12], [sflag:$0x4] =	stream.indirect.gather [hbm4b:s31+s17], $0x80, s9, s17, $0xb8;
	[tilespmem:$0x1BE00] =	vst v63  }
0x4e: {  	_ =	swait.ge [sflag:s13], $0x4000  }
0x4f: {  	[sflag:s13] =	ssyncset.done $0x0  }
0x50: {  	[sflag:s13] =	ssyncadd.s32 $0xFFFFC000  }
0x51: {  	[spmem:s3] =	stream.indirect.scatter.add.f32 [tilespmem:s7], [sflag:$0x5], $0x80, s16, s17, $0xb8;
	[tilespmem:$0x1BE00] =	vst v63  }
0x52: {  	_ =	swait.ge [sflag:s14], $0x4000  }
0x53: {  	[sflag:s14] =	ssyncset.done $0x0  }
0x54: {  	s24 =	sadd.s32 $0x0, s22;
	s23 =	rddreg [dreg:$0x17];
	[sflag:s14] =	ssyncadd.s32 $0xFFFFC000  }
0x55: {  	[tilespmem:s15], [sflag:$0x1] =	stream.linear.gather [hbm4b:s24+s1], $0x80, $0x38;
	[tilespmem:$0x1BE00] =	vst v63  }
0x56: {  	s21 =	sadd.s32 $0x0, s23  }
0x57: {  	[tilespmem:s16], [sflag:$0x1] =	stream.linear.gather [hbm4b:s21+s1], $0x80, $0x38;
	[tilespmem:$0x1BE00] =	vst v63  }
0x58: {  	_ =	swait.ge [sflag:s6], $0x4000  }
0x59: {  	[sflag:s6] =	ssyncset.done $0x0  }
0x5a: {  	[sflag:s6] =	ssyncadd.s32 $0xFFFFC000  }
0x5b: {  	[spmem:s3] =	stream.indirect.scatter.add.f32 [tilespmem:s12], [sflag:$0x5], $0x80, s10, s17, $0xb8;
	[tilespmem:$0x1BE00] =	vst v63  }
0x5c: {  	_ =	swait.ge [sflag:s14], $0x4000  }
0x5d: {  	[sflag:s14] =	ssyncset.done $0x0  }
0x5e: {  	[sflag:s14] =	ssyncadd.s32 $0xFFFFC000  }
0x5f: {  	_ =	swait.ge [sflag:s8], $0x80  }
0x60: {  	[sflag:s8] =	ssyncset.done $0x0  }
0x61: {  	[sflag:s8] =	ssyncadd.s32 $0xFFFFFF80  }
0x62: {  	_ =	swait.ge [sflag:s8], $0x80  }
0x63: {  	[sflag:s8] =	ssyncset.done $0x0  }
0x64: {  	[sflag:s8] =	ssyncadd.s32 $0xFFFFFF80  }
0x65: {  	[tilespmem:s7], [sflag:$0x3] =	stream.indirect.gather [hbm4b:s31+s17], $0x80, s15, s17, $0xb8;
	[tilespmem:$0x1BE00] =	vst v63  }
0x66: {  	s18 =	simm.s32 $0x20;
	s24 =	sadd.s32 $0x0, s20;
	s21 =	smov.u32 s19  }
0x67: {  	[tilespmem:s9], [sflag:$0x2] =	stream.linear.gather [hbm4b:s24+s1], $0x80, $0x38;
	[tilespmem:$0x1BE00] =	vst v63  }
0x68: {  	s19 =	sadd.s32 $0x0, s19;
	s24 =	smov.u32 s22;
	s22 =	smov.u32 s20  }
.LBB2_2:
0x69: {  	[tilespmem:s10], [sflag:$0x2] =	stream.linear.gather [hbm4b:s19+s1], $0x80, $0x38;
	[tilespmem:$0x1BE00] =	vst v63  }
0x6a: {  	s19 =	smov.u32 s18  }
0x6b: {  	p0 =	sne.s32 s18, $0x100;
	s18 =	sadd.s32 $0x20, s18;
	_ =	swait.ge [sflag:s11], $0x80  }
0x6c: {  	[sflag:s11] =	ssyncset.done $0x0  }
0x6d: {  	[sflag:s11] =	ssyncadd.s32 $0xFFFFFF80  }
0x6e: {  	_ =	swait.ge [sflag:s11], $0x80  }
0x6f: {  	[sflag:s11] =	ssyncset.done $0x0  }
0x70: {  	[sflag:s11] =	ssyncadd.s32 $0xFFFFFF80  }
0x71: {  	[tilespmem:s12], [sflag:$0x4] =	stream.indirect.gather [hbm4b:s31+s17], $0x80, s9, s17, $0xb8;
	[tilespmem:$0x1BE00] =	vst v63  }
0x72: {  	_ =	swait.ge [sflag:s13], $0x4000  }
0x73: {  	[sflag:s13] =	ssyncset.done $0x0  }
0x74: {  	[sflag:s13] =	ssyncadd.s32 $0xFFFFC000  }
0x75: {  	[spmem:s3] =	stream.indirect.scatter.add.f32 [tilespmem:s7], [sflag:$0x5], $0x80, s16, s17, $0xb8;
	[tilespmem:$0x1BE00] =	vst v63  }
0x76: {  	_ =	swait.ge [sflag:s14], $0x4000  }
0x77: {  	[sflag:s14] =	ssyncset.done $0x0  }
0x78: {  	s20 =	sadd.s32 s19, s24;
	[sflag:s14] =	ssyncadd.s32 $0xFFFFC000  }
0x79: {  	[tilespmem:s15], [sflag:$0x1] =	stream.linear.gather [hbm4b:s20+s1], $0x80, $0x38;
	[tilespmem:$0x1BE00] =	vst v63  }
0x7a: {  	s20 =	sadd.s32 s19, s23  }
0x7b: {  	[tilespmem:s16], [sflag:$0x1] =	stream.linear.gather [hbm4b:s20+s1], $0x80, $0x38;
	[tilespmem:$0x1BE00] =	vst v63  }
0x7c: {  	_ =	swait.ge [sflag:s6], $0x4000  }
0x7d: {  	[sflag:s6] =	ssyncset.done $0x0  }
0x7e: {  	[sflag:s6] =	ssyncadd.s32 $0xFFFFC000  }
0x7f: {  	[spmem:s3] =	stream.indirect.scatter.add.f32 [tilespmem:s12], [sflag:$0x5], $0x80, s10, s17, $0xb8;
	[tilespmem:$0x1BE00] =	vst v63  }
0x80: {  	_ =	swait.ge [sflag:s14], $0x4000  }
0x81: {  	[sflag:s14] =	ssyncset.done $0x0  }
0x82: {  	[sflag:s14] =	ssyncadd.s32 $0xFFFFC000  }
0x83: {  	_ =	swait.ge [sflag:s8], $0x80  }
0x84: {  	[sflag:s8] =	ssyncset.done $0x0  }
0x85: {  	[sflag:s8] =	ssyncadd.s32 $0xFFFFFF80  }
0x86: {  	_ =	swait.ge [sflag:s8], $0x80  }
0x87: {  	[sflag:s8] =	ssyncset.done $0x0  }
.Ltmp0:
0x88: {  	[sflag:s8] =	ssyncadd.s32 $0xFFFFFF80;
	(pc) =	sbr.rel @p0 .LBB2_2-.Ltmp0, $4  }
0x89: {  	[tilespmem:s7], [sflag:$0x3] =	stream.indirect.gather [hbm4b:s31+s17], $0x80, s15, s17, $0xb8;
	[tilespmem:$0x1BE00] =	vst v63  }
0x8a: {  	s20 =	sadd.s32 s19, s22  }
0x8b: {  	[tilespmem:s9], [sflag:$0x2] =	stream.linear.gather [hbm4b:s20+s1], $0x80, $0x38;
	[tilespmem:$0x1BE00] =	vst v63  }
0x8c: {  	s19 =	sadd.s32 s19, s21  }
0x8d: {  	[tilespmem:s10], [sflag:$0x2] =	stream.linear.gather [hbm4b:s19+s1], $0x80, $0x38;
	[tilespmem:$0x1BE00] =	vst v63  }
0x8e: {  	_ =	swait.ge [sflag:s11], $0x80  }
0x8f: {  	[sflag:s11] =	ssyncset.done $0x0  }
0x90: {  	[sflag:s11] =	ssyncadd.s32 $0xFFFFFF80  }
0x91: {  	_ =	swait.ge [sflag:s11], $0x80  }
0x92: {  	[sflag:s11] =	ssyncset.done $0x0  }
0x93: {  	[sflag:s11] =	ssyncadd.s32 $0xFFFFFF80  }
0x94: {  	[tilespmem:s12], [sflag:$0x4] =	stream.indirect.gather [hbm4b:s31+s17], $0x80, s9, s17, $0xb8;
	[tilespmem:$0x1BE00] =	vst v63  }
0x95: {  	_ =	swait.ge [sflag:s13], $0x4000  }
0x96: {  	[sflag:s13] =	ssyncset.done $0x0  }
0x97: {  	[sflag:s13] =	ssyncadd.s32 $0xFFFFC000  }
0x98: {  	[spmem:s3] =	stream.indirect.scatter.add.f32 [tilespmem:s7], [sflag:$0x5], $0x80, s16, s17, $0xb8;
	[tilespmem:$0x1BE00] =	vst v63  }
0x99: {  	_ =	swait.ge [sflag:s14], $0x4000  }
0x9a: {  	[sflag:s14] =	ssyncset.done $0x0  }
0x9b: {  	[sflag:s14] =	ssyncadd.s32 $0xFFFFC000  }
0x9c: {  	_ =	swait.ge [sflag:s6], $0x4000  }
0x9d: {  	[sflag:s6] =	ssyncset.done $0x0  }
0x9e: {  	[sflag:s6] =	ssyncadd.s32 $0xFFFFC000  }
0x9f: {  	[spmem:s3] =	stream.indirect.scatter.add.f32 [tilespmem:s12], [sflag:$0x5], $0x80, s10, s17, $0xb8;
	[tilespmem:$0x1BE00] =	vst v63  }
0xa0: {  	_ =	swait.ge [sflag:s14], $0x4000  }
0xa1: {  	[sflag:s14] =	ssyncset.done $0x0  }
0xa2: {  	[sflag:s14] =	ssyncadd.s32 $0xFFFFC000  }
0xa3: {  	[bflag:$0x0] =	sbarrier.arrive $0xFFFF  }
0xa4: {  	s23 =	sld [smem:$0x7F8]  }
0xa5: {  	s22 =	rddreg [dreg:$0x1e]  }
0xa6: {  	s18 =	rddreg [dreg:$0x1f]  }
0xa7: {  	[hbm:s18], [sflag:s22] =	dma.local [spmem:s23], $0x2780  }
0xa8: {  	_ =	swait.ge [sflag:s14], $0x2780  }
0xa9: {  	[sflag:s14] =	ssyncset.done $0x0  }
0xaa: {  	s24 =	rddreg [dreg:$0x1c];
	[sflag:s14] =	ssyncadd.s32 $0xFFFFD880  }
0xab: {  	[spmem:s23], [sflag:s22] =	dma.local [hbm:s24], $0x2780  }
0xac: {  	_ =	swait.ge [sflag:s14], $0x2780  }
0xad: {  	[sflag:s14] =	ssyncset.done $0x0  }
0xae: {  	[sflag:s14] =	ssyncadd.s32 $0xFFFFD880  }
0xaf: {  	[bflag:$0x0] =	sbarrier.arrive $0xFFFF  }
0xb0: {  	s18 =	simm.s32 $0x0;
	s20 =	rddreg [dreg:$0x9]  }
0xb1: {  	[tilespmem:s15], [sflag:$0x5] =	stream.linear.gather [hbm4b:s20+s18], $0x80, $0x38;
	[tilespmem:$0x1BE00] =	vst v63  }
0xb2: {  	_ =	swait.ge [sflag:s14], $0x80  }
0xb3: {  	[sflag:s14] =	ssyncset.done $0x0  }
0xb4: {  	s21 =	rddreg [dreg:$0xa];
	[sflag:s14] =	ssyncadd.s32 $0xFFFFFF80  }
0xb5: {  	[tilespmem:s16], [sflag:$0x5] =	stream.linear.gather [hbm4b:s21+s18], $0x80, $0x38;
	[tilespmem:$0x1BE00] =	vst v63  }
0xb6: {  	_ =	swait.ge [sflag:s14], $0x80  }
0xb7: {  	[sflag:s14] =	ssyncset.done $0x0  }
0xb8: {  	[sflag:s14] =	ssyncadd.s32 $0xFFFFFF80  }
0xb9: {  	[tilespmem:s7], [sflag:$0x3] =	stream.indirect.gather [hbm4b:s31+s17], $0x80, s15, s17, $0xb8;
	[tilespmem:$0x1BE00] =	vst v63  }
0xba: {  	s23 =	rddreg [dreg:$0xb]  }
0xbb: {  	[tilespmem:s9], [sflag:$0x2] =	stream.linear.gather [hbm4b:s23+s18], $0x80, $0x38;
	[tilespmem:$0x1BE00] =	vst v63  }
0xbc: {  	s24 =	rddreg [dreg:$0xc]  }
0xbd: {  	[tilespmem:s10], [sflag:$0x2] =	stream.linear.gather [hbm4b:s24+s18], $0x80, $0x38;
	[tilespmem:$0x1BE00] =	vst v63  }
0xbe: {  	_ =	swait.ge [sflag:s11], $0x80  }
0xbf: {  	[sflag:s11] =	ssyncset.done $0x0  }
0xc0: {  	[sflag:s11] =	ssyncadd.s32 $0xFFFFFF80  }
0xc1: {  	_ =	swait.ge [sflag:s11], $0x80  }
0xc2: {  	[sflag:s11] =	ssyncset.done $0x0  }
0xc3: {  	[sflag:s11] =	ssyncadd.s32 $0xFFFFFF80  }
0xc4: {  	[tilespmem:s12], [sflag:$0x4] =	stream.indirect.gather [hbm4b:s31+s17], $0x80, s9, s17, $0xb8;
	[tilespmem:$0x1BE00] =	vst v63  }
0xc5: {  	_ =	swait.ge [sflag:s13], $0x4000  }
0xc6: {  	[sflag:s13] =	ssyncset.done $0x0  }
0xc7: {  	[sflag:s13] =	ssyncadd.s32 $0xFFFFC000  }
0xc8: {  	[spmem:s3] =	stream.indirect.scatter.add.f32 [tilespmem:s7], [sflag:$0x5], $0x80, s16, s17, $0xb8;
	[tilespmem:$0x1BE00] =	vst v63  }
0xc9: {  	_ =	swait.ge [sflag:s14], $0x4000  }
0xca: {  	[sflag:s14] =	ssyncset.done $0x0  }
0xcb: {  	s19 =	sadd.s32 $0x0, s25;
	s21 =	rddreg [dreg:$0x1b];
	[sflag:s14] =	ssyncadd.s32 $0xFFFFC000  }
0xcc: {  	[tilespmem:s15], [sflag:$0x1] =	stream.linear.gather [hbm4b:s19+s1], $0x80, $0x38;
	[tilespmem:$0x1BE00] =	vst v63  }
0xcd: {  	s20 =	sadd.s32 $0x0, s21  }
0xce: {  	[tilespmem:s16], [sflag:$0x1] =	stream.linear.gather [hbm4b:s20+s1], $0x80, $0x38;
	[tilespmem:$0x1BE00] =	vst v63  }
0xcf: {  	_ =	swait.ge [sflag:s6], $0x4000  }
0xd0: {  	[sflag:s6] =	ssyncset.done $0x0  }
0xd1: {  	[sflag:s6] =	ssyncadd.s32 $0xFFFFC000  }
0xd2: {  	[spmem:s3] =	stream.indirect.scatter.add.f32 [tilespmem:s12], [sflag:$0x5], $0x80, s10, s17, $0xb8;
	[tilespmem:$0x1BE00] =	vst v63  }
0xd3: {  	_ =	swait.ge [sflag:s14], $0x4000  }
0xd4: {  	[sflag:s14] =	ssyncset.done $0x0  }
0xd5: {  	[sflag:s14] =	ssyncadd.s32 $0xFFFFC000  }
0xd6: {  	_ =	swait.ge [sflag:s8], $0x80  }
0xd7: {  	[sflag:s8] =	ssyncset.done $0x0  }
0xd8: {  	[sflag:s8] =	ssyncadd.s32 $0xFFFFFF80  }
0xd9: {  	_ =	swait.ge [sflag:s8], $0x80  }
0xda: {  	[sflag:s8] =	ssyncset.done $0x0  }
0xdb: {  	s24 =	rddreg [dreg:$0x1a];
	[sflag:s8] =	ssyncadd.s32 $0xFFFFFF80  }
0xdc: {  	[tilespmem:s7], [sflag:$0x3] =	stream.indirect.gather [hbm4b:s31+s17], $0x80, s15, s17, $0xb8;
	[tilespmem:$0x1BE00] =	vst v63  }
0xdd: {  	s23 =	sadd.s32 $0x0, s24  }
0xde: {  	[tilespmem:s9], [sflag:$0x2] =	stream.linear.gather [hbm4b:s23+s1], $0x80, $0x38;
	[tilespmem:$0x1BE00] =	vst v63  }
0xdf: {  	s23 =	rddreg [dreg:$0x19]  }
0xe0: {  	s18 =	simm.s32 $0x20;
	s19 =	sadd.s32 $0x0, s23  }
.LBB2_4:
0xe1: {  	[tilespmem:s10], [sflag:$0x2] =	stream.linear.gather [hbm4b:s19+s1], $0x80, $0x38;
	[tilespmem:$0x1BE00] =	vst v63  }
0xe2: {  	s19 =	smov.u32 s18  }
0xe3: {  	p0 =	sne.s32 s18, $0x100;
	s18 =	sadd.s32 $0x20, s18;
	_ =	swait.ge [sflag:s11], $0x80  }
0xe4: {  	[sflag:s11] =	ssyncset.done $0x0  }
0xe5: {  	[sflag:s11] =	ssyncadd.s32 $0xFFFFFF80  }
0xe6: {  	_ =	swait.ge [sflag:s11], $0x80  }
0xe7: {  	[sflag:s11] =	ssyncset.done $0x0  }
0xe8: {  	[sflag:s11] =	ssyncadd.s32 $0xFFFFFF80  }
0xe9: {  	[tilespmem:s12], [sflag:$0x4] =	stream.indirect.gather [hbm4b:s31+s17], $0x80, s9, s17, $0xb8;
	[tilespmem:$0x1BE00] =	vst v63  }
0xea: {  	_ =	swait.ge [sflag:s13], $0x4000  }
0xeb: {  	[sflag:s13] =	ssyncset.done $0x0  }
0xec: {  	[sflag:s13] =	ssyncadd.s32 $0xFFFFC000  }
0xed: {  	[spmem:s3] =	stream.indirect.scatter.add.f32 [tilespmem:s7], [sflag:$0x5], $0x80, s16, s17, $0xb8;
	[tilespmem:$0x1BE00] =	vst v63  }
0xee: {  	_ =	swait.ge [sflag:s14], $0x4000  }
0xef: {  	[sflag:s14] =	ssyncset.done $0x0  }
0xf0: {  	s20 =	sadd.s32 s19, s25;
	[sflag:s14] =	ssyncadd.s32 $0xFFFFC000  }
0xf1: {  	[tilespmem:s15], [sflag:$0x1] =	stream.linear.gather [hbm4b:s20+s1], $0x80, $0x38;
	[tilespmem:$0x1BE00] =	vst v63  }
0xf2: {  	s20 =	sadd.s32 s19, s21  }
0xf3: {  	[tilespmem:s16], [sflag:$0x1] =	stream.linear.gather [hbm4b:s20+s1], $0x80, $0x38;
	[tilespmem:$0x1BE00] =	vst v63  }
0xf4: {  	_ =	swait.ge [sflag:s6], $0x4000  }
0xf5: {  	[sflag:s6] =	ssyncset.done $0x0  }
0xf6: {  	[sflag:s6] =	ssyncadd.s32 $0xFFFFC000  }
0xf7: {  	[spmem:s3] =	stream.indirect.scatter.add.f32 [tilespmem:s12], [sflag:$0x5], $0x80, s10, s17, $0xb8;
	[tilespmem:$0x1BE00] =	vst v63  }
0xf8: {  	_ =	swait.ge [sflag:s14], $0x4000  }
0xf9: {  	[sflag:s14] =	ssyncset.done $0x0  }
0xfa: {  	[sflag:s14] =	ssyncadd.s32 $0xFFFFC000  }
0xfb: {  	_ =	swait.ge [sflag:s8], $0x80  }
0xfc: {  	[sflag:s8] =	ssyncset.done $0x0  }
0xfd: {  	[sflag:s8] =	ssyncadd.s32 $0xFFFFFF80  }
0xfe: {  	_ =	swait.ge [sflag:s8], $0x80  }
0xff: {  	[sflag:s8] =	ssyncset.done $0x0  }
.Ltmp1:
0x100: {  	[sflag:s8] =	ssyncadd.s32 $0xFFFFFF80;
	(pc) =	sbr.rel @p0 .LBB2_4-.Ltmp1, $4  }
0x101: {  	[tilespmem:s7], [sflag:$0x3] =	stream.indirect.gather [hbm4b:s31+s17], $0x80, s15, s17, $0xb8;
	[tilespmem:$0x1BE00] =	vst v63  }
0x102: {  	s20 =	sadd.s32 s19, s24  }
0x103: {  	[tilespmem:s9], [sflag:$0x2] =	stream.linear.gather [hbm4b:s20+s1], $0x80, $0x38;
	[tilespmem:$0x1BE00] =	vst v63  }
0x104: {  	s19 =	sadd.s32 s19, s23  }
0x105: {  	[tilespmem:s10], [sflag:$0x2] =	stream.linear.gather [hbm4b:s19+s1], $0x80, $0x38;
	[tilespmem:$0x1BE00] =	vst v63  }
0x106: {  	_ =	swait.ge [sflag:s11], $0x80  }
0x107: {  	[sflag:s11] =	ssyncset.done $0x0  }
0x108: {  	[sflag:s11] =	ssyncadd.s32 $0xFFFFFF80  }
0x109: {  	_ =	swait.ge [sflag:s11], $0x80  }
0x10a: {  	[sflag:s11] =	ssyncset.done $0x0  }
0x10b: {  	[sflag:s11] =	ssyncadd.s32 $0xFFFFFF80  }
0x10c: {  	[tilespmem:s12], [sflag:$0x4] =	stream.indirect.gather [hbm4b:s31+s17], $0x80, s9, s17, $0xb8;
	[tilespmem:$0x1BE00] =	vst v63  }
0x10d: {  	_ =	swait.ge [sflag:s13], $0x4000  }
0x10e: {  	[sflag:s13] =	ssyncset.done $0x0  }
0x10f: {  	[sflag:s13] =	ssyncadd.s32 $0xFFFFC000  }
0x110: {  	[spmem:s3] =	stream.indirect.scatter.add.f32 [tilespmem:s7], [sflag:$0x5], $0x80, s16, s17, $0xb8;
	[tilespmem:$0x1BE00] =	vst v63  }
0x111: {  	_ =	swait.ge [sflag:s14], $0x4000  }
0x112: {  	[sflag:s14] =	ssyncset.done $0x0  }
0x113: {  	[sflag:s14] =	ssyncadd.s32 $0xFFFFC000  }
0x114: {  	_ =	swait.ge [sflag:s6], $0x4000  }
0x115: {  	[sflag:s6] =	ssyncset.done $0x0  }
0x116: {  	[sflag:s6] =	ssyncadd.s32 $0xFFFFC000  }
0x117: {  	[spmem:s3] =	stream.indirect.scatter.add.f32 [tilespmem:s12], [sflag:$0x5], $0x80, s10, s17, $0xb8;
	[tilespmem:$0x1BE00] =	vst v63  }
0x118: {  	_ =	swait.ge [sflag:s14], $0x4000  }
0x119: {  	[sflag:s14] =	ssyncset.done $0x0  }
0x11a: {  	[sflag:s14] =	ssyncadd.s32 $0xFFFFC000  }
0x11b: {  	[bflag:$0x0] =	sbarrier.arrive $0xFFFF  }
0x11c: {  	s18 =	sld [smem:$0x7F9]  }
0x11d: {  	s20 =	sld [smem:$0x7F8];
	_ =	sdelay $0x2  }
0x11e: {  	[hbm:s18], [sflag:s22] =	dma.local [spmem:s20], $0x2780  }
0x11f: {  	_ =	swait.ge [sflag:s14], $0x2780  }
0x120: {  	[sflag:s14] =	ssyncset.done $0x0  }
0x121: {  	s21 =	rddreg [dreg:$0x1c];
	[sflag:s14] =	ssyncadd.s32 $0xFFFFD880  }
0x122: {  	[spmem:s20], [sflag:s22] =	dma.local [hbm:s21], $0x2780  }
0x123: {  	_ =	swait.ge [sflag:s14], $0x2780  }
0x124: {  	[sflag:s14] =	ssyncset.done $0x0  }
0x125: {  	[sflag:s14] =	ssyncadd.s32 $0xFFFFD880  }
0x126: {  	[bflag:$0x0] =	sbarrier.arrive $0xFFFF  }
0x127: {  	s22 =	simm.s32 $0x0;
	s23 =	rddreg [dreg:$0xd]  }
0x128: {  	[tilespmem:s15], [sflag:$0x5] =	stream.linear.gather [hbm4b:s23+s22], $0x80, $0x38;
	[tilespmem:$0x1BE00] =	vst v63  }
0x129: {  	_ =	swait.ge [sflag:s14], $0x80  }
0x12a: {  	[sflag:s14] =	ssyncset.done $0x0  }
0x12b: {  	s24 =	rddreg [dreg:$0xe];
	[sflag:s14] =	ssyncadd.s32 $0xFFFFFF80  }
0x12c: {  	[tilespmem:s16], [sflag:$0x5] =	stream.linear.gather [hbm4b:s24+s22], $0x80, $0x38;
	[tilespmem:$0x1BE00] =	vst v63  }
0x12d: {  	_ =	swait.ge [sflag:s14], $0x80  }
0x12e: {  	[sflag:s14] =	ssyncset.done $0x0  }
0x12f: {  	[sflag:s14] =	ssyncadd.s32 $0xFFFFFF80  }
0x130: {  	[tilespmem:s7], [sflag:$0x3] =	stream.indirect.gather [hbm4b:s31+s17], $0x80, s15, s17, $0xb8;
	[tilespmem:$0x1BE00] =	vst v63  }
0x131: {  	s20 =	rddreg [dreg:$0xf]  }
0x132: {  	[tilespmem:s9], [sflag:$0x2] =	stream.linear.gather [hbm4b:s20+s22], $0x80, $0x38;
	[tilespmem:$0x1BE00] =	vst v63  }
0x133: {  	s21 =	rddreg [dreg:$0x10]  }
0x134: {  	[tilespmem:s10], [sflag:$0x2] =	stream.linear.gather [hbm4b:s21+s22], $0x80, $0x38;
	[tilespmem:$0x1BE00] =	vst v63  }
0x135: {  	_ =	swait.ge [sflag:s11], $0x80  }
0x136: {  	[sflag:s11] =	ssyncset.done $0x0  }
0x137: {  	[sflag:s11] =	ssyncadd.s32 $0xFFFFFF80  }
0x138: {  	_ =	swait.ge [sflag:s11], $0x80  }
0x139: {  	[sflag:s11] =	ssyncset.done $0x0  }
0x13a: {  	[sflag:s11] =	ssyncadd.s32 $0xFFFFFF80  }
0x13b: {  	[tilespmem:s12], [sflag:$0x4] =	stream.indirect.gather [hbm4b:s31+s17], $0x80, s9, s17, $0xb8;
	[tilespmem:$0x1BE00] =	vst v63  }
0x13c: {  	_ =	swait.ge [sflag:s13], $0x4000  }
0x13d: {  	[sflag:s13] =	ssyncset.done $0x0  }
0x13e: {  	[sflag:s13] =	ssyncadd.s32 $0xFFFFC000  }
0x13f: {  	[spmem:s3] =	stream.indirect.scatter.add.f32 [tilespmem:s7], [sflag:$0x5], $0x80, s16, s17, $0xb8;
	[tilespmem:$0x1BE00] =	vst v63  }
0x140: {  	_ =	swait.ge [sflag:s14], $0x4000  }
0x141: {  	[sflag:s14] =	ssyncset.done $0x0  }
0x142: {  	s22 =	sadd.s32 $0x0, s30;
	[sflag:s14] =	ssyncadd.s32 $0xFFFFC000  }
0x143: {  	[tilespmem:s15], [sflag:$0x1] =	stream.linear.gather [hbm4b:s22+s1], $0x80, $0x38;
	[tilespmem:$0x1BE00] =	vst v63  }
0x144: {  	s23 =	sadd.s32 $0x0, s29  }
0x145: {  	[tilespmem:s16], [sflag:$0x1] =	stream.linear.gather [hbm4b:s23+s1], $0x80, $0x38;
	[tilespmem:$0x1BE00] =	vst v63  }
0x146: {  	_ =	swait.ge [sflag:s6], $0x4000  }
0x147: {  	[sflag:s6] =	ssyncset.done $0x0  }
0x148: {  	[sflag:s6] =	ssyncadd.s32 $0xFFFFC000  }
0x149: {  	[spmem:s3] =	stream.indirect.scatter.add.f32 [tilespmem:s12], [sflag:$0x5], $0x80, s10, s17, $0xb8;
	[tilespmem:$0x1BE00] =	vst v63  }
0x14a: {  	_ =	swait.ge [sflag:s14], $0x4000  }
0x14b: {  	[sflag:s14] =	ssyncset.done $0x0  }
0x14c: {  	[sflag:s14] =	ssyncadd.s32 $0xFFFFC000  }
0x14d: {  	_ =	swait.ge [sflag:s8], $0x80  }
0x14e: {  	[sflag:s8] =	ssyncset.done $0x0  }
0x14f: {  	[sflag:s8] =	ssyncadd.s32 $0xFFFFFF80  }
0x150: {  	_ =	swait.ge [sflag:s8], $0x80  }
0x151: {  	[sflag:s8] =	ssyncset.done $0x0  }
0x152: {  	s19 =	sadd.s32 $0x0, s26;
	[sflag:s8] =	ssyncadd.s32 $0xFFFFFF80  }
0x153: {  	[tilespmem:s7], [sflag:$0x3] =	stream.indirect.gather [hbm4b:s31+s17], $0x80, s15, s17, $0xb8;
	[tilespmem:$0x1BE00] =	vst v63  }
0x154: {  	s18 =	simm.s32 $0x20;
	s24 =	sadd.s32 $0x0, s28;
	s22 =	rddreg [dreg:$0x18]  }
0x155: {  	[tilespmem:s9], [sflag:$0x2] =	stream.linear.gather [hbm4b:s24+s1], $0x80, $0x38;
	[tilespmem:$0x1BE00] =	vst v63  }
.LBB2_6:
0x156: {  	[tilespmem:s10], [sflag:$0x2] =	stream.linear.gather [hbm4b:s19+s1], $0x80, $0x38;
	[tilespmem:$0x1BE00] =	vst v63  }
0x157: {  	s19 =	smov.u32 s18  }
0x158: {  	p0 =	sne.s32 s18, $0x240;
	s18 =	sadd.s32 $0x20, s18;
	_ =	swait.ge [sflag:s11], $0x80  }
0x159: {  	[sflag:s11] =	ssyncset.done $0x0  }
0x15a: {  	[sflag:s11] =	ssyncadd.s32 $0xFFFFFF80  }
0x15b: {  	_ =	swait.ge [sflag:s11], $0x80  }
0x15c: {  	[sflag:s11] =	ssyncset.done $0x0  }
0x15d: {  	[sflag:s11] =	ssyncadd.s32 $0xFFFFFF80  }
0x15e: {  	[tilespmem:s12], [sflag:$0x4] =	stream.indirect.gather [hbm4b:s31+s17], $0x80, s9, s17, $0xb8;
	[tilespmem:$0x1BE00] =	vst v63  }
0x15f: {  	_ =	swait.ge [sflag:s13], $0x4000  }
0x160: {  	[sflag:s13] =	ssyncset.done $0x0  }
0x161: {  	[sflag:s13] =	ssyncadd.s32 $0xFFFFC000  }
0x162: {  	[spmem:s3] =	stream.indirect.scatter.add.f32 [tilespmem:s7], [sflag:$0x5], $0x80, s16, s17, $0xb8;
	[tilespmem:$0x1BE00] =	vst v63  }
0x163: {  	_ =	swait.ge [sflag:s14], $0x4000  }
0x164: {  	[sflag:s14] =	ssyncset.done $0x0  }
0x165: {  	s20 =	sadd.s32 s19, s30;
	[sflag:s14] =	ssyncadd.s32 $0xFFFFC000  }
0x166: {  	[tilespmem:s15], [sflag:$0x1] =	stream.linear.gather [hbm4b:s20+s1], $0x80, $0x38;
	[tilespmem:$0x1BE00] =	vst v63  }
0x167: {  	s20 =	sadd.s32 s19, s29  }
0x168: {  	[tilespmem:s16], [sflag:$0x1] =	stream.linear.gather [hbm4b:s20+s1], $0x80, $0x38;
	[tilespmem:$0x1BE00] =	vst v63  }
0x169: {  	_ =	swait.ge [sflag:s6], $0x4000  }
0x16a: {  	[sflag:s6] =	ssyncset.done $0x0  }
0x16b: {  	[sflag:s6] =	ssyncadd.s32 $0xFFFFC000  }
0x16c: {  	[spmem:s3] =	stream.indirect.scatter.add.f32 [tilespmem:s12], [sflag:$0x5], $0x80, s10, s17, $0xb8;
	[tilespmem:$0x1BE00] =	vst v63  }
0x16d: {  	_ =	swait.ge [sflag:s14], $0x4000  }
0x16e: {  	[sflag:s14] =	ssyncset.done $0x0  }
0x16f: {  	[sflag:s14] =	ssyncadd.s32 $0xFFFFC000  }
0x170: {  	_ =	swait.ge [sflag:s8], $0x80  }
0x171: {  	[sflag:s8] =	ssyncset.done $0x0  }
0x172: {  	[sflag:s8] =	ssyncadd.s32 $0xFFFFFF80  }
0x173: {  	_ =	swait.ge [sflag:s8], $0x80  }
0x174: {  	[sflag:s8] =	ssyncset.done $0x0  }
.Ltmp2:
0x175: {  	[sflag:s8] =	ssyncadd.s32 $0xFFFFFF80;
	(pc) =	sbr.rel @p0 .LBB2_6-.Ltmp2, $4  }
0x176: {  	[tilespmem:s7], [sflag:$0x3] =	stream.indirect.gather [hbm4b:s31+s17], $0x80, s15, s17, $0xb8;
	[tilespmem:$0x1BE00] =	vst v63  }
0x177: {  	s20 =	sadd.s32 s19, s28  }
0x178: {  	[tilespmem:s9], [sflag:$0x2] =	stream.linear.gather [hbm4b:s20+s1], $0x80, $0x38;
	[tilespmem:$0x1BE00] =	vst v63  }
0x179: {  	s19 =	sadd.s32 s19, s26  }
0x17a: {  	[tilespmem:s10], [sflag:$0x2] =	stream.linear.gather [hbm4b:s19+s1], $0x80, $0x38;
	[tilespmem:$0x1BE00] =	vst v63  }
0x17b: {  	_ =	swait.ge [sflag:s11], $0x80  }
0x17c: {  	[sflag:s11] =	ssyncset.done $0x0  }
0x17d: {  	[sflag:s11] =	ssyncadd.s32 $0xFFFFFF80  }
0x17e: {  	_ =	swait.ge [sflag:s11], $0x80  }
0x17f: {  	[sflag:s11] =	ssyncset.done $0x0  }
0x180: {  	[sflag:s11] =	ssyncadd.s32 $0xFFFFFF80  }
0x181: {  	[tilespmem:s12], [sflag:$0x4] =	stream.indirect.gather [hbm4b:s31+s17], $0x80, s9, s17, $0xb8;
	[tilespmem:$0x1BE00] =	vst v63  }
0x182: {  	_ =	swait.ge [sflag:s13], $0x4000  }
0x183: {  	[sflag:s13] =	ssyncset.done $0x0  }
0x184: {  	[sflag:s13] =	ssyncadd.s32 $0xFFFFC000  }
0x185: {  	[spmem:s3] =	stream.indirect.scatter.add.f32 [tilespmem:s7], [sflag:$0x5], $0x80, s16, s17, $0xb8;
	[tilespmem:$0x1BE00] =	vst v63  }
0x186: {  	_ =	swait.ge [sflag:s14], $0x4000  }
0x187: {  	[sflag:s14] =	ssyncset.done $0x0  }
0x188: {  	[sflag:s14] =	ssyncadd.s32 $0xFFFFC000  }
0x189: {  	_ =	swait.ge [sflag:s6], $0x4000  }
0x18a: {  	[sflag:s6] =	ssyncset.done $0x0  }
0x18b: {  	[sflag:s6] =	ssyncadd.s32 $0xFFFFC000  }
0x18c: {  	[spmem:s3] =	stream.indirect.scatter.add.f32 [tilespmem:s12], [sflag:$0x5], $0x80, s10, s17, $0xb8;
	[tilespmem:$0x1BE00] =	vst v63  }
0x18d: {  	_ =	swait.ge [sflag:s14], $0x4000  }
0x18e: {  	[sflag:s14] =	ssyncset.done $0x0  }
0x18f: {  	[sflag:s14] =	ssyncadd.s32 $0xFFFFC000  }
0x190: {  	[bflag:$0x0] =	sbarrier.arrive $0xFFFF  }
0x191: {  	s18 =	sld [smem:$0x7FA]  }
0x192: {  	s20 =	sld [smem:$0x7F8];
	_ =	sdelay $0x1  }
0x193: {  	s23 =	rddreg [dreg:$0x1e]  }
0x194: {  	[hbm:s18], [sflag:s23] =	dma.local [spmem:s20], $0x2780  }
0x195: {  	_ =	swait.ge [sflag:s14], $0x2780  }
0x196: {  	[sflag:s14] =	ssyncset.done $0x0  }
0x197: {  	s24 =	rddreg [dreg:$0x1c];
	[sflag:s14] =	ssyncadd.s32 $0xFFFFD880  }
0x198: {  	[spmem:s20], [sflag:s23] =	dma.local [hbm:s24], $0x2780  }
0x199: {  	_ =	swait.ge [sflag:s14], $0x2780  }
0x19a: {  	[sflag:s14] =	ssyncset.done $0x0  }
0x19b: {  	[sflag:s14] =	ssyncadd.s32 $0xFFFFD880  }
0x19c: {  	[bflag:$0x0] =	sbarrier.arrive $0xFFFF  }
0x19d: {  	s18 =	simm.s32 $0x0;
	s21 =	rddreg [dreg:$0x11]  }
0x19e: {  	[tilespmem:s15], [sflag:$0x5] =	stream.linear.gather [hbm4b:s21+s18], $0x80, $0x38;
	[tilespmem:$0x1BE00] =	vst v63  }
0x19f: {  	_ =	swait.ge [sflag:s14], $0x80  }
0x1a0: {  	[sflag:s14] =	ssyncset.done $0x0  }
0x1a1: {  	s23 =	rddreg [dreg:$0x12];
	[sflag:s14] =	ssyncadd.s32 $0xFFFFFF80  }
0x1a2: {  	[tilespmem:s16], [sflag:$0x5] =	stream.linear.gather [hbm4b:s23+s18], $0x80, $0x38;
	[tilespmem:$0x1BE00] =	vst v63  }
0x1a3: {  	_ =	swait.ge [sflag:s14], $0x80  }
0x1a4: {  	[sflag:s14] =	ssyncset.done $0x0  }
0x1a5: {  	[sflag:s14] =	ssyncadd.s32 $0xFFFFFF80  }
0x1a6: {  	[tilespmem:s7], [sflag:$0x3] =	stream.indirect.gather [hbm4b:s31+s17], $0x80, s15, s17, $0xb8;
	[tilespmem:$0x1BE00] =	vst v63  }
0x1a7: {  	s24 =	rddreg [dreg:$0x13]  }
0x1a8: {  	[tilespmem:s9], [sflag:$0x2] =	stream.linear.gather [hbm4b:s24+s18], $0x80, $0x38;
	[tilespmem:$0x1BE00] =	vst v63  }
0x1a9: {  	s20 =	rddreg [dreg:$0x14]  }
0x1aa: {  	[tilespmem:s10], [sflag:$0x2] =	stream.linear.gather [hbm4b:s20+s18], $0x80, $0x38;
	[tilespmem:$0x1BE00] =	vst v63  }
0x1ab: {  	_ =	swait.ge [sflag:s11], $0x80  }
0x1ac: {  	[sflag:s11] =	ssyncset.done $0x0  }
0x1ad: {  	[sflag:s11] =	ssyncadd.s32 $0xFFFFFF80  }
0x1ae: {  	_ =	swait.ge [sflag:s11], $0x80  }
0x1af: {  	[sflag:s11] =	ssyncset.done $0x0  }
0x1b0: {  	[sflag:s11] =	ssyncadd.s32 $0xFFFFFF80  }
0x1b1: {  	[tilespmem:s12], [sflag:$0x4] =	stream.indirect.gather [hbm4b:s31+s17], $0x80, s9, s17, $0xb8;
	[tilespmem:$0x1BE00] =	vst v63  }
0x1b2: {  	_ =	swait.ge [sflag:s13], $0x4000  }
0x1b3: {  	[sflag:s13] =	ssyncset.done $0x0  }
0x1b4: {  	[sflag:s13] =	ssyncadd.s32 $0xFFFFC000  }
0x1b5: {  	[spmem:s3] =	stream.indirect.scatter.add.f32 [tilespmem:s7], [sflag:$0x5], $0x80, s16, s17, $0xb8;
	[tilespmem:$0x1BE00] =	vst v63  }
0x1b6: {  	_ =	swait.ge [sflag:s14], $0x4000  }
0x1b7: {  	[sflag:s14] =	ssyncset.done $0x0  }
0x1b8: {  	s21 =	sadd.s32 $0x0, s5;
	[sflag:s14] =	ssyncadd.s32 $0xFFFFC000  }
0x1b9: {  	[tilespmem:s15], [sflag:$0x1] =	stream.linear.gather [hbm4b:s21+s1], $0x80, $0x38;
	[tilespmem:$0x1BE00] =	vst v63  }
0x1ba: {  	s23 =	sadd.s32 $0x0, s4  }
0x1bb: {  	[tilespmem:s16], [sflag:$0x1] =	stream.linear.gather [hbm4b:s23+s1], $0x80, $0x38;
	[tilespmem:$0x1BE00] =	vst v63  }
0x1bc: {  	_ =	swait.ge [sflag:s6], $0x4000  }
0x1bd: {  	[sflag:s6] =	ssyncset.done $0x0  }
0x1be: {  	[sflag:s6] =	ssyncadd.s32 $0xFFFFC000  }
0x1bf: {  	[spmem:s3] =	stream.indirect.scatter.add.f32 [tilespmem:s12], [sflag:$0x5], $0x80, s10, s17, $0xb8;
	[tilespmem:$0x1BE00] =	vst v63  }
0x1c0: {  	_ =	swait.ge [sflag:s14], $0x4000  }
0x1c1: {  	[sflag:s14] =	ssyncset.done $0x0  }
0x1c2: {  	[sflag:s14] =	ssyncadd.s32 $0xFFFFC000  }
0x1c3: {  	_ =	swait.ge [sflag:s8], $0x80  }
0x1c4: {  	[sflag:s8] =	ssyncset.done $0x0  }
0x1c5: {  	[sflag:s8] =	ssyncadd.s32 $0xFFFFFF80  }
0x1c6: {  	_ =	swait.ge [sflag:s8], $0x80  }
0x1c7: {  	[sflag:s8] =	ssyncset.done $0x0  }
0x1c8: {  	[sflag:s8] =	ssyncadd.s32 $0xFFFFFF80  }
0x1c9: {  	[tilespmem:s7], [sflag:$0x3] =	stream.indirect.gather [hbm4b:s31+s17], $0x80, s15, s17, $0xb8;
	[tilespmem:$0x1BE00] =	vst v63  }
0x1ca: {  	s19 =	sadd.s32 $0x0, s0;
	s24 =	sadd.s32 $0x0, s2;
	s18 =	simm.s32 $0x20  }
0x1cb: {  	[tilespmem:s9], [sflag:$0x2] =	stream.linear.gather [hbm4b:s24+s1], $0x80, $0x38;
	[tilespmem:$0x1BE00] =	vst v63  }
.LBB2_8:
0x1cc: {  	[tilespmem:s10], [sflag:$0x2] =	stream.linear.gather [hbm4b:s19+s1], $0x80, $0x38;
	[tilespmem:$0x1BE00] =	vst v63  }
0x1cd: {  	s19 =	smov.u32 s18  }
0x1ce: {  	p0 =	sne.s32 s18, $0x240;
	s18 =	sadd.s32 $0x20, s18;
	_ =	swait.ge [sflag:s11], $0x80  }
0x1cf: {  	[sflag:s11] =	ssyncset.done $0x0  }
0x1d0: {  	[sflag:s11] =	ssyncadd.s32 $0xFFFFFF80  }
0x1d1: {  	_ =	swait.ge [sflag:s11], $0x80  }
0x1d2: {  	[sflag:s11] =	ssyncset.done $0x0  }
0x1d3: {  	[sflag:s11] =	ssyncadd.s32 $0xFFFFFF80  }
0x1d4: {  	[tilespmem:s12], [sflag:$0x4] =	stream.indirect.gather [hbm4b:s31+s17], $0x80, s9, s17, $0xb8;
	[tilespmem:$0x1BE00] =	vst v63  }
0x1d5: {  	_ =	swait.ge [sflag:s13], $0x4000  }
0x1d6: {  	[sflag:s13] =	ssyncset.done $0x0  }
0x1d7: {  	[sflag:s13] =	ssyncadd.s32 $0xFFFFC000  }
0x1d8: {  	[spmem:s3] =	stream.indirect.scatter.add.f32 [tilespmem:s7], [sflag:$0x5], $0x80, s16, s17, $0xb8;
	[tilespmem:$0x1BE00] =	vst v63  }
0x1d9: {  	_ =	swait.ge [sflag:s14], $0x4000  }
0x1da: {  	[sflag:s14] =	ssyncset.done $0x0  }
0x1db: {  	s20 =	sadd.s32 s19, s5;
	[sflag:s14] =	ssyncadd.s32 $0xFFFFC000  }
0x1dc: {  	[tilespmem:s15], [sflag:$0x1] =	stream.linear.gather [hbm4b:s20+s1], $0x80, $0x38;
	[tilespmem:$0x1BE00] =	vst v63  }
0x1dd: {  	s20 =	sadd.s32 s19, s4  }
0x1de: {  	[tilespmem:s16], [sflag:$0x1] =	stream.linear.gather [hbm4b:s20+s1], $0x80, $0x38;
	[tilespmem:$0x1BE00] =	vst v63  }
0x1df: {  	_ =	swait.ge [sflag:s6], $0x4000  }
0x1e0: {  	[sflag:s6] =	ssyncset.done $0x0  }
0x1e1: {  	[sflag:s6] =	ssyncadd.s32 $0xFFFFC000  }
0x1e2: {  	[spmem:s3] =	stream.indirect.scatter.add.f32 [tilespmem:s12], [sflag:$0x5], $0x80, s10, s17, $0xb8;
	[tilespmem:$0x1BE00] =	vst v63  }
0x1e3: {  	_ =	swait.ge [sflag:s14], $0x4000  }
0x1e4: {  	[sflag:s14] =	ssyncset.done $0x0  }
0x1e5: {  	[sflag:s14] =	ssyncadd.s32 $0xFFFFC000  }
0x1e6: {  	_ =	swait.ge [sflag:s8], $0x80  }
0x1e7: {  	[sflag:s8] =	ssyncset.done $0x0  }
0x1e8: {  	[sflag:s8] =	ssyncadd.s32 $0xFFFFFF80  }
0x1e9: {  	_ =	swait.ge [sflag:s8], $0x80  }
0x1ea: {  	[sflag:s8] =	ssyncset.done $0x0  }
.Ltmp3:
0x1eb: {  	[sflag:s8] =	ssyncadd.s32 $0xFFFFFF80;
	(pc) =	sbr.rel @p0 .LBB2_8-.Ltmp3, $4  }
0x1ec: {  	[tilespmem:s7], [sflag:$0x3] =	stream.indirect.gather [hbm4b:s31+s17], $0x80, s15, s17, $0xb8;
	[tilespmem:$0x1BE00] =	vst v63  }
0x1ed: {  	s20 =	sadd.s32 s19, s2  }
0x1ee: {  	[tilespmem:s9], [sflag:$0x2] =	stream.linear.gather [hbm4b:s20+s1], $0x80, $0x38;
	[tilespmem:$0x1BE00] =	vst v63  }
0x1ef: {  	s19 =	sadd.s32 s19, s0  }
0x1f0: {  	[tilespmem:s10], [sflag:$0x2] =	stream.linear.gather [hbm4b:s19+s1], $0x80, $0x38;
	[tilespmem:$0x1BE00] =	vst v63  }
0x1f1: {  	_ =	swait.ge [sflag:s11], $0x80  }
0x1f2: {  	[sflag:s11] =	ssyncset.done $0x0  }
0x1f3: {  	[sflag:s11] =	ssyncadd.s32 $0xFFFFFF80  }
0x1f4: {  	_ =	swait.ge [sflag:s11], $0x80  }
0x1f5: {  	[sflag:s11] =	ssyncset.done $0x0  }
0x1f6: {  	[sflag:s11] =	ssyncadd.s32 $0xFFFFFF80  }
0x1f7: {  	[tilespmem:s12], [sflag:$0x4] =	stream.indirect.gather [hbm4b:s31+s17], $0x80, s9, s17, $0xb8;
	[tilespmem:$0x1BE00] =	vst v63  }
0x1f8: {  	_ =	swait.ge [sflag:s13], $0x4000  }
0x1f9: {  	[sflag:s13] =	ssyncset.done $0x0  }
0x1fa: {  	[sflag:s13] =	ssyncadd.s32 $0xFFFFC000  }
0x1fb: {  	[spmem:s3] =	stream.indirect.scatter.add.f32 [tilespmem:s7], [sflag:$0x5], $0x80, s16, s17, $0xb8;
	[tilespmem:$0x1BE00] =	vst v63  }
0x1fc: {  	_ =	swait.ge [sflag:s14], $0x4000  }
0x1fd: {  	[sflag:s14] =	ssyncset.done $0x0  }
0x1fe: {  	[sflag:s14] =	ssyncadd.s32 $0xFFFFC000  }
0x1ff: {  	_ =	swait.ge [sflag:s6], $0x4000  }
0x200: {  	[sflag:s6] =	ssyncset.done $0x0  }
0x201: {  	[sflag:s6] =	ssyncadd.s32 $0xFFFFC000  }
0x202: {  	[spmem:s3] =	stream.indirect.scatter.add.f32 [tilespmem:s12], [sflag:$0x5], $0x80, s10, s17, $0xb8;
	[tilespmem:$0x1BE00] =	vst v63  }
0x203: {  	_ =	swait.ge [sflag:s14], $0x4000  }
0x204: {  	[sflag:s14] =	ssyncset.done $0x0  }
0x205: {  	[sflag:s14] =	ssyncadd.s32 $0xFFFFC000  }
0x206: {  	[bflag:$0x0] =	sbarrier.arrive $0xFFFF  }
0x207: {  	s18 =	sld [smem:$0x7FB]  }
0x208: {  	s20 =	sld [smem:$0x7F8];
	_ =	sdelay $0x1  }
0x209: {  	s21 =	rddreg [dreg:$0x1e]  }
0x20a: {  	[hbm:s18], [sflag:s21] =	dma.local [spmem:s20], $0x2780  }
0x20b: {  	_ =	swait.ge [sflag:s14], $0x2780  }
0x20c: {  	s23 =	sld [smem:$0x7FD]  }
0x20d: {  	s24 =	sld [smem:$0x7FC];
	_ =	sdelay $0x1  }
0x20e: {  	s19 =	sadd.s32 $0x1, s23  }
0x20f: {  	p0 =	sne.s32 s19, s24  }
.Ltmp4:
0x210: {  	_ = 	snop;
	(pc) =	sbr.rel @p0 .LBB2_1-.Ltmp4, $4  }
0x211: {  	_ = 	snop  }
0x212: {  	s20 =	rddreg [dreg:$0x16]  }
0x213: {  	[sflag:s14] =	ssyncset.done $0x0;
	[smem:$0x7FD] =	sst s19  }
0x214: {  	[sflag:s14] =	ssyncadd.s32 $0xFFFFD880;
	s19 =	rddreg [dreg:$0x15]  }
0x215: {  	_ =	sfence.sel $0x180000  }
0x216: {  	[bflag:$0x0] =	sbarrier.arrive $0xFFFF  }
0x217: {  	_ =	strace $0x90000047  }
0x218: {  	s0 =	stileid.u32;
	[bflag:$0x2] =	sbarrier.arrive $0xFFFF  }
0x219: {  	p0 =	sne.s32 s0, $0x0;
	s0 =	rddreg [dreg:$0x4]  }
0x21a: {  	s0 =	sadd.s32 @!p0 $0x100000, s0  }
0x21b: {  	[sflag:s0] =	ssyncadd.tile.s32 @!p0 $0x1;
	_ =	shalt  }
.Lfunc_end2:
_tile_overlayer_lowered:
.L_overlay_start_2:
0x21c: {  	(tag) =	ssettag $0x2  }
0x21d: {  	s0 =	rddreg [dreg:$0x0];
	s2 =	stileid.u32  }
0x21e: {  	s1 =	rddreg [dreg:$0x1];
	p0 =	sne.s32 s2, $0x0  }
0x21f: {  	s3 =	rddreg [dreg:$0x2];
	[bflag:$0x3] =	sbarrier.arrive $0xFFFF;
	s2 =	simm.s32 @!p0 $0x1C05  }
0x220: {  	[timem:s3], [sflag:s2] =	dma.local @!p0 [hbm:s0], s1  }
0x221: {  	s0 =	simm.s32 @!p0 $0x5  }
0x222: {  	_ =	swait.ge @!p0 [sflag:s0], s1  }
0x223: {  	s1 =	ssub.s32 @!p0 $0x0, s1;
	[sflag:s0] =	ssyncset.done @!p0 $0x0  }
0x224: {  	[sflag:s0] =	ssyncadd.s32 @!p0 s1  }
0x225: {  	[bflag:$0x3] =	sbarrier.arrive $0xFFFF  }
0x226: {  	_ =	shalt  }

</sc_bundles>
